<compile_context>
chip_gen: v7x
topology: tpu7x:2x2x1
jax: 0.10.2.dev20260603
libtpu: 0.0.44.dev20260713+nightly
codegen_flags: <defaults>
</compile_context>

<pallas_src>
import functools

import jax
import jax.numpy as jnp
from jax import lax
from jax.experimental import pallas as pl
from jax.experimental.pallas import tpu as pltpu
from jax.experimental.pallas import tpu_sc as plsc

NC = 2
NS = 16
NW = NC * NS
CH = 128


def _split(tch):
    base = (tch // NW) // 2 * 2
    npairs = (tch - base * NW) // 2
    return base, npairs


def _worker_range(wid, base, npairs):
    t = base + 2 * (wid < npairs).astype(jnp.int32)
    start = base * wid + 2 * jnp.minimum(wid, npairs)
    return start, t


@functools.lru_cache(maxsize=None)
def _make_deg_kernel(tch, npad):
    base, npairs = _split(tch)
    mb = base + 2
    rpt = npad // NS
    mesh = plsc.VectorSubcoreMesh(core_axis_name="c", subcore_axis_name="s",
                                  num_cores=NC, num_subcores=NS)

    @functools.partial(
        pl.kernel,
        out_type=jax.ShapeDtypeStruct((NC, npad), jnp.float32),
        mesh=mesh,
        compiler_params=pltpu.CompilerParams(use_tc_tiling_on_sc=False),
        scratch_types=[
            pltpu.VMEM((mb, CH), jnp.int32),
            pltpu.VMEM((CH,), jnp.float32),
            pltpu.VMEM((rpt,), jnp.float32),
            pltpu.VMEM_SHARED((npad,), jnp.float32),
        ],
    )
    def deg_kernel(dst_hbm, out_hbm, dst_v, ones_v, z_v, acc_sh):
        cid = lax.axis_index("c")
        sid = lax.axis_index("s")
        wid = cid * NS + sid
        start, t = _worker_range(wid, base, npairs)
        pltpu.sync_copy(dst_hbm.at[pl.ds(start, base)],
                        dst_v.at[pl.ds(0, base)])
        st2 = jnp.minimum(start + base, tch - 2)
        pltpu.sync_copy(dst_hbm.at[pl.ds(st2, 2)], dst_v.at[pl.ds(base, 2)])
        for i in range(CH // 16):
            ones_v[pl.ds(i * 16, 16)] = jnp.ones((16,), jnp.float32)

        def zero_body(i, c):
            z_v[pl.ds(i * 16, 16)] = jnp.zeros((16,), jnp.float32)
            return c

        lax.fori_loop(0, rpt // 16, zero_body, 0)
        pltpu.sync_copy(z_v, acc_sh.at[pl.ds(sid * rpt, rpt)])
        plsc.subcore_barrier()

        def body(j, c):
            pltpu.sync_copy(ones_v, acc_sh.at[dst_v.at[j]], add=True)
            return c

        lax.fori_loop(0, t, body, 0)
        plsc.subcore_barrier()
        pltpu.sync_copy(acc_sh.at[pl.ds(sid * rpt, rpt)],
                        out_hbm.at[cid, pl.ds(sid * rpt, rpt)])

    return deg_kernel


@functools.lru_cache(maxsize=None)
def _make_edge_kernel(tch, npad, feat, n_g):
    base, npairs = _split(tch)
    mb = base + 2
    rpt = npad // NS
    rpt_g = -(-n_g // NS) // 8 * 8 + 8
    mesh = plsc.VectorSubcoreMesh(core_axis_name="c", subcore_axis_name="s",
                                  num_cores=NC, num_subcores=NS)

    @functools.partial(
        pl.kernel,
        out_type=jax.ShapeDtypeStruct((NC, npad, feat), jnp.float32),
        mesh=mesh,
        compiler_params=pltpu.CompilerParams(use_tc_tiling_on_sc=False),
        scratch_types=[
            pltpu.VMEM((mb, CH), jnp.int32),
            pltpu.VMEM((mb, CH), jnp.int32),
            pltpu.VMEM((2, CH, feat), jnp.float32),
            pltpu.VMEM((rpt, feat), jnp.float32),
            pltpu.VMEM_SHARED((npad, feat), jnp.float32),
            pltpu.VMEM_SHARED((n_g, feat), jnp.float32),
            pltpu.SemaphoreType.DMA,
            pltpu.SemaphoreType.DMA,
            pltpu.SemaphoreType.DMA,
            pltpu.SemaphoreType.DMA,
        ],
    )
    def edge_kernel(src_hbm, dst_hbm, g_hbm, out_hbm,
                    src_v, dst_v, rows_v, z_v, acc_sh, g_sh,
                    gsem0, gsem1, ssem0, ssem1):
        cid = lax.axis_index("c")
        sid = lax.axis_index("s")
        wid = cid * NS + sid
        start, t = _worker_range(wid, base, npairs)
        pltpu.sync_copy(src_hbm.at[pl.ds(start, base)],
                        src_v.at[pl.ds(0, base)])
        pltpu.sync_copy(dst_hbm.at[pl.ds(start, base)],
                        dst_v.at[pl.ds(0, base)])
        st2 = jnp.minimum(start + base, tch - 2)
        pltpu.sync_copy(src_hbm.at[pl.ds(st2, 2)], src_v.at[pl.ds(base, 2)])
        pltpu.sync_copy(dst_hbm.at[pl.ds(st2, 2)], dst_v.at[pl.ds(base, 2)])
        gbase = jnp.minimum(sid * rpt_g, n_g - rpt_g)
        pltpu.sync_copy(g_hbm.at[pl.ds(gbase, rpt_g)],
                        g_sh.at[pl.ds(gbase, rpt_g)])

        def zero_body(i, c):
            z_v[i] = jnp.zeros((feat,), jnp.float32)
            return c

        lax.fori_loop(0, rpt, zero_body, 0)
        pltpu.sync_copy(z_v, acc_sh.at[pl.ds(sid * rpt, rpt)])
        plsc.subcore_barrier()

        pltpu.async_copy(g_sh.at[src_v.at[0]], rows_v.at[0], gsem0)
        pltpu.async_copy(g_sh.at[src_v.at[1]], rows_v.at[1], gsem1)

        def body(i, c):
            j0 = 2 * i
            j1 = j0 + 1
            pltpu.make_async_copy(g_sh.at[src_v.at[j0]],
                                  rows_v.at[0], gsem0).wait()
            pltpu.async_copy(rows_v.at[0], acc_sh.at[dst_v.at[j0]],
                             ssem0, add=True)
            pltpu.make_async_copy(g_sh.at[src_v.at[j1]],
                                  rows_v.at[1], gsem1).wait()
            pltpu.async_copy(rows_v.at[1], acc_sh.at[dst_v.at[j1]],
                             ssem1, add=True)
            pltpu.make_async_copy(rows_v.at[0], acc_sh.at[dst_v.at[j0]],
                                  ssem0).wait()
            pltpu.async_copy(g_sh.at[src_v.at[jnp.minimum(j0 + 2, t - 2)]],
                             rows_v.at[0], gsem0)
            pltpu.make_async_copy(rows_v.at[1], acc_sh.at[dst_v.at[j1]],
                                  ssem1).wait()
            pltpu.async_copy(g_sh.at[src_v.at[jnp.minimum(j1 + 2, t - 1)]],
                             rows_v.at[1], gsem1)
            return c

        lax.fori_loop(0, t // 2, body, 0)
        pltpu.make_async_copy(g_sh.at[src_v.at[0]], rows_v.at[0],
                              gsem0).wait()
        pltpu.make_async_copy(g_sh.at[src_v.at[1]], rows_v.at[1],
                              gsem1).wait()
        plsc.subcore_barrier()
        pltpu.sync_copy(acc_sh.at[pl.ds(sid * rpt, rpt)],
                        out_hbm.at[cid, pl.ds(sid * rpt, rpt)])

    return edge_kernel


def _tc1_body(dp_ref, x_ref, w_ref, g_ref):
    deg = dp_ref[0] + dp_ref[1] + 1.0
    dinv = lax.rsqrt(deg)
    h = jnp.dot(x_ref[...], w_ref[...], preferred_element_type=jnp.float32)
    g_ref[...] = h * dinv


def _tc2_body(sp_ref, dp_ref, g1_ref, b1_ref, g2_ref):
    deg = dp_ref[0] + dp_ref[1] + 1.0
    dinv = lax.rsqrt(deg)
    s = sp_ref[0] + sp_ref[1] + g1_ref[...]
    h1 = jnp.maximum(s * dinv + b1_ref[...], 0.0)
    g2_ref[...] = h1 * dinv


def _tc3_body(sp_ref, dp_ref, g2_ref, w2_ref, b2_ref, o_ref):
    deg = dp_ref[0] + dp_ref[1] + 1.0
    dinv = lax.rsqrt(deg)
    s = sp_ref[0] + sp_ref[1] + g2_ref[...]
    t = jnp.dot(s * dinv, w2_ref[...], preferred_element_type=jnp.float32)
    o_ref[...] = jax.nn.sigmoid(t + b2_ref[...])


def kernel(x, edge_index, batch, W1, b1, W2, b2):
    n, f = x.shape
    h = W1.shape[1]
    e = edge_index.shape[1]
    npad = -(-(n + 1) // 256) * 256

    src = edge_index[0]
    dst = edge_index[1]
    if e % CH:
        pad = CH - e % CH
        src = jnp.concatenate([src, jnp.zeros((pad,), jnp.int32)])
        dst = jnp.concatenate([dst, jnp.full((pad,), n, jnp.int32)])
    tch = src.shape[0] // CH
    src2 = src.reshape(tch, CH)
    dst2 = dst.reshape(tch, CH)

    deg_k = _make_deg_kernel(tch, npad)
    edge_k = _make_edge_kernel(tch, npad, h, n)

    degp = deg_k(dst2)
    dp = degp.reshape(NC, npad, 1)

    blk = 2000
    grid = (n // blk,)
    dp_spec = pl.BlockSpec((NC, blk, 1), lambda i: (0, i, 0))
    sp_spec = pl.BlockSpec((NC, blk, h), lambda i: (0, i, 0))
    g_spec = pl.BlockSpec((blk, h), lambda i: (i, 0))

    g1 = pl.pallas_call(
        _tc1_body,
        grid=grid,
        in_specs=[dp_spec,
                  pl.BlockSpec((blk, f), lambda i: (i, 0)),
                  pl.BlockSpec((f, h), lambda i: (0, 0))],
        out_specs=g_spec,
        out_shape=jax.ShapeDtypeStruct((n, h), jnp.float32),
    )(dp, x, W1)

    s1p = edge_k(src2, dst2, g1)

    g2 = pl.pallas_call(
        _tc2_body,
        grid=grid,
        in_specs=[sp_spec, dp_spec, g_spec,
                  pl.BlockSpec((1, h), lambda i: (0, 0))],
        out_specs=g_spec,
        out_shape=jax.ShapeDtypeStruct((n, h), jnp.float32),
    )(s1p, dp, g1, b1.reshape(1, h))

    s2p = edge_k(src2, dst2, g2)

    out = pl.pallas_call(
        _tc3_body,
        grid=grid,
        in_specs=[sp_spec, dp_spec, g_spec,
                  pl.BlockSpec((h, 1), lambda i: (0, 0)),
                  pl.BlockSpec((1, 1), lambda i: (0, 0))],
        out_specs=pl.BlockSpec((blk, 1), lambda i: (i, 0)),
        out_shape=jax.ShapeDtypeStruct((n, 1), jnp.float32),
    )(s2p, dp, g2, W2, b2.reshape(1, 1))

    return out

# --- scband reference (transcript-rebuilt; emitter-appended) ---
"""Pipeline reference for scband-node-gcn-58978490909187 (READ-ONLY COPY).

The authoritative reference and input builder live on the scoring server;
editing this copy changes nothing except your own understanding.
"""

import jax, jax.numpy as jnp
import numpy as np


def _gcn_conv(x, src, dst, W, b, n):
    # PyG GCNConv (eval semantics): x' = D^-1/2 (A + I) D^-1/2 (X W) + b
    h = x @ W
    ones = jnp.ones(src.shape[0], dtype=h.dtype)
    deg = jnp.zeros((n,), dtype=h.dtype).at[dst].add(ones)
    dinv = jnp.where(deg > 0, deg ** -0.5, 0.0)
    norm = dinv[src] * dinv[dst]
    msg = h[src] * norm[:, None]
    out = jnp.zeros((n, h.shape[1]), dtype=h.dtype).at[dst].add(msg)
    return out + b


def setup_inputs(seed: int = 0) -> dict:
    key = jax.random.key(seed)
    ks = jax.random.split(key, 8)
    N, E, F, H = 10000, 320000, 128, 16
    x = jax.random.normal(ks[0], (N, F), dtype=jnp.float32)
    edge_index = jax.random.randint(ks[1], (2, E), 0, N, dtype=jnp.int32)
    batch = jnp.zeros((N,), dtype=jnp.int32)
    # conv1: in=F, out=H ; conv2: in=H, out=1 (glorot-like init)
    W1 = jax.random.normal(ks[2], (F, H), dtype=jnp.float32) * (1.0 / np.sqrt(F))
    b1 = jnp.zeros((H,), dtype=jnp.float32)
    W2 = jax.random.normal(ks[3], (H, 1), dtype=jnp.float32) * (1.0 / np.sqrt(H))
    b2 = jnp.zeros((1,), dtype=jnp.float32)
    return {"x": x, "edge_index": edge_index, "batch": batch, "W1": W1, "b1": b1, "W2": W2, "b2": b2}


def reference(x, edge_index, batch, W1, b1, W2, b2):
    N = x.shape[0]
    loop = jnp.arange(N, dtype=edge_index.dtype)
    src = jnp.concatenate([edge_index[0], loop])
    dst = jnp.concatenate([edge_index[1], loop])
    h = _gcn_conv(x, src, dst, W1, b1, N)
    h = jax.nn.relu(h)
    # dropout is identity in eval mode
    out = _gcn_conv(h, src, dst, W2, b2, N)
    return jax.nn.sigmoid(out)

if __name__ == "__main__":
    import jax
    _d = setup_inputs()
    print(jax.jit(kernel)(*tuple(_d.values())))

</pallas_src>

<mosaic_0001>
#map = affine_map<(d0, d1) -> (0, 0)>
#map1 = affine_map<(d0, d1) -> (0, 0, 0)>
module attributes {stable_mosaic.version = 14 : i64} {
  func.func @edge_kernel(%arg0: i32, %arg1: i32, %arg2: memref<2500x128xi32, #tpu.memory_space<hbm>>, %arg3: memref<2500x128xi32, #tpu.memory_space<hbm>>, %arg4: memref<10000x16xf32, #tpu.memory_space<hbm>>, %arg5: memref<2x10240x16xf32, #tpu.memory_space<hbm>>, %arg6: memref<80x128xi32, #tpu.memory_space<vmem>>, %arg7: memref<80x128xi32, #tpu.memory_space<vmem>>, %arg8: memref<2x128x16xf32, #tpu.memory_space<vmem>>, %arg9: memref<640x16xf32, #tpu.memory_space<vmem>>, %arg10: memref<10240x16xf32, #tpu.memory_space<vmem_shared>>, %arg11: memref<10000x16xf32, #tpu.memory_space<vmem_shared>>, %arg12: memref<!tpu.dma_semaphore, #tpu.memory_space<semaphore_mem>>, %arg13: memref<!tpu.dma_semaphore, #tpu.memory_space<semaphore_mem>>, %arg14: memref<!tpu.dma_semaphore, #tpu.memory_space<semaphore_mem>>, %arg15: memref<!tpu.dma_semaphore, #tpu.memory_space<semaphore_mem>>) attributes {dimension_semantics = [#tpu.dimension_semantics<core_parallel>, #tpu.dimension_semantics<subcore_parallel>], iteration_bounds = array<i64: 2, 16>, scalar_prefetch = 0 : i64, scratch_operands = 10 : i64, tpu.core_type = #tpu.core_type<sc_vector_subcore>, window_params = [{transform_indices = #map}, {transform_indices = #map}, {transform_indices = #map}, {transform_indices = #map1}]} {
    %mul3A = arith.constant 16 : i32
    %mul3A_0 = arith.muli %arg0, %mul3A : i32
    %add3A = arith.addi %mul3A_0, %arg1 : i32
    %lt3A = arith.constant 2 : i32
    %lt3A_1 = arith.cmpi slt, %add3A, %lt3A : i32
    %convert_element_type3A = arith.extui %lt3A_1 : i1 to i32
    %mul3A_2 = arith.constant 2 : i32
    %mul3A_3 = arith.muli %mul3A_2, %convert_element_type3A : i32
    %add3A_4 = arith.constant 78 : i32
    %add3A_5 = arith.addi %add3A_4, %mul3A_3 : i32
    %mul3A_6 = arith.constant 78 : i32
    %mul3A_7 = arith.muli %mul3A_6, %add3A : i32
    %min3A = arith.constant 2 : i32
    %min3A_8 = arith.minsi %add3A, %min3A : i32
    %mul3A_9 = arith.constant 2 : i32
    %mul3A_10 = arith.muli %mul3A_9, %min3A_8 : i32
    %add3A_11 = arith.addi %mul3A_7, %mul3A_10 : i32
    "tpu.region"() ({
      %run_scoped3A = tpu.sem_alloc : memref<!tpu.dma_semaphore, #tpu.memory_space<semaphore_mem>>
      %dma_start3A_103 = arith.constant 0 : i32
      %dma_start3A_104 = arith.constant 0 : i32
      %dma_start3A_105 = tpu.memref_slice %arg6[%dma_start3A_103, %dma_start3A_104] : memref<80x128xi32, #tpu.memory_space<vmem>> -> memref<78x128xi32, #tpu.memory_space<vmem>>
      %dma_start3A_106 = arith.constant 0 : i32
      %dma_start3A_107 = tpu.memref_slice %arg2[%add3A_11, %dma_start3A_106] : memref<2500x128xi32, #tpu.memory_space<hbm>> -> memref<78x128xi32, #tpu.memory_space<hbm>>
      %dma_start3A_108 = arith.constant 0 : i32
      %dma_start3A_109 = arith.constant 0 : i32
      %dma_start3A_110 = tpu.memref_slice %arg6[%dma_start3A_108, %dma_start3A_109] : memref<80x128xi32, #tpu.memory_space<vmem>> -> memref<78x128xi32, #tpu.memory_space<vmem>>
      %dma_start3A_111 = arith.constant 0 : i32
      %dma_start3A_112 = tpu.memref_slice %arg2[%add3A_11, %dma_start3A_111] : memref<2500x128xi32, #tpu.memory_space<hbm>> -> memref<78x128xi32, #tpu.memory_space<hbm>>
      tpu.enqueue_dma source(%dma_start3A_112 : memref<78x128xi32, #tpu.memory_space<hbm>>) target(%dma_start3A_110 : memref<78x128xi32, #tpu.memory_space<vmem>>) target_semaphore(%run_scoped3A : memref<!tpu.dma_semaphore, #tpu.memory_space<semaphore_mem>>)
      %dma_wait3A_113 = arith.constant 0 : i32
      %dma_wait3A_114 = arith.constant 0 : i32
      %dma_wait3A_115 = tpu.memref_slice %arg6[%dma_wait3A_113, %dma_wait3A_114] : memref<80x128xi32, #tpu.memory_space<vmem>> -> memref<78x128xi32, #tpu.memory_space<vmem>>
      %dma_wait3A_116 = arith.constant 0 : i32
      %dma_wait3A_117 = tpu.memref_slice %arg2[%add3A_11, %dma_wait3A_116] : memref<2500x128xi32, #tpu.memory_space<hbm>> -> memref<78x128xi32, #tpu.memory_space<hbm>>
      %dma_wait3A_118 = arith.constant 0 : i32
      %dma_wait3A_119 = arith.constant 0 : i32
      %dma_wait3A_120 = tpu.memref_slice %arg6[%dma_wait3A_118, %dma_wait3A_119] : memref<80x128xi32, #tpu.memory_space<vmem>> -> memref<78x128xi32, #tpu.memory_space<vmem>>
      %dma_wait3A_121 = arith.constant 0 : i32
      %dma_wait3A_122 = tpu.memref_slice %arg2[%add3A_11, %dma_wait3A_121] : memref<2500x128xi32, #tpu.memory_space<hbm>> -> memref<78x128xi32, #tpu.memory_space<hbm>>
      tpu.wait_dma2 semaphore(%run_scoped3A : memref<!tpu.dma_semaphore, #tpu.memory_space<semaphore_mem>>) src(%dma_wait3A_122 : memref<78x128xi32, #tpu.memory_space<hbm>>) dst(%dma_wait3A_120 : memref<78x128xi32, #tpu.memory_space<vmem>>)
      tpu.yield
    }) : () -> ()
    "tpu.region"() ({
      %run_scoped3A = tpu.sem_alloc : memref<!tpu.dma_semaphore, #tpu.memory_space<semaphore_mem>>
      %dma_start3A_103 = arith.constant 0 : i32
      %dma_start3A_104 = arith.constant 0 : i32
      %dma_start3A_105 = tpu.memref_slice %arg7[%dma_start3A_103, %dma_start3A_104] : memref<80x128xi32, #tpu.memory_space<vmem>> -> memref<78x128xi32, #tpu.memory_space<vmem>>
      %dma_start3A_106 = arith.constant 0 : i32
      %dma_start3A_107 = tpu.memref_slice %arg3[%add3A_11, %dma_start3A_106] : memref<2500x128xi32, #tpu.memory_space<hbm>> -> memref<78x128xi32, #tpu.memory_space<hbm>>
      %dma_start3A_108 = arith.constant 0 : i32
      %dma_start3A_109 = arith.constant 0 : i32
      %dma_start3A_110 = tpu.memref_slice %arg7[%dma_start3A_108, %dma_start3A_109] : memref<80x128xi32, #tpu.memory_space<vmem>> -> memref<78x128xi32, #tpu.memory_space<vmem>>
      %dma_start3A_111 = arith.constant 0 : i32
      %dma_start3A_112 = tpu.memref_slice %arg3[%add3A_11, %dma_start3A_111] : memref<2500x128xi32, #tpu.memory_space<hbm>> -> memref<78x128xi32, #tpu.memory_space<hbm>>
      tpu.enqueue_dma source(%dma_start3A_112 : memref<78x128xi32, #tpu.memory_space<hbm>>) target(%dma_start3A_110 : memref<78x128xi32, #tpu.memory_space<vmem>>) target_semaphore(%run_scoped3A : memref<!tpu.dma_semaphore, #tpu.memory_space<semaphore_mem>>)
      %dma_wait3A_113 = arith.constant 0 : i32
      %dma_wait3A_114 = arith.constant 0 : i32
      %dma_wait3A_115 = tpu.memref_slice %arg7[%dma_wait3A_113, %dma_wait3A_114] : memref<80x128xi32, #tpu.memory_space<vmem>> -> memref<78x128xi32, #tpu.memory_space<vmem>>
      %dma_wait3A_116 = arith.constant 0 : i32
      %dma_wait3A_117 = tpu.memref_slice %arg3[%add3A_11, %dma_wait3A_116] : memref<2500x128xi32, #tpu.memory_space<hbm>> -> memref<78x128xi32, #tpu.memory_space<hbm>>
      %dma_wait3A_118 = arith.constant 0 : i32
      %dma_wait3A_119 = arith.constant 0 : i32
      %dma_wait3A_120 = tpu.memref_slice %arg7[%dma_wait3A_118, %dma_wait3A_119] : memref<80x128xi32, #tpu.memory_space<vmem>> -> memref<78x128xi32, #tpu.memory_space<vmem>>
      %dma_wait3A_121 = arith.constant 0 : i32
      %dma_wait3A_122 = tpu.memref_slice %arg3[%add3A_11, %dma_wait3A_121] : memref<2500x128xi32, #tpu.memory_space<hbm>> -> memref<78x128xi32, #tpu.memory_space<hbm>>
      tpu.wait_dma2 semaphore(%run_scoped3A : memref<!tpu.dma_semaphore, #tpu.memory_space<semaphore_mem>>) src(%dma_wait3A_122 : memref<78x128xi32, #tpu.memory_space<hbm>>) dst(%dma_wait3A_120 : memref<78x128xi32, #tpu.memory_space<vmem>>)
      tpu.yield
    }) : () -> ()
    %add3A_12 = arith.constant 78 : i32
    %add3A_13 = arith.addi %add3A_11, %add3A_12 : i32
    %min3A_14 = arith.constant 2498 : i32
    %min3A_15 = arith.minsi %add3A_13, %min3A_14 : i32
    "tpu.region"() ({
      %run_scoped3A = tpu.sem_alloc : memref<!tpu.dma_semaphore, #tpu.memory_space<semaphore_mem>>
      %dma_start3A_103 = arith.constant 78 : i32
      %dma_start3A_104 = arith.constant 0 : i32
      %dma_start3A_105 = tpu.memref_slice %arg6[%dma_start3A_103, %dma_start3A_104] : memref<80x128xi32, #tpu.memory_space<vmem>> -> memref<2x128xi32, #tpu.memory_space<vmem>>
      %dma_start3A_106 = arith.constant 0 : i32
      %dma_start3A_107 = tpu.memref_slice %arg2[%min3A_15, %dma_start3A_106] : memref<2500x128xi32, #tpu.memory_space<hbm>> -> memref<2x128xi32, #tpu.memory_space<hbm>>
      %dma_start3A_108 = arith.constant 78 : i32
      %dma_start3A_109 = arith.constant 0 : i32
      %dma_start3A_110 = tpu.memref_slice %arg6[%dma_start3A_108, %dma_start3A_109] : memref<80x128xi32, #tpu.memory_space<vmem>> -> memref<2x128xi32, #tpu.memory_space<vmem>>
      %dma_start3A_111 = arith.constant 0 : i32
      %dma_start3A_112 = tpu.memref_slice %arg2[%min3A_15, %dma_start3A_111] : memref<2500x128xi32, #tpu.memory_space<hbm>> -> memref<2x128xi32, #tpu.memory_space<hbm>>
      tpu.enqueue_dma source(%dma_start3A_112 : memref<2x128xi32, #tpu.memory_space<hbm>>) target(%dma_start3A_110 : memref<2x128xi32, #tpu.memory_space<vmem>>) target_semaphore(%run_scoped3A : memref<!tpu.dma_semaphore, #tpu.memory_space<semaphore_mem>>)
      %dma_wait3A_113 = arith.constant 78 : i32
      %dma_wait3A_114 = arith.constant 0 : i32
      %dma_wait3A_115 = tpu.memref_slice %arg6[%dma_wait3A_113, %dma_wait3A_114] : memref<80x128xi32, #tpu.memory_space<vmem>> -> memref<2x128xi32, #tpu.memory_space<vmem>>
      %dma_wait3A_116 = arith.constant 0 : i32
      %dma_wait3A_117 = tpu.memref_slice %arg2[%min3A_15, %dma_wait3A_116] : memref<2500x128xi32, #tpu.memory_space<hbm>> -> memref<2x128xi32, #tpu.memory_space<hbm>>
      %dma_wait3A_118 = arith.constant 78 : i32
      %dma_wait3A_119 = arith.constant 0 : i32
      %dma_wait3A_120 = tpu.memref_slice %arg6[%dma_wait3A_118, %dma_wait3A_119] : memref<80x128xi32, #tpu.memory_space<vmem>> -> memref<2x128xi32, #tpu.memory_space<vmem>>
      %dma_wait3A_121 = arith.constant 0 : i32
      %dma_wait3A_122 = tpu.memref_slice %arg2[%min3A_15, %dma_wait3A_121] : memref<2500x128xi32, #tpu.memory_space<hbm>> -> memref<2x128xi32, #tpu.memory_space<hbm>>
      tpu.wait_dma2 semaphore(%run_scoped3A : memref<!tpu.dma_semaphore, #tpu.memory_space<semaphore_mem>>) src(%dma_wait3A_122 : memref<2x128xi32, #tpu.memory_space<hbm>>) dst(%dma_wait3A_120 : memref<2x128xi32, #tpu.memory_space<vmem>>)
      tpu.yield
    }) : () -> ()
    "tpu.region"() ({
      %run_scoped3A = tpu.sem_alloc : memref<!tpu.dma_semaphore, #tpu.memory_space<semaphore_mem>>
      %dma_start3A_103 = arith.constant 78 : i32
      %dma_start3A_104 = arith.constant 0 : i32
      %dma_start3A_105 = tpu.memref_slice %arg7[%dma_start3A_103, %dma_start3A_104] : memref<80x128xi32, #tpu.memory_space<vmem>> -> memref<2x128xi32, #tpu.memory_space<vmem>>
      %dma_start3A_106 = arith.constant 0 : i32
      %dma_start3A_107 = tpu.memref_slice %arg3[%min3A_15, %dma_start3A_106] : memref<2500x128xi32, #tpu.memory_space<hbm>> -> memref<2x128xi32, #tpu.memory_space<hbm>>
      %dma_start3A_108 = arith.constant 78 : i32
      %dma_start3A_109 = arith.constant 0 : i32
      %dma_start3A_110 = tpu.memref_slice %arg7[%dma_start3A_108, %dma_start3A_109] : memref<80x128xi32, #tpu.memory_space<vmem>> -> memref<2x128xi32, #tpu.memory_space<vmem>>
      %dma_start3A_111 = arith.constant 0 : i32
      %dma_start3A_112 = tpu.memref_slice %arg3[%min3A_15, %dma_start3A_111] : memref<2500x128xi32, #tpu.memory_space<hbm>> -> memref<2x128xi32, #tpu.memory_space<hbm>>
      tpu.enqueue_dma source(%dma_start3A_112 : memref<2x128xi32, #tpu.memory_space<hbm>>) target(%dma_start3A_110 : memref<2x128xi32, #tpu.memory_space<vmem>>) target_semaphore(%run_scoped3A : memref<!tpu.dma_semaphore, #tpu.memory_space<semaphore_mem>>)
      %dma_wait3A_113 = arith.constant 78 : i32
      %dma_wait3A_114 = arith.constant 0 : i32
      %dma_wait3A_115 = tpu.memref_slice %arg7[%dma_wait3A_113, %dma_wait3A_114] : memref<80x128xi32, #tpu.memory_space<vmem>> -> memref<2x128xi32, #tpu.memory_space<vmem>>
      %dma_wait3A_116 = arith.constant 0 : i32
      %dma_wait3A_117 = tpu.memref_slice %arg3[%min3A_15, %dma_wait3A_116] : memref<2500x128xi32, #tpu.memory_space<hbm>> -> memref<2x128xi32, #tpu.memory_space<hbm>>
      %dma_wait3A_118 = arith.constant 78 : i32
      %dma_wait3A_119 = arith.constant 0 : i32
      %dma_wait3A_120 = tpu.memref_slice %arg7[%dma_wait3A_118, %dma_wait3A_119] : memref<80x128xi32, #tpu.memory_space<vmem>> -> memref<2x128xi32, #tpu.memory_space<vmem>>
      %dma_wait3A_121 = arith.constant 0 : i32
      %dma_wait3A_122 = tpu.memref_slice %arg3[%min3A_15, %dma_wait3A_121] : memref<2500x128xi32, #tpu.memory_space<hbm>> -> memref<2x128xi32, #tpu.memory_space<hbm>>
      tpu.wait_dma2 semaphore(%run_scoped3A : memref<!tpu.dma_semaphore, #tpu.memory_space<semaphore_mem>>) src(%dma_wait3A_122 : memref<2x128xi32, #tpu.memory_space<hbm>>) dst(%dma_wait3A_120 : memref<2x128xi32, #tpu.memory_space<vmem>>)
      tpu.yield
    }) : () -> ()
    %mul3A_16 = arith.constant 632 : i32
    %mul3A_17 = arith.muli %arg1, %mul3A_16 : i32
    %min3A_18 = arith.constant 9368 : i32
    %min3A_19 = arith.minsi %mul3A_17, %min3A_18 : i32
    "tpu.region"() ({
      %run_scoped3A = tpu.sem_alloc : memref<!tpu.dma_semaphore, #tpu.memory_space<semaphore_mem>>
      %dma_start3A_103 = arith.constant 0 : i32
      %dma_start3A_104 = tpu.memref_slice %arg11[%min3A_19, %dma_start3A_103] : memref<10000x16xf32, #tpu.memory_space<vmem_shared>> -> memref<632x16xf32, #tpu.memory_space<vmem_shared>>
      %dma_start3A_105 = arith.constant 0 : i32
      %dma_start3A_106 = tpu.memref_slice %arg4[%min3A_19, %dma_start3A_105] : memref<10000x16xf32, #tpu.memory_space<hbm>> -> memref<632x16xf32, #tpu.memory_space<hbm>>
      tpu.enqueue_dma source(%dma_start3A_106 : memref<632x16xf32, #tpu.memory_space<hbm>>) target(%dma_start3A_104 : memref<632x16xf32, #tpu.memory_space<vmem_shared>>) target_semaphore(%run_scoped3A : memref<!tpu.dma_semaphore, #tpu.memory_space<semaphore_mem>>)
      %dma_wait3A_107 = arith.constant 0 : i32
      %dma_wait3A_108 = tpu.memref_slice %arg11[%min3A_19, %dma_wait3A_107] : memref<10000x16xf32, #tpu.memory_space<vmem_shared>> -> memref<632x16xf32, #tpu.memory_space<vmem_shared>>
      %dma_wait3A_109 = arith.constant 0 : i32
      %dma_wait3A_110 = tpu.memref_slice %arg4[%min3A_19, %dma_wait3A_109] : memref<10000x16xf32, #tpu.memory_space<hbm>> -> memref<632x16xf32, #tpu.memory_space<hbm>>
      tpu.wait_dma2 semaphore(%run_scoped3A : memref<!tpu.dma_semaphore, #tpu.memory_space<semaphore_mem>>) src(%dma_wait3A_110 : memref<632x16xf32, #tpu.memory_space<hbm>>) dst(%dma_wait3A_108 : memref<632x16xf32, #tpu.memory_space<vmem_shared>>)
      tpu.yield
    }) : () -> ()
    %scan3A = arith.constant 0 : i32
    %scan3A_20 = arith.constant 0 : i32
    %scan3A_21 = arith.constant 640 : i32
    %scan3A_22 = arith.addi %scan3A_20, %scan3A_21 : i32
    %scan3A_23 = arith.constant 1 : i32
    scf.for %scan3A_103 = %scan3A_20 to %scan3A_22 step %scan3A_23  : i32 {
      %broadcast_in_dim3A = arith.constant 0.000000e+00 : f32
      %broadcast_in_dim3A_104 = vector.broadcast %broadcast_in_dim3A : f32 to vector<16xf32>
      %swap3A = arith.index_cast %scan3A_103 : i32 to index
      %swap3A_105 = arith.constant 0 : index
      %swap3A_106 = tpu.vector_load %arg9[%swap3A, %swap3A_105] {strides = array<i32>} : memref<640x16xf32, #tpu.memory_space<vmem>>, vector<1x16xf32>,
      %swap3A_107 = vector.shape_cast %swap3A_106 : vector<1x16xf32> to vector<16xf32>
      %swap3A_108 = vector.shape_cast %broadcast_in_dim3A_104 : vector<16xf32> to vector<1x16xf32>
      tpu.vector_store %arg9[%swap3A, %swap3A_105], %swap3A_108 {strides = array<i32>} : memref<640x16xf32, #tpu.memory_space<vmem>>, vector<1x16xf32>,
    }
    %scan3A_24 = arith.constant 640 : i32
    %mul3A_25 = arith.constant 640 : i32
    %mul3A_26 = arith.muli %arg1, %mul3A_25 : i32
    "tpu.region"() ({
      %run_scoped3A = tpu.sem_alloc : memref<!tpu.dma_semaphore, #tpu.memory_space<semaphore_mem>>
      %dma_start3A_103 = arith.constant 0 : i32
      %dma_start3A_104 = tpu.memref_slice %arg10[%mul3A_26, %dma_start3A_103] : memref<10240x16xf32, #tpu.memory_space<vmem_shared>> -> memref<640x16xf32, #tpu.memory_space<vmem_shared>>
      %dma_start3A_105 = arith.constant 0 : i32
      %dma_start3A_106 = tpu.memref_slice %arg10[%mul3A_26, %dma_start3A_105] : memref<10240x16xf32, #tpu.memory_space<vmem_shared>> -> memref<640x16xf32, #tpu.memory_space<vmem_shared>>
      tpu.enqueue_dma source(%arg9 : memref<640x16xf32, #tpu.memory_space<vmem>>) target(%dma_start3A_106 : memref<640x16xf32, #tpu.memory_space<vmem_shared>>) target_semaphore(%run_scoped3A : memref<!tpu.dma_semaphore, #tpu.memory_space<semaphore_mem>>)
      %dma_wait3A_107 = arith.constant 0 : i32
      %dma_wait3A_108 = tpu.memref_slice %arg10[%mul3A_26, %dma_wait3A_107] : memref<10240x16xf32, #tpu.memory_space<vmem_shared>> -> memref<640x16xf32, #tpu.memory_space<vmem_shared>>
      %dma_wait3A_109 = arith.constant 0 : i32
      %dma_wait3A_110 = tpu.memref_slice %arg10[%mul3A_26, %dma_wait3A_109] : memref<10240x16xf32, #tpu.memory_space<vmem_shared>> -> memref<640x16xf32, #tpu.memory_space<vmem_shared>>
      tpu.wait_dma2 semaphore(%run_scoped3A : memref<!tpu.dma_semaphore, #tpu.memory_space<semaphore_mem>>) src(%arg9 : memref<640x16xf32, #tpu.memory_space<vmem>>) dst(%dma_wait3A_110 : memref<640x16xf32, #tpu.memory_space<vmem_shared>>)
      tpu.yield
    }) : () -> ()
    %barrier3A = arith.constant 0 : index
    tpu.barrier barrier_id(%barrier3A)
    %dma_start3A = arith.constant 0 : i32
    %dma_start3A_27 = arith.constant 0 : i32
    %dma_start3A_28 = arith.constant 0 : i32
    %dma_start3A_29 = arith.constant 0 : i32
    %dma_start3A_30 = tpu.memref_slice %arg8[%dma_start3A_27, %dma_start3A_28, %dma_start3A_29] : memref<2x128x16xf32, #tpu.memory_space<vmem>> -> memref<1x128x16xf32, #tpu.memory_space<vmem>>
    %dma_start3A_31 = tpu.memref_squeeze %dma_start3A_30 : memref<1x128x16xf32, #tpu.memory_space<vmem>> -> memref<128x16xf32, #tpu.memory_space<vmem>>
    %dma_start3A_32 = arith.constant 0 : i32
    %dma_start3A_33 = tpu.memref_slice %arg6[%dma_start3A, %dma_start3A_32] : memref<80x128xi32, #tpu.memory_space<vmem>> -> memref<1x128xi32, #tpu.memory_space<vmem>>
    %dma_start3A_34 = tpu.memref_squeeze %dma_start3A_33 : memref<1x128xi32, #tpu.memory_space<vmem>> -> memref<128xi32, #tpu.memory_space<vmem>>
    %dma_start3A_35 = arith.constant 0 : i32
    %dma_start3A_36 = arith.constant 0 : i32
    %dma_start3A_37 = tpu.memref_slice %arg11[%dma_start3A_35, %dma_start3A_36] : memref<10000x16xf32, #tpu.memory_space<vmem_shared>> -> memref<10000x16xf32, #tpu.memory_space<vmem_shared>>
    tpu.enqueue_indirect_dma source(%dma_start3A_37 : memref<10000x16xf32, #tpu.memory_space<vmem_shared>>) target(%dma_start3A_31 : memref<128x16xf32, #tpu.memory_space<vmem>>) offsets(%dma_start3A_34 : memref<128xi32, #tpu.memory_space<vmem>>) semaphore(%arg12 : memref<!tpu.dma_semaphore, #tpu.memory_space<semaphore_mem>>)
    %dma_start3A_38 = arith.constant 1 : i32
    %dma_start3A_39 = arith.constant 1 : i32
    %dma_start3A_40 = arith.constant 0 : i32
    %dma_start3A_41 = arith.constant 0 : i32
    %dma_start3A_42 = tpu.memref_slice %arg8[%dma_start3A_39, %dma_start3A_40, %dma_start3A_41] : memref<2x128x16xf32, #tpu.memory_space<vmem>> -> memref<1x128x16xf32, #tpu.memory_space<vmem>>
    %dma_start3A_43 = tpu.memref_squeeze %dma_start3A_42 : memref<1x128x16xf32, #tpu.memory_space<vmem>> -> memref<128x16xf32, #tpu.memory_space<vmem>>
    %dma_start3A_44 = arith.constant 0 : i32
    %dma_start3A_45 = tpu.memref_slice %arg6[%dma_start3A_38, %dma_start3A_44] : memref<80x128xi32, #tpu.memory_space<vmem>> -> memref<1x128xi32, #tpu.memory_space<vmem>>
    %dma_start3A_46 = tpu.memref_squeeze %dma_start3A_45 : memref<1x128xi32, #tpu.memory_space<vmem>> -> memref<128xi32, #tpu.memory_space<vmem>>
    %dma_start3A_47 = arith.constant 0 : i32
    %dma_start3A_48 = arith.constant 0 : i32
    %dma_start3A_49 = tpu.memref_slice %arg11[%dma_start3A_47, %dma_start3A_48] : memref<10000x16xf32, #tpu.memory_space<vmem_shared>> -> memref<10000x16xf32, #tpu.memory_space<vmem_shared>>
    tpu.enqueue_indirect_dma source(%dma_start3A_49 : memref<10000x16xf32, #tpu.memory_space<vmem_shared>>) target(%dma_start3A_43 : memref<128x16xf32, #tpu.memory_space<vmem>>) offsets(%dma_start3A_46 : memref<128xi32, #tpu.memory_space<vmem>>) semaphore(%arg13 : memref<!tpu.dma_semaphore, #tpu.memory_space<semaphore_mem>>)
    %jit3A = arith.constant 2 : i32
    %div3A = arith.divsi %add3A_5, %jit3A : i32
    %sign3A = arith.constant 0 : i32
    %sign3A_50 = arith.cmpi sgt, %add3A_5, %sign3A : i32
    %sign3A_51 = arith.extui %sign3A_50 : i1 to i32
    %sign3A_52 = arith.constant 0 : i32
    %sign3A_53 = arith.cmpi slt, %add3A_5, %sign3A_52 : i32
    %sign3A_54 = arith.extui %sign3A_53 : i1 to i32
    %sign3A_55 = arith.subi %sign3A_51, %sign3A_54 : i32
    %sign3A_56 = arith.constant 0 : i32
    %sign3A_57 = arith.cmpi sgt, %jit3A, %sign3A_56 : i32
    %sign3A_58 = arith.extui %sign3A_57 : i1 to i32
    %sign3A_59 = arith.constant 0 : i32
    %sign3A_60 = arith.cmpi slt, %jit3A, %sign3A_59 : i32
    %sign3A_61 = arith.extui %sign3A_60 : i1 to i32
    %sign3A_62 = arith.subi %sign3A_58, %sign3A_61 : i32
    %ne3A = arith.cmpi ne, %sign3A_55, %sign3A_62 : i32
    %rem3A = arith.remsi %add3A_5, %jit3A : i32
    %ne3A_63 = arith.constant 0 : i32
    %ne3A_64 = arith.cmpi ne, %rem3A, %ne3A_63 : i32
    %and3A = arith.andi %ne3A, %ne3A_64 : i1
    %sub3A = arith.constant 1 : i32
    %sub3A_65 = arith.subi %div3A, %sub3A : i32
    %select_n3A = arith.select %and3A, %sub3A_65, %div3A : i32
    %while3A = arith.constant 0 : i32
    %while3A_66 = arith.constant 0 : i32
    %while3A_67 = arith.subi %select_n3A, %while3A_66 : i32
    %while3A_68 = arith.addi %while3A_66, %while3A_67 : i32
    %while3A_69 = arith.constant 1 : i32
    %while3A_70 = arith.divsi %while3A_67, %while3A_69 : i32
    %while3A_71 = arith.muli %while3A_70, %while3A_69 : i32
    %while3A_72 = arith.addi %while3A_66, %while3A_71 : i32
    %while3A_73 = arith.constant 1 : i32
    scf.for %while3A_103 = %while3A_66 to %while3A_72 step %while3A_73  : i32 {
      %mul3A_104 = arith.constant 2 : i32
      %mul3A_105 = arith.muli %mul3A_104, %while3A_103 : i32
      %add3A_106 = arith.constant 1 : i32
      %add3A_107 = arith.addi %mul3A_105, %add3A_106 : i32
      %dma_wait3A_108 = arith.constant 0 : i32
      %dma_wait3A_109 = arith.constant 0 : i32
      %dma_wait3A_110 = arith.constant 0 : i32
      %dma_wait3A_111 = tpu.memref_slice %arg8[%dma_wait3A_108, %dma_wait3A_109, %dma_wait3A_110] : memref<2x128x16xf32, #tpu.memory_space<vmem>> -> memref<1x128x16xf32, #tpu.memory_space<vmem>>
      %dma_wait3A_112 = tpu.memref_squeeze %dma_wait3A_111 : memref<1x128x16xf32, #tpu.memory_space<vmem>> -> memref<128x16xf32, #tpu.memory_space<vmem>>
      %dma_wait3A_113 = arith.constant 0 : i32
      %dma_wait3A_114 = tpu.memref_slice %arg6[%mul3A_105, %dma_wait3A_113] : memref<80x128xi32, #tpu.memory_space<vmem>> -> memref<1x128xi32, #tpu.memory_space<vmem>>
      %dma_wait3A_115 = tpu.memref_squeeze %dma_wait3A_114 : memref<1x128xi32, #tpu.memory_space<vmem>> -> memref<128xi32, #tpu.memory_space<vmem>>
      %dma_wait3A_116 = arith.constant 0 : i32
      %dma_wait3A_117 = arith.constant 0 : i32
      %dma_wait3A_118 = tpu.memref_slice %arg11[%dma_wait3A_116, %dma_wait3A_117] : memref<10000x16xf32, #tpu.memory_space<vmem_shared>> -> memref<10000x16xf32, #tpu.memory_space<vmem_shared>>
      tpu.wait_indirect_dma semaphore(%arg12 : memref<!tpu.dma_semaphore, #tpu.memory_space<semaphore_mem>>) src(%dma_wait3A_118 : memref<10000x16xf32, #tpu.memory_space<vmem_shared>>) dst(%dma_wait3A_112 : memref<128x16xf32, #tpu.memory_space<vmem>>)
      %dma_start3A_119 = arith.constant 0 : i32
      %dma_start3A_120 = arith.constant 0 : i32
      %dma_start3A_121 = arith.constant 0 : i32
      %dma_start3A_122 = tpu.memref_slice %arg8[%dma_start3A_119, %dma_start3A_120, %dma_start3A_121] : memref<2x128x16xf32, #tpu.memory_space<vmem>> -> memref<1x128x16xf32, #tpu.memory_space<vmem>>
      %dma_start3A_123 = tpu.memref_squeeze %dma_start3A_122 : memref<1x128x16xf32, #tpu.memory_space<vmem>> -> memref<128x16xf32, #tpu.memory_space<vmem>>
      %dma_start3A_124 = arith.constant 0 : i32
      %dma_start3A_125 = tpu.memref_slice %arg7[%mul3A_105, %dma_start3A_124] : memref<80x128xi32, #tpu.memory_space<vmem>> -> memref<1x128xi32, #tpu.memory_space<vmem>>
      %dma_start3A_126 = tpu.memref_squeeze %dma_start3A_125 : memref<1x128xi32, #tpu.memory_space<vmem>> -> memref<128xi32, #tpu.memory_space<vmem>>
      %dma_start3A_127 = arith.constant 0 : i32
      %dma_start3A_128 = arith.constant 0 : i32
      %dma_start3A_129 = tpu.memref_slice %arg10[%dma_start3A_127, %dma_start3A_128] : memref<10240x16xf32, #tpu.memory_space<vmem_shared>> -> memref<10240x16xf32, #tpu.memory_space<vmem_shared>>
      tpu.enqueue_indirect_dma source(%dma_start3A_123 : memref<128x16xf32, #tpu.memory_space<vmem>>) target(%dma_start3A_129 : memref<10240x16xf32, #tpu.memory_space<vmem_shared>>) offsets(%dma_start3A_126 : memref<128xi32, #tpu.memory_space<vmem>>) semaphore(%arg14 : memref<!tpu.dma_semaphore, #tpu.memory_space<semaphore_mem>>) {add = true}
      %dma_wait3A_130 = arith.constant 1 : i32
      %dma_wait3A_131 = arith.constant 0 : i32
      %dma_wait3A_132 = arith.constant 0 : i32
      %dma_wait3A_133 = tpu.memref_slice %arg8[%dma_wait3A_130, %dma_wait3A_131, %dma_wait3A_132] : memref<2x128x16xf32, #tpu.memory_space<vmem>> -> memref<1x128x16xf32, #tpu.memory_space<vmem>>
      %dma_wait3A_134 = tpu.memref_squeeze %dma_wait3A_133 : memref<1x128x16xf32, #tpu.memory_space<vmem>> -> memref<128x16xf32, #tpu.memory_space<vmem>>
      %dma_wait3A_135 = arith.constant 0 : i32
      %dma_wait3A_136 = tpu.memref_slice %arg6[%add3A_107, %dma_wait3A_135] : memref<80x128xi32, #tpu.memory_space<vmem>> -> memref<1x128xi32, #tpu.memory_space<vmem>>
      %dma_wait3A_137 = tpu.memref_squeeze %dma_wait3A_136 : memref<1x128xi32, #tpu.memory_space<vmem>> -> memref<128xi32, #tpu.memory_space<vmem>>
      %dma_wait3A_138 = arith.constant 0 : i32
      %dma_wait3A_139 = arith.constant 0 : i32
      %dma_wait3A_140 = tpu.memref_slice %arg11[%dma_wait3A_138, %dma_wait3A_139] : memref<10000x16xf32, #tpu.memory_space<vmem_shared>> -> memref<10000x16xf32, #tpu.memory_space<vmem_shared>>
      tpu.wait_indirect_dma semaphore(%arg13 : memref<!tpu.dma_semaphore, #tpu.memory_space<semaphore_mem>>) src(%dma_wait3A_140 : memref<10000x16xf32, #tpu.memory_space<vmem_shared>>) dst(%dma_wait3A_134 : memref<128x16xf32, #tpu.memory_space<vmem>>)
      %dma_start3A_141 = arith.constant 1 : i32
      %dma_start3A_142 = arith.constant 0 : i32
      %dma_start3A_143 = arith.constant 0 : i32
      %dma_start3A_144 = tpu.memref_slice %arg8[%dma_start3A_141, %dma_start3A_142, %dma_start3A_143] : memref<2x128x16xf32, #tpu.memory_space<vmem>> -> memref<1x128x16xf32, #tpu.memory_space<vmem>>
      %dma_start3A_145 = tpu.memref_squeeze %dma_start3A_144 : memref<1x128x16xf32, #tpu.memory_space<vmem>> -> memref<128x16xf32, #tpu.memory_space<vmem>>
      %dma_start3A_146 = arith.constant 0 : i32
      %dma_start3A_147 = tpu.memref_slice %arg7[%add3A_107, %dma_start3A_146] : memref<80x128xi32, #tpu.memory_space<vmem>> -> memref<1x128xi32, #tpu.memory_space<vmem>>
      %dma_start3A_148 = tpu.memref_squeeze %dma_start3A_147 : memref<1x128xi32, #tpu.memory_space<vmem>> -> memref<128xi32, #tpu.memory_space<vmem>>
      %dma_start3A_149 = arith.constant 0 : i32
      %dma_start3A_150 = arith.constant 0 : i32
      %dma_start3A_151 = tpu.memref_slice %arg10[%dma_start3A_149, %dma_start3A_150] : memref<10240x16xf32, #tpu.memory_space<vmem_shared>> -> memref<10240x16xf32, #tpu.memory_space<vmem_shared>>
      tpu.enqueue_indirect_dma source(%dma_start3A_145 : memref<128x16xf32, #tpu.memory_space<vmem>>) target(%dma_start3A_151 : memref<10240x16xf32, #tpu.memory_space<vmem_shared>>) offsets(%dma_start3A_148 : memref<128xi32, #tpu.memory_space<vmem>>) semaphore(%arg15 : memref<!tpu.dma_semaphore, #tpu.memory_space<semaphore_mem>>) {add = true}
      %dma_wait3A_152 = arith.constant 0 : i32
      %dma_wait3A_153 = arith.constant 0 : i32
      %dma_wait3A_154 = arith.constant 0 : i32
      %dma_wait3A_155 = tpu.memref_slice %arg8[%dma_wait3A_152, %dma_wait3A_153, %dma_wait3A_154] : memref<2x128x16xf32, #tpu.memory_space<vmem>> -> memref<1x128x16xf32, #tpu.memory_space<vmem>>
      %dma_wait3A_156 = tpu.memref_squeeze %dma_wait3A_155 : memref<1x128x16xf32, #tpu.memory_space<vmem>> -> memref<128x16xf32, #tpu.memory_space<vmem>>
      %dma_wait3A_157 = arith.constant 0 : i32
      %dma_wait3A_158 = tpu.memref_slice %arg7[%mul3A_105, %dma_wait3A_157] : memref<80x128xi32, #tpu.memory_space<vmem>> -> memref<1x128xi32, #tpu.memory_space<vmem>>
      %dma_wait3A_159 = tpu.memref_squeeze %dma_wait3A_158 : memref<1x128xi32, #tpu.memory_space<vmem>> -> memref<128xi32, #tpu.memory_space<vmem>>
      %dma_wait3A_160 = arith.constant 0 : i32
      %dma_wait3A_161 = arith.constant 0 : i32
      %dma_wait3A_162 = tpu.memref_slice %arg10[%dma_wait3A_160, %dma_wait3A_161] : memref<10240x16xf32, #tpu.memory_space<vmem_shared>> -> memref<10240x16xf32, #tpu.memory_space<vmem_shared>>
      tpu.wait_indirect_dma semaphore(%arg14 : memref<!tpu.dma_semaphore, #tpu.memory_space<semaphore_mem>>) src(%dma_wait3A_156 : memref<128x16xf32, #tpu.memory_space<vmem>>) dst(%dma_wait3A_162 : memref<10240x16xf32, #tpu.memory_space<vmem_shared>>)
      %add3A_163 = arith.constant 2 : i32
      %add3A_164 = arith.addi %mul3A_105, %add3A_163 : i32
      %sub3A_165 = arith.constant 2 : i32
      %sub3A_166 = arith.subi %add3A_5, %sub3A_165 : i32
      %min3A_167 = arith.minsi %add3A_164, %sub3A_166 : i32
      %dma_start3A_168 = arith.constant 0 : i32
      %dma_start3A_169 = arith.constant 0 : i32
      %dma_start3A_170 = arith.constant 0 : i32
      %dma_start3A_171 = tpu.memref_slice %arg8[%dma_start3A_168, %dma_start3A_169, %dma_start3A_170] : memref<2x128x16xf32, #tpu.memory_space<vmem>> -> memref<1x128x16xf32, #tpu.memory_space<vmem>>
      %dma_start3A_172 = tpu.memref_squeeze %dma_start3A_171 : memref<1x128x16xf32, #tpu.memory_space<vmem>> -> memref<128x16xf32, #tpu.memory_space<vmem>>
      %dma_start3A_173 = arith.constant 0 : i32
      %dma_start3A_174 = tpu.memref_slice %arg6[%min3A_167, %dma_start3A_173] : memref<80x128xi32, #tpu.memory_space<vmem>> -> memref<1x128xi32, #tpu.memory_space<vmem>>
      %dma_start3A_175 = tpu.memref_squeeze %dma_start3A_174 : memref<1x128xi32, #tpu.memory_space<vmem>> -> memref<128xi32, #tpu.memory_space<vmem>>
      %dma_start3A_176 = arith.constant 0 : i32
      %dma_start3A_177 = arith.constant 0 : i32
      %dma_start3A_178 = tpu.memref_slice %arg11[%dma_start3A_176, %dma_start3A_177] : memref<10000x16xf32, #tpu.memory_space<vmem_shared>> -> memref<10000x16xf32, #tpu.memory_space<vmem_shared>>
      tpu.enqueue_indirect_dma source(%dma_start3A_178 : memref<10000x16xf32, #tpu.memory_space<vmem_shared>>) target(%dma_start3A_172 : memref<128x16xf32, #tpu.memory_space<vmem>>) offsets(%dma_start3A_175 : memref<128xi32, #tpu.memory_space<vmem>>) semaphore(%arg12 : memref<!tpu.dma_semaphore, #tpu.memory_space<semaphore_mem>>)
      %dma_wait3A_179 = arith.constant 1 : i32
      %dma_wait3A_180 = arith.constant 0 : i32
      %dma_wait3A_181 = arith.constant 0 : i32
      %dma_wait3A_182 = tpu.memref_slice %arg8[%dma_wait3A_179, %dma_wait3A_180, %dma_wait3A_181] : memref<2x128x16xf32, #tpu.memory_space<vmem>> -> memref<1x128x16xf32, #tpu.memory_space<vmem>>
      %dma_wait3A_183 = tpu.memref_squeeze %dma_wait3A_182 : memref<1x128x16xf32, #tpu.memory_space<vmem>> -> memref<128x16xf32, #tpu.memory_space<vmem>>
      %dma_wait3A_184 = arith.constant 0 : i32
      %dma_wait3A_185 = tpu.memref_slice %arg7[%add3A_107, %dma_wait3A_184] : memref<80x128xi32, #tpu.memory_space<vmem>> -> memref<1x128xi32, #tpu.memory_space<vmem>>
      %dma_wait3A_186 = tpu.memref_squeeze %dma_wait3A_185 : memref<1x128xi32, #tpu.memory_space<vmem>> -> memref<128xi32, #tpu.memory_space<vmem>>
      %dma_wait3A_187 = arith.constant 0 : i32
      %dma_wait3A_188 = arith.constant 0 : i32
      %dma_wait3A_189 = tpu.memref_slice %arg10[%dma_wait3A_187, %dma_wait3A_188] : memref<10240x16xf32, #tpu.memory_space<vmem_shared>> -> memref<10240x16xf32, #tpu.memory_space<vmem_shared>>
      tpu.wait_indirect_dma semaphore(%arg15 : memref<!tpu.dma_semaphore, #tpu.memory_space<semaphore_mem>>) src(%dma_wait3A_183 : memref<128x16xf32, #tpu.memory_space<vmem>>) dst(%dma_wait3A_189 : memref<10240x16xf32, #tpu.memory_space<vmem_shared>>)
      %add3A_190 = arith.constant 2 : i32
      %add3A_191 = arith.addi %add3A_107, %add3A_190 : i32
      %sub3A_192 = arith.constant 1 : i32
      %sub3A_193 = arith.subi %add3A_5, %sub3A_192 : i32
      %min3A_194 = arith.minsi %add3A_191, %sub3A_193 : i32
      %dma_start3A_195 = arith.constant 1 : i32
      %dma_start3A_196 = arith.constant 0 : i32
      %dma_start3A_197 = arith.constant 0 : i32
      %dma_start3A_198 = tpu.memref_slice %arg8[%dma_start3A_195, %dma_start3A_196, %dma_start3A_197] : memref<2x128x16xf32, #tpu.memory_space<vmem>> -> memref<1x128x16xf32, #tpu.memory_space<vmem>>
      %dma_start3A_199 = tpu.memref_squeeze %dma_start3A_198 : memref<1x128x16xf32, #tpu.memory_space<vmem>> -> memref<128x16xf32, #tpu.memory_space<vmem>>
      %dma_start3A_200 = arith.constant 0 : i32
      %dma_start3A_201 = tpu.memref_slice %arg6[%min3A_194, %dma_start3A_200] : memref<80x128xi32, #tpu.memory_space<vmem>> -> memref<1x128xi32, #tpu.memory_space<vmem>>
      %dma_start3A_202 = tpu.memref_squeeze %dma_start3A_201 : memref<1x128xi32, #tpu.memory_space<vmem>> -> memref<128xi32, #tpu.memory_space<vmem>>
      %dma_start3A_203 = arith.constant 0 : i32
      %dma_start3A_204 = arith.constant 0 : i32
      %dma_start3A_205 = tpu.memref_slice %arg11[%dma_start3A_203, %dma_start3A_204] : memref<10000x16xf32, #tpu.memory_space<vmem_shared>> -> memref<10000x16xf32, #tpu.memory_space<vmem_shared>>
      tpu.enqueue_indirect_dma source(%dma_start3A_205 : memref<10000x16xf32, #tpu.memory_space<vmem_shared>>) target(%dma_start3A_199 : memref<128x16xf32, #tpu.memory_space<vmem>>) offsets(%dma_start3A_202 : memref<128xi32, #tpu.memory_space<vmem>>) semaphore(%arg13 : memref<!tpu.dma_semaphore, #tpu.memory_space<semaphore_mem>>)
    }
    %while3A_74 = arith.constant 1 : i32
    scf.for %while3A_103 = %while3A_72 to %while3A_68 step %while3A_74  : i32 {
      %mul3A_104 = arith.constant 2 : i32
      %mul3A_105 = arith.muli %mul3A_104, %while3A_103 : i32
      %add3A_106 = arith.constant 1 : i32
      %add3A_107 = arith.addi %mul3A_105, %add3A_106 : i32
      %dma_wait3A_108 = arith.constant 0 : i32
      %dma_wait3A_109 = arith.constant 0 : i32
      %dma_wait3A_110 = arith.constant 0 : i32
      %dma_wait3A_111 = tpu.memref_slice %arg8[%dma_wait3A_108, %dma_wait3A_109, %dma_wait3A_110] : memref<2x128x16xf32, #tpu.memory_space<vmem>> -> memref<1x128x16xf32, #tpu.memory_space<vmem>>
      %dma_wait3A_112 = tpu.memref_squeeze %dma_wait3A_111 : memref<1x128x16xf32, #tpu.memory_space<vmem>> -> memref<128x16xf32, #tpu.memory_space<vmem>>
      %dma_wait3A_113 = arith.constant 0 : i32
      %dma_wait3A_114 = tpu.memref_slice %arg6[%mul3A_105, %dma_wait3A_113] : memref<80x128xi32, #tpu.memory_space<vmem>> -> memref<1x128xi32, #tpu.memory_space<vmem>>
      %dma_wait3A_115 = tpu.memref_squeeze %dma_wait3A_114 : memref<1x128xi32, #tpu.memory_space<vmem>> -> memref<128xi32, #tpu.memory_space<vmem>>
      %dma_wait3A_116 = arith.constant 0 : i32
      %dma_wait3A_117 = arith.constant 0 : i32
      %dma_wait3A_118 = tpu.memref_slice %arg11[%dma_wait3A_116, %dma_wait3A_117] : memref<10000x16xf32, #tpu.memory_space<vmem_shared>> -> memref<10000x16xf32, #tpu.memory_space<vmem_shared>>
      tpu.wait_indirect_dma semaphore(%arg12 : memref<!tpu.dma_semaphore, #tpu.memory_space<semaphore_mem>>) src(%dma_wait3A_118 : memref<10000x16xf32, #tpu.memory_space<vmem_shared>>) dst(%dma_wait3A_112 : memref<128x16xf32, #tpu.memory_space<vmem>>)
      %dma_start3A_119 = arith.constant 0 : i32
      %dma_start3A_120 = arith.constant 0 : i32
      %dma_start3A_121 = arith.constant 0 : i32
      %dma_start3A_122 = tpu.memref_slice %arg8[%dma_start3A_119, %dma_start3A_120, %dma_start3A_121] : memref<2x128x16xf32, #tpu.memory_space<vmem>> -> memref<1x128x16xf32, #tpu.memory_space<vmem>>
      %dma_start3A_123 = tpu.memref_squeeze %dma_start3A_122 : memref<1x128x16xf32, #tpu.memory_space<vmem>> -> memref<128x16xf32, #tpu.memory_space<vmem>>
      %dma_start3A_124 = arith.constant 0 : i32
      %dma_start3A_125 = tpu.memref_slice %arg7[%mul3A_105, %dma_start3A_124] : memref<80x128xi32, #tpu.memory_space<vmem>> -> memref<1x128xi32, #tpu.memory_space<vmem>>
      %dma_start3A_126 = tpu.memref_squeeze %dma_start3A_125 : memref<1x128xi32, #tpu.memory_space<vmem>> -> memref<128xi32, #tpu.memory_space<vmem>>
      %dma_start3A_127 = arith.constant 0 : i32
      %dma_start3A_128 = arith.constant 0 : i32
      %dma_start3A_129 = tpu.memref_slice %arg10[%dma_start3A_127, %dma_start3A_128] : memref<10240x16xf32, #tpu.memory_space<vmem_shared>> -> memref<10240x16xf32, #tpu.memory_space<vmem_shared>>
      tpu.enqueue_indirect_dma source(%dma_start3A_123 : memref<128x16xf32, #tpu.memory_space<vmem>>) target(%dma_start3A_129 : memref<10240x16xf32, #tpu.memory_space<vmem_shared>>) offsets(%dma_start3A_126 : memref<128xi32, #tpu.memory_space<vmem>>) semaphore(%arg14 : memref<!tpu.dma_semaphore, #tpu.memory_space<semaphore_mem>>) {add = true}
      %dma_wait3A_130 = arith.constant 1 : i32
      %dma_wait3A_131 = arith.constant 0 : i32
      %dma_wait3A_132 = arith.constant 0 : i32
      %dma_wait3A_133 = tpu.memref_slice %arg8[%dma_wait3A_130, %dma_wait3A_131, %dma_wait3A_132] : memref<2x128x16xf32, #tpu.memory_space<vmem>> -> memref<1x128x16xf32, #tpu.memory_space<vmem>>
      %dma_wait3A_134 = tpu.memref_squeeze %dma_wait3A_133 : memref<1x128x16xf32, #tpu.memory_space<vmem>> -> memref<128x16xf32, #tpu.memory_space<vmem>>
      %dma_wait3A_135 = arith.constant 0 : i32
      %dma_wait3A_136 = tpu.memref_slice %arg6[%add3A_107, %dma_wait3A_135] : memref<80x128xi32, #tpu.memory_space<vmem>> -> memref<1x128xi32, #tpu.memory_space<vmem>>
      %dma_wait3A_137 = tpu.memref_squeeze %dma_wait3A_136 : memref<1x128xi32, #tpu.memory_space<vmem>> -> memref<128xi32, #tpu.memory_space<vmem>>
      %dma_wait3A_138 = arith.constant 0 : i32
      %dma_wait3A_139 = arith.constant 0 : i32
      %dma_wait3A_140 = tpu.memref_slice %arg11[%dma_wait3A_138, %dma_wait3A_139] : memref<10000x16xf32, #tpu.memory_space<vmem_shared>> -> memref<10000x16xf32, #tpu.memory_space<vmem_shared>>
      tpu.wait_indirect_dma semaphore(%arg13 : memref<!tpu.dma_semaphore, #tpu.memory_space<semaphore_mem>>) src(%dma_wait3A_140 : memref<10000x16xf32, #tpu.memory_space<vmem_shared>>) dst(%dma_wait3A_134 : memref<128x16xf32, #tpu.memory_space<vmem>>)
      %dma_start3A_141 = arith.constant 1 : i32
      %dma_start3A_142 = arith.constant 0 : i32
      %dma_start3A_143 = arith.constant 0 : i32
      %dma_start3A_144 = tpu.memref_slice %arg8[%dma_start3A_141, %dma_start3A_142, %dma_start3A_143] : memref<2x128x16xf32, #tpu.memory_space<vmem>> -> memref<1x128x16xf32, #tpu.memory_space<vmem>>
      %dma_start3A_145 = tpu.memref_squeeze %dma_start3A_144 : memref<1x128x16xf32, #tpu.memory_space<vmem>> -> memref<128x16xf32, #tpu.memory_space<vmem>>
      %dma_start3A_146 = arith.constant 0 : i32
      %dma_start3A_147 = tpu.memref_slice %arg7[%add3A_107, %dma_start3A_146] : memref<80x128xi32, #tpu.memory_space<vmem>> -> memref<1x128xi32, #tpu.memory_space<vmem>>
      %dma_start3A_148 = tpu.memref_squeeze %dma_start3A_147 : memref<1x128xi32, #tpu.memory_space<vmem>> -> memref<128xi32, #tpu.memory_space<vmem>>
      %dma_start3A_149 = arith.constant 0 : i32
      %dma_start3A_150 = arith.constant 0 : i32
      %dma_start3A_151 = tpu.memref_slice %arg10[%dma_start3A_149, %dma_start3A_150] : memref<10240x16xf32, #tpu.memory_space<vmem_shared>> -> memref<10240x16xf32, #tpu.memory_space<vmem_shared>>
      tpu.enqueue_indirect_dma source(%dma_start3A_145 : memref<128x16xf32, #tpu.memory_space<vmem>>) target(%dma_start3A_151 : memref<10240x16xf32, #tpu.memory_space<vmem_shared>>) offsets(%dma_start3A_148 : memref<128xi32, #tpu.memory_space<vmem>>) semaphore(%arg15 : memref<!tpu.dma_semaphore, #tpu.memory_space<semaphore_mem>>) {add = true}
      %dma_wait3A_152 = arith.constant 0 : i32
      %dma_wait3A_153 = arith.constant 0 : i32
      %dma_wait3A_154 = arith.constant 0 : i32
      %dma_wait3A_155 = tpu.memref_slice %arg8[%dma_wait3A_152, %dma_wait3A_153, %dma_wait3A_154] : memref<2x128x16xf32, #tpu.memory_space<vmem>> -> memref<1x128x16xf32, #tpu.memory_space<vmem>>
      %dma_wait3A_156 = tpu.memref_squeeze %dma_wait3A_155 : memref<1x128x16xf32, #tpu.memory_space<vmem>> -> memref<128x16xf32, #tpu.memory_space<vmem>>
      %dma_wait3A_157 = arith.constant 0 : i32
      %dma_wait3A_158 = tpu.memref_slice %arg7[%mul3A_105, %dma_wait3A_157] : memref<80x128xi32, #tpu.memory_space<vmem>> -> memref<1x128xi32, #tpu.memory_space<vmem>>
      %dma_wait3A_159 = tpu.memref_squeeze %dma_wait3A_158 : memref<1x128xi32, #tpu.memory_space<vmem>> -> memref<128xi32, #tpu.memory_space<vmem>>
      %dma_wait3A_160 = arith.constant 0 : i32
      %dma_wait3A_161 = arith.constant 0 : i32
      %dma_wait3A_162 = tpu.memref_slice %arg10[%dma_wait3A_160, %dma_wait3A_161] : memref<10240x16xf32, #tpu.memory_space<vmem_shared>> -> memref<10240x16xf32, #tpu.memory_space<vmem_shared>>
      tpu.wait_indirect_dma semaphore(%arg14 : memref<!tpu.dma_semaphore, #tpu.memory_space<semaphore_mem>>) src(%dma_wait3A_156 : memref<128x16xf32, #tpu.memory_space<vmem>>) dst(%dma_wait3A_162 : memref<10240x16xf32, #tpu.memory_space<vmem_shared>>)
      %add3A_163 = arith.constant 2 : i32
      %add3A_164 = arith.addi %mul3A_105, %add3A_163 : i32
      %sub3A_165 = arith.constant 2 : i32
      %sub3A_166 = arith.subi %add3A_5, %sub3A_165 : i32
      %min3A_167 = arith.minsi %add3A_164, %sub3A_166 : i32
      %dma_start3A_168 = arith.constant 0 : i32
      %dma_start3A_169 = arith.constant 0 : i32
      %dma_start3A_170 = arith.constant 0 : i32
      %dma_start3A_171 = tpu.memref_slice %arg8[%dma_start3A_168, %dma_start3A_169, %dma_start3A_170] : memref<2x128x16xf32, #tpu.memory_space<vmem>> -> memref<1x128x16xf32, #tpu.memory_space<vmem>>
      %dma_start3A_172 = tpu.memref_squeeze %dma_start3A_171 : memref<1x128x16xf32, #tpu.memory_space<vmem>> -> memref<128x16xf32, #tpu.memory_space<vmem>>
      %dma_start3A_173 = arith.constant 0 : i32
      %dma_start3A_174 = tpu.memref_slice %arg6[%min3A_167, %dma_start3A_173] : memref<80x128xi32, #tpu.memory_space<vmem>> -> memref<1x128xi32, #tpu.memory_space<vmem>>
      %dma_start3A_175 = tpu.memref_squeeze %dma_start3A_174 : memref<1x128xi32, #tpu.memory_space<vmem>> -> memref<128xi32, #tpu.memory_space<vmem>>
      %dma_start3A_176 = arith.constant 0 : i32
      %dma_start3A_177 = arith.constant 0 : i32
      %dma_start3A_178 = tpu.memref_slice %arg11[%dma_start3A_176, %dma_start3A_177] : memref<10000x16xf32, #tpu.memory_space<vmem_shared>> -> memref<10000x16xf32, #tpu.memory_space<vmem_shared>>
      tpu.enqueue_indirect_dma source(%dma_start3A_178 : memref<10000x16xf32, #tpu.memory_space<vmem_shared>>) target(%dma_start3A_172 : memref<128x16xf32, #tpu.memory_space<vmem>>) offsets(%dma_start3A_175 : memref<128xi32, #tpu.memory_space<vmem>>) semaphore(%arg12 : memref<!tpu.dma_semaphore, #tpu.memory_space<semaphore_mem>>)
      %dma_wait3A_179 = arith.constant 1 : i32
      %dma_wait3A_180 = arith.constant 0 : i32
      %dma_wait3A_181 = arith.constant 0 : i32
      %dma_wait3A_182 = tpu.memref_slice %arg8[%dma_wait3A_179, %dma_wait3A_180, %dma_wait3A_181] : memref<2x128x16xf32, #tpu.memory_space<vmem>> -> memref<1x128x16xf32, #tpu.memory_space<vmem>>
      %dma_wait3A_183 = tpu.memref_squeeze %dma_wait3A_182 : memref<1x128x16xf32, #tpu.memory_space<vmem>> -> memref<128x16xf32, #tpu.memory_space<vmem>>
      %dma_wait3A_184 = arith.constant 0 : i32
      %dma_wait3A_185 = tpu.memref_slice %arg7[%add3A_107, %dma_wait3A_184] : memref<80x128xi32, #tpu.memory_space<vmem>> -> memref<1x128xi32, #tpu.memory_space<vmem>>
      %dma_wait3A_186 = tpu.memref_squeeze %dma_wait3A_185 : memref<1x128xi32, #tpu.memory_space<vmem>> -> memref<128xi32, #tpu.memory_space<vmem>>
      %dma_wait3A_187 = arith.constant 0 : i32
      %dma_wait3A_188 = arith.constant 0 : i32
      %dma_wait3A_189 = tpu.memref_slice %arg10[%dma_wait3A_187, %dma_wait3A_188] : memref<10240x16xf32, #tpu.memory_space<vmem_shared>> -> memref<10240x16xf32, #tpu.memory_space<vmem_shared>>
      tpu.wait_indirect_dma semaphore(%arg15 : memref<!tpu.dma_semaphore, #tpu.memory_space<semaphore_mem>>) src(%dma_wait3A_183 : memref<128x16xf32, #tpu.memory_space<vmem>>) dst(%dma_wait3A_189 : memref<10240x16xf32, #tpu.memory_space<vmem_shared>>)
      %add3A_190 = arith.constant 2 : i32
      %add3A_191 = arith.addi %add3A_107, %add3A_190 : i32
      %sub3A_192 = arith.constant 1 : i32
      %sub3A_193 = arith.subi %add3A_5, %sub3A_192 : i32
      %min3A_194 = arith.minsi %add3A_191, %sub3A_193 : i32
      %dma_start3A_195 = arith.constant 1 : i32
      %dma_start3A_196 = arith.constant 0 : i32
      %dma_start3A_197 = arith.constant 0 : i32
      %dma_start3A_198 = tpu.memref_slice %arg8[%dma_start3A_195, %dma_start3A_196, %dma_start3A_197] : memref<2x128x16xf32, #tpu.memory_space<vmem>> -> memref<1x128x16xf32, #tpu.memory_space<vmem>>
      %dma_start3A_199 = tpu.memref_squeeze %dma_start3A_198 : memref<1x128x16xf32, #tpu.memory_space<vmem>> -> memref<128x16xf32, #tpu.memory_space<vmem>>
      %dma_start3A_200 = arith.constant 0 : i32
      %dma_start3A_201 = tpu.memref_slice %arg6[%min3A_194, %dma_start3A_200] : memref<80x128xi32, #tpu.memory_space<vmem>> -> memref<1x128xi32, #tpu.memory_space<vmem>>
      %dma_start3A_202 = tpu.memref_squeeze %dma_start3A_201 : memref<1x128xi32, #tpu.memory_space<vmem>> -> memref<128xi32, #tpu.memory_space<vmem>>
      %dma_start3A_203 = arith.constant 0 : i32
      %dma_start3A_204 = arith.constant 0 : i32
      %dma_start3A_205 = tpu.memref_slice %arg11[%dma_start3A_203, %dma_start3A_204] : memref<10000x16xf32, #tpu.memory_space<vmem_shared>> -> memref<10000x16xf32, #tpu.memory_space<vmem_shared>>
      tpu.enqueue_indirect_dma source(%dma_start3A_205 : memref<10000x16xf32, #tpu.memory_space<vmem_shared>>) target(%dma_start3A_199 : memref<128x16xf32, #tpu.memory_space<vmem>>) offsets(%dma_start3A_202 : memref<128xi32, #tpu.memory_space<vmem>>) semaphore(%arg13 : memref<!tpu.dma_semaphore, #tpu.memory_space<semaphore_mem>>)
    }
    %dma_wait3A = arith.constant 0 : i32
    %dma_wait3A_75 = arith.constant 0 : i32
    %dma_wait3A_76 = arith.constant 0 : i32
    %dma_wait3A_77 = arith.constant 0 : i32
    %dma_wait3A_78 = tpu.memref_slice %arg8[%dma_wait3A_75, %dma_wait3A_76, %dma_wait3A_77] : memref<2x128x16xf32, #tpu.memory_space<vmem>> -> memref<1x128x16xf32, #tpu.memory_space<vmem>>
    %dma_wait3A_79 = tpu.memref_squeeze %dma_wait3A_78 : memref<1x128x16xf32, #tpu.memory_space<vmem>> -> memref<128x16xf32, #tpu.memory_space<vmem>>
    %dma_wait3A_80 = arith.constant 0 : i32
    %dma_wait3A_81 = tpu.memref_slice %arg6[%dma_wait3A, %dma_wait3A_80] : memref<80x128xi32, #tpu.memory_space<vmem>> -> memref<1x128xi32, #tpu.memory_space<vmem>>
    %dma_wait3A_82 = tpu.memref_squeeze %dma_wait3A_81 : memref<1x128xi32, #tpu.memory_space<vmem>> -> memref<128xi32, #tpu.memory_space<vmem>>
    %dma_wait3A_83 = arith.constant 0 : i32
    %dma_wait3A_84 = arith.constant 0 : i32
    %dma_wait3A_85 = tpu.memref_slice %arg11[%dma_wait3A_83, %dma_wait3A_84] : memref<10000x16xf32, #tpu.memory_space<vmem_shared>> -> memref<10000x16xf32, #tpu.memory_space<vmem_shared>>
    tpu.wait_indirect_dma semaphore(%arg12 : memref<!tpu.dma_semaphore, #tpu.memory_space<semaphore_mem>>) src(%dma_wait3A_85 : memref<10000x16xf32, #tpu.memory_space<vmem_shared>>) dst(%dma_wait3A_79 : memref<128x16xf32, #tpu.memory_space<vmem>>)
    %dma_wait3A_86 = arith.constant 1 : i32
    %dma_wait3A_87 = arith.constant 1 : i32
    %dma_wait3A_88 = arith.constant 0 : i32
    %dma_wait3A_89 = arith.constant 0 : i32
    %dma_wait3A_90 = tpu.memref_slice %arg8[%dma_wait3A_87, %dma_wait3A_88, %dma_wait3A_89] : memref<2x128x16xf32, #tpu.memory_space<vmem>> -> memref<1x128x16xf32, #tpu.memory_space<vmem>>
    %dma_wait3A_91 = tpu.memref_squeeze %dma_wait3A_90 : memref<1x128x16xf32, #tpu.memory_space<vmem>> -> memref<128x16xf32, #tpu.memory_space<vmem>>
    %dma_wait3A_92 = arith.constant 0 : i32
    %dma_wait3A_93 = tpu.memref_slice %arg6[%dma_wait3A_86, %dma_wait3A_92] : memref<80x128xi32, #tpu.memory_space<vmem>> -> memref<1x128xi32, #tpu.memory_space<vmem>>
    %dma_wait3A_94 = tpu.memref_squeeze %dma_wait3A_93 : memref<1x128xi32, #tpu.memory_space<vmem>> -> memref<128xi32, #tpu.memory_space<vmem>>
    %dma_wait3A_95 = arith.constant 0 : i32
    %dma_wait3A_96 = arith.constant 0 : i32
    %dma_wait3A_97 = tpu.memref_slice %arg11[%dma_wait3A_95, %dma_wait3A_96] : memref<10000x16xf32, #tpu.memory_space<vmem_shared>> -> memref<10000x16xf32, #tpu.memory_space<vmem_shared>>
    tpu.wait_indirect_dma semaphore(%arg13 : memref<!tpu.dma_semaphore, #tpu.memory_space<semaphore_mem>>) src(%dma_wait3A_97 : memref<10000x16xf32, #tpu.memory_space<vmem_shared>>) dst(%dma_wait3A_91 : memref<128x16xf32, #tpu.memory_space<vmem>>)
    %barrier3A_98 = arith.constant 0 : index
    tpu.barrier barrier_id(%barrier3A_98)
    %mul3A_99 = arith.constant 640 : i32
    %mul3A_100 = arith.muli %arg1, %mul3A_99 : i32
    %mul3A_101 = arith.constant 640 : i32
    %mul3A_102 = arith.muli %arg1, %mul3A_101 : i32
    "tpu.region"() ({
      %run_scoped3A = tpu.sem_alloc : memref<!tpu.dma_semaphore, #tpu.memory_space<semaphore_mem>>
      %dma_start3A_103 = arith.constant 0 : i32
      %dma_start3A_104 = tpu.memref_slice %arg5[%arg0, %mul3A_102, %dma_start3A_103] : memref<2x10240x16xf32, #tpu.memory_space<hbm>> -> memref<1x640x16xf32, #tpu.memory_space<hbm>>
      %dma_start3A_105 = tpu.memref_squeeze %dma_start3A_104 : memref<1x640x16xf32, #tpu.memory_space<hbm>> -> memref<640x16xf32, #tpu.memory_space<hbm>>
      %dma_start3A_106 = arith.constant 0 : i32
      %dma_start3A_107 = tpu.memref_slice %arg10[%mul3A_100, %dma_start3A_106] : memref<10240x16xf32, #tpu.memory_space<vmem_shared>> -> memref<640x16xf32, #tpu.memory_space<vmem_shared>>
      tpu.enqueue_dma source(%dma_start3A_107 : memref<640x16xf32, #tpu.memory_space<vmem_shared>>) target(%dma_start3A_105 : memref<640x16xf32, #tpu.memory_space<hbm>>) target_semaphore(%run_scoped3A : memref<!tpu.dma_semaphore, #tpu.memory_space<semaphore_mem>>)
      %dma_wait3A_108 = arith.constant 0 : i32
      %dma_wait3A_109 = tpu.memref_slice %arg5[%arg0, %mul3A_102, %dma_wait3A_108] : memref<2x10240x16xf32, #tpu.memory_space<hbm>> -> memref<1x640x16xf32, #tpu.memory_space<hbm>>
      %dma_wait3A_110 = tpu.memref_squeeze %dma_wait3A_109 : memref<1x640x16xf32, #tpu.memory_space<hbm>> -> memref<640x16xf32, #tpu.memory_space<hbm>>
      %dma_wait3A_111 = arith.constant 0 : i32
      %dma_wait3A_112 = tpu.memref_slice %arg10[%mul3A_100, %dma_wait3A_111] : memref<10240x16xf32, #tpu.memory_space<vmem_shared>> -> memref<640x16xf32, #tpu.memory_space<vmem_shared>>
      tpu.wait_dma2 semaphore(%run_scoped3A : memref<!tpu.dma_semaphore, #tpu.memory_space<semaphore_mem>>) src(%dma_wait3A_112 : memref<640x16xf32, #tpu.memory_space<vmem_shared>>) dst(%dma_wait3A_110 : memref<640x16xf32, #tpu.memory_space<hbm>>)
      tpu.yield
    }) : () -> ()
    return
  }
}

#map = affine_map<(d0, d1) -> (0, 0)>
#map1 = affine_map<(d0, d1) -> (0, 0, 0)>
module attributes {stable_mosaic.version = 14 : i64} {
  func.func @edge_kernel(%arg0: i32, %arg1: i32, %arg2: memref<2500x128xi32, #tpu.memory_space<hbm>>, %arg3: memref<2500x128xi32, #tpu.memory_space<hbm>>, %arg4: memref<10000x16xf32, #tpu.memory_space<hbm>>, %arg5: memref<2x10240x16xf32, #tpu.memory_space<hbm>>, %arg6: memref<80x128xi32, #tpu.memory_space<vmem>>, %arg7: memref<80x128xi32, #tpu.memory_space<vmem>>, %arg8: memref<2x128x16xf32, #tpu.memory_space<vmem>>, %arg9: memref<640x16xf32, #tpu.memory_space<vmem>>, %arg10: memref<10240x16xf32, #tpu.memory_space<vmem_shared>>, %arg11: memref<10000x16xf32, #tpu.memory_space<vmem_shared>>, %arg12: memref<!tpu.dma_semaphore, #tpu.memory_space<semaphore_mem>>, %arg13: memref<!tpu.dma_semaphore, #tpu.memory_space<semaphore_mem>>, %arg14: memref<!tpu.dma_semaphore, #tpu.memory_space<semaphore_mem>>, %arg15: memref<!tpu.dma_semaphore, #tpu.memory_space<semaphore_mem>>) attributes {dimension_semantics = [#tpu.dimension_semantics<core_parallel>, #tpu.dimension_semantics<subcore_parallel>], iteration_bounds = array<i64: 2, 16>, scalar_prefetch = 0 : i64, scratch_operands = 10 : i64, tpu.core_type = #tpu.core_type<sc_vector_subcore>, window_params = [{transform_indices = #map}, {transform_indices = #map}, {transform_indices = #map}, {transform_indices = #map1}]} {
    %mul3A = arith.constant 16 : i32
    %mul3A_0 = arith.muli %arg0, %mul3A : i32
    %add3A = arith.addi %mul3A_0, %arg1 : i32
    %lt3A = arith.constant 2 : i32
    %lt3A_1 = arith.cmpi slt, %add3A, %lt3A : i32
    %convert_element_type3A = arith.extui %lt3A_1 : i1 to i32
    %mul3A_2 = arith.constant 2 : i32
    %mul3A_3 = arith.muli %mul3A_2, %convert_element_type3A : i32
    %add3A_4 = arith.constant 78 : i32
    %add3A_5 = arith.addi %add3A_4, %mul3A_3 : i32
    %mul3A_6 = arith.constant 78 : i32
    %mul3A_7 = arith.muli %mul3A_6, %add3A : i32
    %min3A = arith.constant 2 : i32
    %min3A_8 = arith.minsi %add3A, %min3A : i32
    %mul3A_9 = arith.constant 2 : i32
    %mul3A_10 = arith.muli %mul3A_9, %min3A_8 : i32
    %add3A_11 = arith.addi %mul3A_7, %mul3A_10 : i32
    "tpu.region"() ({
      %run_scoped3A = tpu.sem_alloc : memref<!tpu.dma_semaphore, #tpu.memory_space<semaphore_mem>>
      %dma_start3A_103 = arith.constant 0 : i32
      %dma_start3A_104 = arith.constant 0 : i32
      %dma_start3A_105 = tpu.memref_slice %arg6[%dma_start3A_103, %dma_start3A_104] : memref<80x128xi32, #tpu.memory_space<vmem>> -> memref<78x128xi32, #tpu.memory_space<vmem>>
      %dma_start3A_106 = arith.constant 0 : i32
      %dma_start3A_107 = tpu.memref_slice %arg2[%add3A_11, %dma_start3A_106] : memref<2500x128xi32, #tpu.memory_space<hbm>> -> memref<78x128xi32, #tpu.memory_space<hbm>>
      %dma_start3A_108 = arith.constant 0 : i32
      %dma_start3A_109 = arith.constant 0 : i32
      %dma_start3A_110 = tpu.memref_slice %arg6[%dma_start3A_108, %dma_start3A_109] : memref<80x128xi32, #tpu.memory_space<vmem>> -> memref<78x128xi32, #tpu.memory_space<vmem>>
      %dma_start3A_111 = arith.constant 0 : i32
      %dma_start3A_112 = tpu.memref_slice %arg2[%add3A_11, %dma_start3A_111] : memref<2500x128xi32, #tpu.memory_space<hbm>> -> memref<78x128xi32, #tpu.memory_space<hbm>>
      tpu.enqueue_dma source(%dma_start3A_112 : memref<78x128xi32, #tpu.memory_space<hbm>>) target(%dma_start3A_110 : memref<78x128xi32, #tpu.memory_space<vmem>>) target_semaphore(%run_scoped3A : memref<!tpu.dma_semaphore, #tpu.memory_space<semaphore_mem>>)
      %dma_wait3A_113 = arith.constant 0 : i32
      %dma_wait3A_114 = arith.constant 0 : i32
      %dma_wait3A_115 = tpu.memref_slice %arg6[%dma_wait3A_113, %dma_wait3A_114] : memref<80x128xi32, #tpu.memory_space<vmem>> -> memref<78x128xi32, #tpu.memory_space<vmem>>
      %dma_wait3A_116 = arith.constant 0 : i32
      %dma_wait3A_117 = tpu.memref_slice %arg2[%add3A_11, %dma_wait3A_116] : memref<2500x128xi32, #tpu.memory_space<hbm>> -> memref<78x128xi32, #tpu.memory_space<hbm>>
      %dma_wait3A_118 = arith.constant 0 : i32
      %dma_wait3A_119 = arith.constant 0 : i32
      %dma_wait3A_120 = tpu.memref_slice %arg6[%dma_wait3A_118, %dma_wait3A_119] : memref<80x128xi32, #tpu.memory_space<vmem>> -> memref<78x128xi32, #tpu.memory_space<vmem>>
      %dma_wait3A_121 = arith.constant 0 : i32
      %dma_wait3A_122 = tpu.memref_slice %arg2[%add3A_11, %dma_wait3A_121] : memref<2500x128xi32, #tpu.memory_space<hbm>> -> memref<78x128xi32, #tpu.memory_space<hbm>>
      tpu.wait_dma2 semaphore(%run_scoped3A : memref<!tpu.dma_semaphore, #tpu.memory_space<semaphore_mem>>) src(%dma_wait3A_122 : memref<78x128xi32, #tpu.memory_space<hbm>>) dst(%dma_wait3A_120 : memref<78x128xi32, #tpu.memory_space<vmem>>)
      tpu.yield
    }) : () -> ()
    "tpu.region"() ({
      %run_scoped3A = tpu.sem_alloc : memref<!tpu.dma_semaphore, #tpu.memory_space<semaphore_mem>>
      %dma_start3A_103 = arith.constant 0 : i32
      %dma_start3A_104 = arith.constant 0 : i32
      %dma_start3A_105 = tpu.memref_slice %arg7[%dma_start3A_103, %dma_start3A_104] : memref<80x128xi32, #tpu.memory_space<vmem>> -> memref<78x128xi32, #tpu.memory_space<vmem>>
      %dma_start3A_106 = arith.constant 0 : i32
      %dma_start3A_107 = tpu.memref_slice %arg3[%add3A_11, %dma_start3A_106] : memref<2500x128xi32, #tpu.memory_space<hbm>> -> memref<78x128xi32, #tpu.memory_space<hbm>>
      %dma_start3A_108 = arith.constant 0 : i32
      %dma_start3A_109 = arith.constant 0 : i32
      %dma_start3A_110 = tpu.memref_slice %arg7[%dma_start3A_108, %dma_start3A_109] : memref<80x128xi32, #tpu.memory_space<vmem>> -> memref<78x128xi32, #tpu.memory_space<vmem>>
      %dma_start3A_111 = arith.constant 0 : i32
      %dma_start3A_112 = tpu.memref_slice %arg3[%add3A_11, %dma_start3A_111] : memref<2500x128xi32, #tpu.memory_space<hbm>> -> memref<78x128xi32, #tpu.memory_space<hbm>>
      tpu.enqueue_dma source(%dma_start3A_112 : memref<78x128xi32, #tpu.memory_space<hbm>>) target(%dma_start3A_110 : memref<78x128xi32, #tpu.memory_space<vmem>>) target_semaphore(%run_scoped3A : memref<!tpu.dma_semaphore, #tpu.memory_space<semaphore_mem>>)
      %dma_wait3A_113 = arith.constant 0 : i32
      %dma_wait3A_114 = arith.constant 0 : i32
      %dma_wait3A_115 = tpu.memref_slice %arg7[%dma_wait3A_113, %dma_wait3A_114] : memref<80x128xi32, #tpu.memory_space<vmem>> -> memref<78x128xi32, #tpu.memory_space<vmem>>
      %dma_wait3A_116 = arith.constant 0 : i32
      %dma_wait3A_117 = tpu.memref_slice %arg3[%add3A_11, %dma_wait3A_116] : memref<2500x128xi32, #tpu.memory_space<hbm>> -> memref<78x128xi32, #tpu.memory_space<hbm>>
      %dma_wait3A_118 = arith.constant 0 : i32
      %dma_wait3A_119 = arith.constant 0 : i32
      %dma_wait3A_120 = tpu.memref_slice %arg7[%dma_wait3A_118, %dma_wait3A_119] : memref<80x128xi32, #tpu.memory_space<vmem>> -> memref<78x128xi32, #tpu.memory_space<vmem>>
      %dma_wait3A_121 = arith.constant 0 : i32
      %dma_wait3A_122 = tpu.memref_slice %arg3[%add3A_11, %dma_wait3A_121] : memref<2500x128xi32, #tpu.memory_space<hbm>> -> memref<78x128xi32, #tpu.memory_space<hbm>>
      tpu.wait_dma2 semaphore(%run_scoped3A : memref<!tpu.dma_semaphore, #tpu.memory_space<semaphore_mem>>) src(%dma_wait3A_122 : memref<78x128xi32, #tpu.memory_space<hbm>>) dst(%dma_wait3A_120 : memref<78x128xi32, #tpu.memory_space<vmem>>)
      tpu.yield
    }) : () -> ()
    %add3A_12 = arith.constant 78 : i32
    %add3A_13 = arith.addi %add3A_11, %add3A_12 : i32
    %min3A_14 = arith.constant 2498 : i32
    %min3A_15 = arith.minsi %add3A_13, %min3A_14 : i32
    "tpu.region"() ({
      %run_scoped3A = tpu.sem_alloc : memref<!tpu.dma_semaphore, #tpu.memory_space<semaphore_mem>>
      %dma_start3A_103 = arith.constant 78 : i32
      %dma_start3A_104 = arith.constant 0 : i32
      %dma_start3A_105 = tpu.memref_slice %arg6[%dma_start3A_103, %dma_start3A_104] : memref<80x128xi32, #tpu.memory_space<vmem>> -> memref<2x128xi32, #tpu.memory_space<vmem>>
      %dma_start3A_106 = arith.constant 0 : i32
      %dma_start3A_107 = tpu.memref_slice %arg2[%min3A_15, %dma_start3A_106] : memref<2500x128xi32, #tpu.memory_space<hbm>> -> memref<2x128xi32, #tpu.memory_space<hbm>>
      %dma_start3A_108 = arith.constant 78 : i32
      %dma_start3A_109 = arith.constant 0 : i32
      %dma_start3A_110 = tpu.memref_slice %arg6[%dma_start3A_108, %dma_start3A_109] : memref<80x128xi32, #tpu.memory_space<vmem>> -> memref<2x128xi32, #tpu.memory_space<vmem>>
      %dma_start3A_111 = arith.constant 0 : i32
      %dma_start3A_112 = tpu.memref_slice %arg2[%min3A_15, %dma_start3A_111] : memref<2500x128xi32, #tpu.memory_space<hbm>> -> memref<2x128xi32, #tpu.memory_space<hbm>>
      tpu.enqueue_dma source(%dma_start3A_112 : memref<2x128xi32, #tpu.memory_space<hbm>>) target(%dma_start3A_110 : memref<2x128xi32, #tpu.memory_space<vmem>>) target_semaphore(%run_scoped3A : memref<!tpu.dma_semaphore, #tpu.memory_space<semaphore_mem>>)
      %dma_wait3A_113 = arith.constant 78 : i32
      %dma_wait3A_114 = arith.constant 0 : i32
      %dma_wait3A_115 = tpu.memref_slice %arg6[%dma_wait3A_113, %dma_wait3A_114] : memref<80x128xi32, #tpu.memory_space<vmem>> -> memref<2x128xi32, #tpu.memory_space<vmem>>
      %dma_wait3A_116 = arith.constant 0 : i32
      %dma_wait3A_117 = tpu.memref_slice %arg2[%min3A_15, %dma_wait3A_116] : memref<2500x128xi32, #tpu.memory_space<hbm>> -> memref<2x128xi32, #tpu.memory_space<hbm>>
      %dma_wait3A_118 = arith.constant 78 : i32
      %dma_wait3A_119 = arith.constant 0 : i32
      %dma_wait3A_120 = tpu.memref_slice %arg6[%dma_wait3A_118, %dma_wait3A_119] : memref<80x128xi32, #tpu.memory_space<vmem>> -> memref<2x128xi32, #tpu.memory_space<vmem>>
      %dma_wait3A_121 = arith.constant 0 : i32
      %dma_wait3A_122 = tpu.memref_slice %arg2[%min3A_15, %dma_wait3A_121] : memref<2500x128xi32, #tpu.memory_space<hbm>> -> memref<2x128xi32, #tpu.memory_space<hbm>>
      tpu.wait_dma2 semaphore(%run_scoped3A : memref<!tpu.dma_semaphore, #tpu.memory_space<semaphore_mem>>) src(%dma_wait3A_122 : memref<2x128xi32, #tpu.memory_space<hbm>>) dst(%dma_wait3A_120 : memref<2x128xi32, #tpu.memory_space<vmem>>)
      tpu.yield
    }) : () -> ()
    "tpu.region"() ({
      %run_scoped3A = tpu.sem_alloc : memref<!tpu.dma_semaphore, #tpu.memory_space<semaphore_mem>>
      %dma_start3A_103 = arith.constant 78 : i32
      %dma_start3A_104 = arith.constant 0 : i32
      %dma_start3A_105 = tpu.memref_slice %arg7[%dma_start3A_103, %dma_start3A_104] : memref<80x128xi32, #tpu.memory_space<vmem>> -> memref<2x128xi32, #tpu.memory_space<vmem>>
      %dma_start3A_106 = arith.constant 0 : i32
      %dma_start3A_107 = tpu.memref_slice %arg3[%min3A_15, %dma_start3A_106] : memref<2500x128xi32, #tpu.memory_space<hbm>> -> memref<2x128xi32, #tpu.memory_space<hbm>>
      %dma_start3A_108 = arith.constant 78 : i32
      %dma_start3A_109 = arith.constant 0 : i32
      %dma_start3A_110 = tpu.memref_slice %arg7[%dma_start3A_108, %dma_start3A_109] : memref<80x128xi32, #tpu.memory_space<vmem>> -> memref<2x128xi32, #tpu.memory_space<vmem>>
      %dma_start3A_111 = arith.constant 0 : i32
      %dma_start3A_112 = tpu.memref_slice %arg3[%min3A_15, %dma_start3A_111] : memref<2500x128xi32, #tpu.memory_space<hbm>> -> memref<2x128xi32, #tpu.memory_space<hbm>>
      tpu.enqueue_dma source(%dma_start3A_112 : memref<2x128xi32, #tpu.memory_space<hbm>>) target(%dma_start3A_110 : memref<2x128xi32, #tpu.memory_space<vmem>>) target_semaphore(%run_scoped3A : memref<!tpu.dma_semaphore, #tpu.memory_space<semaphore_mem>>)
      %dma_wait3A_113 = arith.constant 78 : i32
      %dma_wait3A_114 = arith.constant 0 : i32
      %dma_wait3A_115 = tpu.memref_slice %arg7[%dma_wait3A_113, %dma_wait3A_114] : memref<80x128xi32, #tpu.memory_space<vmem>> -> memref<2x128xi32, #tpu.memory_space<vmem>>
      %dma_wait3A_116 = arith.constant 0 : i32
      %dma_wait3A_117 = tpu.memref_slice %arg3[%min3A_15, %dma_wait3A_116] : memref<2500x128xi32, #tpu.memory_space<hbm>> -> memref<2x128xi32, #tpu.memory_space<hbm>>
      %dma_wait3A_118 = arith.constant 78 : i32
      %dma_wait3A_119 = arith.constant 0 : i32
      %dma_wait3A_120 = tpu.memref_slice %arg7[%dma_wait3A_118, %dma_wait3A_119] : memref<80x128xi32, #tpu.memory_space<vmem>> -> memref<2x128xi32, #tpu.memory_space<vmem>>
      %dma_wait3A_121 = arith.constant 0 : i32
      %dma_wait3A_122 = tpu.memref_slice %arg3[%min3A_15, %dma_wait3A_121] : memref<2500x128xi32, #tpu.memory_space<hbm>> -> memref<2x128xi32, #tpu.memory_space<hbm>>
      tpu.wait_dma2 semaphore(%run_scoped3A : memref<!tpu.dma_semaphore, #tpu.memory_space<semaphore_mem>>) src(%dma_wait3A_122 : memref<2x128xi32, #tpu.memory_space<hbm>>) dst(%dma_wait3A_120 : memref<2x128xi32, #tpu.memory_space<vmem>>)
      tpu.yield
    }) : () -> ()
    %mul3A_16 = arith.constant 632 : i32
    %mul3A_17 = arith.muli %arg1, %mul3A_16 : i32
    %min3A_18 = arith.constant 9368 : i32
    %min3A_19 = arith.minsi %mul3A_17, %min3A_18 : i32
    "tpu.region"() ({
      %run_scoped3A = tpu.sem_alloc : memref<!tpu.dma_semaphore, #tpu.memory_space<semaphore_mem>>
      %dma_start3A_103 = arith.constant 0 : i32
      %dma_start3A_104 = tpu.memref_slice %arg11[%min3A_19, %dma_start3A_103] : memref<10000x16xf32, #tpu.memory_space<vmem_shared>> -> memref<632x16xf32, #tpu.memory_space<vmem_shared>>
      %dma_start3A_105 = arith.constant 0 : i32
      %dma_start3A_106 = tpu.memref_slice %arg4[%min3A_19, %dma_start3A_105] : memref<10000x16xf32, #tpu.memory_space<hbm>> -> memref<632x16xf32, #tpu.memory_space<hbm>>
      tpu.enqueue_dma source(%dma_start3A_106 : memref<632x16xf32, #tpu.memory_space<hbm>>) target(%dma_start3A_104 : memref<632x16xf32, #tpu.memory_space<vmem_shared>>) target_semaphore(%run_scoped3A : memref<!tpu.dma_semaphore, #tpu.memory_space<semaphore_mem>>)
      %dma_wait3A_107 = arith.constant 0 : i32
      %dma_wait3A_108 = tpu.memref_slice %arg11[%min3A_19, %dma_wait3A_107] : memref<10000x16xf32, #tpu.memory_space<vmem_shared>> -> memref<632x16xf32, #tpu.memory_space<vmem_shared>>
      %dma_wait3A_109 = arith.constant 0 : i32
      %dma_wait3A_110 = tpu.memref_slice %arg4[%min3A_19, %dma_wait3A_109] : memref<10000x16xf32, #tpu.memory_space<hbm>> -> memref<632x16xf32, #tpu.memory_space<hbm>>
      tpu.wait_dma2 semaphore(%run_scoped3A : memref<!tpu.dma_semaphore, #tpu.memory_space<semaphore_mem>>) src(%dma_wait3A_110 : memref<632x16xf32, #tpu.memory_space<hbm>>) dst(%dma_wait3A_108 : memref<632x16xf32, #tpu.memory_space<vmem_shared>>)
      tpu.yield
    }) : () -> ()
    %scan3A = arith.constant 0 : i32
    %scan3A_20 = arith.constant 0 : i32
    %scan3A_21 = arith.constant 640 : i32
    %scan3A_22 = arith.addi %scan3A_20, %scan3A_21 : i32
    %scan3A_23 = arith.constant 1 : i32
    scf.for %scan3A_103 = %scan3A_20 to %scan3A_22 step %scan3A_23  : i32 {
      %broadcast_in_dim3A = arith.constant 0.000000e+00 : f32
      %broadcast_in_dim3A_104 = vector.broadcast %broadcast_in_dim3A : f32 to vector<16xf32>
      %swap3A = arith.index_cast %scan3A_103 : i32 to index
      %swap3A_105 = arith.constant 0 : index
      %swap3A_106 = tpu.vector_load %arg9[%swap3A, %swap3A_105] {strides = array<i32>} : memref<640x16xf32, #tpu.memory_space<vmem>>, vector<1x16xf32>,
      %swap3A_107 = vector.shape_cast %swap3A_106 : vector<1x16xf32> to vector<16xf32>
      %swap3A_108 = vector.shape_cast %broadcast_in_dim3A_104 : vector<16xf32> to vector<1x16xf32>
      tpu.vector_store %arg9[%swap3A, %swap3A_105], %swap3A_108 {strides = array<i32>} : memref<640x16xf32, #tpu.memory_space<vmem>>, vector<1x16xf32>,
    }
    %scan3A_24 = arith.constant 640 : i32
    %mul3A_25 = arith.constant 640 : i32
    %mul3A_26 = arith.muli %arg1, %mul3A_25 : i32
    "tpu.region"() ({
      %run_scoped3A = tpu.sem_alloc : memref<!tpu.dma_semaphore, #tpu.memory_space<semaphore_mem>>
      %dma_start3A_103 = arith.constant 0 : i32
      %dma_start3A_104 = tpu.memref_slice %arg10[%mul3A_26, %dma_start3A_103] : memref<10240x16xf32, #tpu.memory_space<vmem_shared>> -> memref<640x16xf32, #tpu.memory_space<vmem_shared>>
      %dma_start3A_105 = arith.constant 0 : i32
      %dma_start3A_106 = tpu.memref_slice %arg10[%mul3A_26, %dma_start3A_105] : memref<10240x16xf32, #tpu.memory_space<vmem_shared>> -> memref<640x16xf32, #tpu.memory_space<vmem_shared>>
      tpu.enqueue_dma source(%arg9 : memref<640x16xf32, #tpu.memory_space<vmem>>) target(%dma_start3A_106 : memref<640x16xf32, #tpu.memory_space<vmem_shared>>) target_semaphore(%run_scoped3A : memref<!tpu.dma_semaphore, #tpu.memory_space<semaphore_mem>>)
      %dma_wait3A_107 = arith.constant 0 : i32
      %dma_wait3A_108 = tpu.memref_slice %arg10[%mul3A_26, %dma_wait3A_107] : memref<10240x16xf32, #tpu.memory_space<vmem_shared>> -> memref<640x16xf32, #tpu.memory_space<vmem_shared>>
      %dma_wait3A_109 = arith.constant 0 : i32
      %dma_wait3A_110 = tpu.memref_slice %arg10[%mul3A_26, %dma_wait3A_109] : memref<10240x16xf32, #tpu.memory_space<vmem_shared>> -> memref<640x16xf32, #tpu.memory_space<vmem_shared>>
      tpu.wait_dma2 semaphore(%run_scoped3A : memref<!tpu.dma_semaphore, #tpu.memory_space<semaphore_mem>>) src(%arg9 : memref<640x16xf32, #tpu.memory_space<vmem>>) dst(%dma_wait3A_110 : memref<640x16xf32, #tpu.memory_space<vmem_shared>>)
      tpu.yield
    }) : () -> ()
    %barrier3A = arith.constant 0 : index
    tpu.barrier barrier_id(%barrier3A)
    %dma_start3A = arith.constant 0 : i32
    %dma_start3A_27 = arith.constant 0 : i32
    %dma_start3A_28 = arith.constant 0 : i32
    %dma_start3A_29 = arith.constant 0 : i32
    %dma_start3A_30 = tpu.memref_slice %arg8[%dma_start3A_27, %dma_start3A_28, %dma_start3A_29] : memref<2x128x16xf32, #tpu.memory_space<vmem>> -> memref<1x128x16xf32, #tpu.memory_space<vmem>>
    %dma_start3A_31 = tpu.memref_squeeze %dma_start3A_30 : memref<1x128x16xf32, #tpu.memory_space<vmem>> -> memref<128x16xf32, #tpu.memory_space<vmem>>
    %dma_start3A_32 = arith.constant 0 : i32
    %dma_start3A_33 = tpu.memref_slice %arg6[%dma_start3A, %dma_start3A_32] : memref<80x128xi32, #tpu.memory_space<vmem>> -> memref<1x128xi32, #tpu.memory_space<vmem>>
    %dma_start3A_34 = tpu.memref_squeeze %dma_start3A_33 : memref<1x128xi32, #tpu.memory_space<vmem>> -> memref<128xi32, #tpu.memory_space<vmem>>
    %dma_start3A_35 = arith.constant 0 : i32
    %dma_start3A_36 = arith.constant 0 : i32
    %dma_start3A_37 = tpu.memref_slice %arg11[%dma_start3A_35, %dma_start3A_36] : memref<10000x16xf32, #tpu.memory_space<vmem_shared>> -> memref<10000x16xf32, #tpu.memory_space<vmem_shared>>
    tpu.enqueue_indirect_dma source(%dma_start3A_37 : memref<10000x16xf32, #tpu.memory_space<vmem_shared>>) target(%dma_start3A_31 : memref<128x16xf32, #tpu.memory_space<vmem>>) offsets(%dma_start3A_34 : memref<128xi32, #tpu.memory_space<vmem>>) semaphore(%arg12 : memref<!tpu.dma_semaphore, #tpu.memory_space<semaphore_mem>>)
    %dma_start3A_38 = arith.constant 1 : i32
    %dma_start3A_39 = arith.constant 1 : i32
    %dma_start3A_40 = arith.constant 0 : i32
    %dma_start3A_41 = arith.constant 0 : i32
    %dma_start3A_42 = tpu.memref_slice %arg8[%dma_start3A_39, %dma_start3A_40, %dma_start3A_41] : memref<2x128x16xf32, #tpu.memory_space<vmem>> -> memref<1x128x16xf32, #tpu.memory_space<vmem>>
    %dma_start3A_43 = tpu.memref_squeeze %dma_start3A_42 : memref<1x128x16xf32, #tpu.memory_space<vmem>> -> memref<128x16xf32, #tpu.memory_space<vmem>>
    %dma_start3A_44 = arith.constant 0 : i32
    %dma_start3A_45 = tpu.memref_slice %arg6[%dma_start3A_38, %dma_start3A_44] : memref<80x128xi32, #tpu.memory_space<vmem>> -> memref<1x128xi32, #tpu.memory_space<vmem>>
    %dma_start3A_46 = tpu.memref_squeeze %dma_start3A_45 : memref<1x128xi32, #tpu.memory_space<vmem>> -> memref<128xi32, #tpu.memory_space<vmem>>
    %dma_start3A_47 = arith.constant 0 : i32
    %dma_start3A_48 = arith.constant 0 : i32
    %dma_start3A_49 = tpu.memref_slice %arg11[%dma_start3A_47, %dma_start3A_48] : memref<10000x16xf32, #tpu.memory_space<vmem_shared>> -> memref<10000x16xf32, #tpu.memory_space<vmem_shared>>
    tpu.enqueue_indirect_dma source(%dma_start3A_49 : memref<10000x16xf32, #tpu.memory_space<vmem_shared>>) target(%dma_start3A_43 : memref<128x16xf32, #tpu.memory_space<vmem>>) offsets(%dma_start3A_46 : memref<128xi32, #tpu.memory_space<vmem>>) semaphore(%arg13 : memref<!tpu.dma_semaphore, #tpu.memory_space<semaphore_mem>>)
    %jit3A = arith.constant 2 : i32
    %div3A = arith.divsi %add3A_5, %jit3A : i32
    %sign3A = arith.constant 0 : i32
    %sign3A_50 = arith.cmpi sgt, %add3A_5, %sign3A : i32
    %sign3A_51 = arith.extui %sign3A_50 : i1 to i32
    %sign3A_52 = arith.constant 0 : i32
    %sign3A_53 = arith.cmpi slt, %add3A_5, %sign3A_52 : i32
    %sign3A_54 = arith.extui %sign3A_53 : i1 to i32
    %sign3A_55 = arith.subi %sign3A_51, %sign3A_54 : i32
    %sign3A_56 = arith.constant 0 : i32
    %sign3A_57 = arith.cmpi sgt, %jit3A, %sign3A_56 : i32
    %sign3A_58 = arith.extui %sign3A_57 : i1 to i32
    %sign3A_59 = arith.constant 0 : i32
    %sign3A_60 = arith.cmpi slt, %jit3A, %sign3A_59 : i32
    %sign3A_61 = arith.extui %sign3A_60 : i1 to i32
    %sign3A_62 = arith.subi %sign3A_58, %sign3A_61 : i32
    %ne3A = arith.cmpi ne, %sign3A_55, %sign3A_62 : i32
    %rem3A = arith.remsi %add3A_5, %jit3A : i32
    %ne3A_63 = arith.constant 0 : i32
    %ne3A_64 = arith.cmpi ne, %rem3A, %ne3A_63 : i32
    %and3A = arith.andi %ne3A, %ne3A_64 : i1
    %sub3A = arith.constant 1 : i32
    %sub3A_65 = arith.subi %div3A, %sub3A : i32
    %select_n3A = arith.select %and3A, %sub3A_65, %div3A : i32
    %while3A = arith.constant 0 : i32
    %while3A_66 = arith.constant 0 : i32
    %while3A_67 = arith.subi %select_n3A, %while3A_66 : i32
    %while3A_68 = arith.addi %while3A_66, %while3A_67 : i32
    %while3A_69 = arith.constant 1 : i32
    %while3A_70 = arith.divsi %while3A_67, %while3A_69 : i32
    %while3A_71 = arith.muli %while3A_70, %while3A_69 : i32
    %while3A_72 = arith.addi %while3A_66, %while3A_71 : i32
    %while3A_73 = arith.constant 1 : i32
    scf.for %while3A_103 = %while3A_66 to %while3A_72 step %while3A_73  : i32 {
      %mul3A_104 = arith.constant 2 : i32
      %mul3A_105 = arith.muli %mul3A_104, %while3A_103 : i32
      %add3A_106 = arith.constant 1 : i32
      %add3A_107 = arith.addi %mul3A_105, %add3A_106 : i32
      %dma_wait3A_108 = arith.constant 0 : i32
      %dma_wait3A_109 = arith.constant 0 : i32
      %dma_wait3A_110 = arith.constant 0 : i32
      %dma_wait3A_111 = tpu.memref_slice %arg8[%dma_wait3A_108, %dma_wait3A_109, %dma_wait3A_110] : memref<2x128x16xf32, #tpu.memory_space<vmem>> -> memref<1x128x16xf32, #tpu.memory_space<vmem>>
      %dma_wait3A_112 = tpu.memref_squeeze %dma_wait3A_111 : memref<1x128x16xf32, #tpu.memory_space<vmem>> -> memref<128x16xf32, #tpu.memory_space<vmem>>
      %dma_wait3A_113 = arith.constant 0 : i32
      %dma_wait3A_114 = tpu.memref_slice %arg6[%mul3A_105, %dma_wait3A_113] : memref<80x128xi32, #tpu.memory_space<vmem>> -> memref<1x128xi32, #tpu.memory_space<vmem>>
      %dma_wait3A_115 = tpu.memref_squeeze %dma_wait3A_114 : memref<1x128xi32, #tpu.memory_space<vmem>> -> memref<128xi32, #tpu.memory_space<vmem>>
      %dma_wait3A_116 = arith.constant 0 : i32
      %dma_wait3A_117 = arith.constant 0 : i32
      %dma_wait3A_118 = tpu.memref_slice %arg11[%dma_wait3A_116, %dma_wait3A_117] : memref<10000x16xf32, #tpu.memory_space<vmem_shared>> -> memref<10000x16xf32, #tpu.memory_space<vmem_shared>>
      tpu.wait_indirect_dma semaphore(%arg12 : memref<!tpu.dma_semaphore, #tpu.memory_space<semaphore_mem>>) src(%dma_wait3A_118 : memref<10000x16xf32, #tpu.memory_space<vmem_shared>>) dst(%dma_wait3A_112 : memref<128x16xf32, #tpu.memory_space<vmem>>)
      %dma_start3A_119 = arith.constant 0 : i32
      %dma_start3A_120 = arith.constant 0 : i32
      %dma_start3A_121 = arith.constant 0 : i32
      %dma_start3A_122 = tpu.memref_slice %arg8[%dma_start3A_119, %dma_start3A_120, %dma_start3A_121] : memref<2x128x16xf32, #tpu.memory_space<vmem>> -> memref<1x128x16xf32, #tpu.memory_space<vmem>>
      %dma_start3A_123 = tpu.memref_squeeze %dma_start3A_122 : memref<1x128x16xf32, #tpu.memory_space<vmem>> -> memref<128x16xf32, #tpu.memory_space<vmem>>
      %dma_start3A_124 = arith.constant 0 : i32
      %dma_start3A_125 = tpu.memref_slice %arg7[%mul3A_105, %dma_start3A_124] : memref<80x128xi32, #tpu.memory_space<vmem>> -> memref<1x128xi32, #tpu.memory_space<vmem>>
      %dma_start3A_126 = tpu.memref_squeeze %dma_start3A_125 : memref<1x128xi32, #tpu.memory_space<vmem>> -> memref<128xi32, #tpu.memory_space<vmem>>
      %dma_start3A_127 = arith.constant 0 : i32
      %dma_start3A_128 = arith.constant 0 : i32
      %dma_start3A_129 = tpu.memref_slice %arg10[%dma_start3A_127, %dma_start3A_128] : memref<10240x16xf32, #tpu.memory_space<vmem_shared>> -> memref<10240x16xf32, #tpu.memory_space<vmem_shared>>
      tpu.enqueue_indirect_dma source(%dma_start3A_123 : memref<128x16xf32, #tpu.memory_space<vmem>>) target(%dma_start3A_129 : memref<10240x16xf32, #tpu.memory_space<vmem_shared>>) offsets(%dma_start3A_126 : memref<128xi32, #tpu.memory_space<vmem>>) semaphore(%arg14 : memref<!tpu.dma_semaphore, #tpu.memory_space<semaphore_mem>>) {add = true}
      %dma_wait3A_130 = arith.constant 1 : i32
      %dma_wait3A_131 = arith.constant 0 : i32
      %dma_wait3A_132 = arith.constant 0 : i32
      %dma_wait3A_133 = tpu.memref_slice %arg8[%dma_wait3A_130, %dma_wait3A_131, %dma_wait3A_132] : memref<2x128x16xf32, #tpu.memory_space<vmem>> -> memref<1x128x16xf32, #tpu.memory_space<vmem>>
      %dma_wait3A_134 = tpu.memref_squeeze %dma_wait3A_133 : memref<1x128x16xf32, #tpu.memory_space<vmem>> -> memref<128x16xf32, #tpu.memory_space<vmem>>
      %dma_wait3A_135 = arith.constant 0 : i32
      %dma_wait3A_136 = tpu.memref_slice %arg6[%add3A_107, %dma_wait3A_135] : memref<80x128xi32, #tpu.memory_space<vmem>> -> memref<1x128xi32, #tpu.memory_space<vmem>>
      %dma_wait3A_137 = tpu.memref_squeeze %dma_wait3A_136 : memref<1x128xi32, #tpu.memory_space<vmem>> -> memref<128xi32, #tpu.memory_space<vmem>>
      %dma_wait3A_138 = arith.constant 0 : i32
      %dma_wait3A_139 = arith.constant 0 : i32
      %dma_wait3A_140 = tpu.memref_slice %arg11[%dma_wait3A_138, %dma_wait3A_139] : memref<10000x16xf32, #tpu.memory_space<vmem_shared>> -> memref<10000x16xf32, #tpu.memory_space<vmem_shared>>
      tpu.wait_indirect_dma semaphore(%arg13 : memref<!tpu.dma_semaphore, #tpu.memory_space<semaphore_mem>>) src(%dma_wait3A_140 : memref<10000x16xf32, #tpu.memory_space<vmem_shared>>) dst(%dma_wait3A_134 : memref<128x16xf32, #tpu.memory_space<vmem>>)
      %dma_start3A_141 = arith.constant 1 : i32
      %dma_start3A_142 = arith.constant 0 : i32
      %dma_start3A_143 = arith.constant 0 : i32
      %dma_start3A_144 = tpu.memref_slice %arg8[%dma_start3A_141, %dma_start3A_142, %dma_start3A_143] : memref<2x128x16xf32, #tpu.memory_space<vmem>> -> memref<1x128x16xf32, #tpu.memory_space<vmem>>
      %dma_start3A_145 = tpu.memref_squeeze %dma_start3A_144 : memref<1x128x16xf32, #tpu.memory_space<vmem>> -> memref<128x16xf32, #tpu.memory_space<vmem>>
      %dma_start3A_146 = arith.constant 0 : i32
      %dma_start3A_147 = tpu.memref_slice %arg7[%add3A_107, %dma_start3A_146] : memref<80x128xi32, #tpu.memory_space<vmem>> -> memref<1x128xi32, #tpu.memory_space<vmem>>
      %dma_start3A_148 = tpu.memref_squeeze %dma_start3A_147 : memref<1x128xi32, #tpu.memory_space<vmem>> -> memref<128xi32, #tpu.memory_space<vmem>>
      %dma_start3A_149 = arith.constant 0 : i32
      %dma_start3A_150 = arith.constant 0 : i32
      %dma_start3A_151 = tpu.memref_slice %arg10[%dma_start3A_149, %dma_start3A_150] : memref<10240x16xf32, #tpu.memory_space<vmem_shared>> -> memref<10240x16xf32, #tpu.memory_space<vmem_shared>>
      tpu.enqueue_indirect_dma source(%dma_start3A_145 : memref<128x16xf32, #tpu.memory_space<vmem>>) target(%dma_start3A_151 : memref<10240x16xf32, #tpu.memory_space<vmem_shared>>) offsets(%dma_start3A_148 : memref<128xi32, #tpu.memory_space<vmem>>) semaphore(%arg15 : memref<!tpu.dma_semaphore, #tpu.memory_space<semaphore_mem>>) {add = true}
      %dma_wait3A_152 = arith.constant 0 : i32
      %dma_wait3A_153 = arith.constant 0 : i32
      %dma_wait3A_154 = arith.constant 0 : i32
      %dma_wait3A_155 = tpu.memref_slice %arg8[%dma_wait3A_152, %dma_wait3A_153, %dma_wait3A_154] : memref<2x128x16xf32, #tpu.memory_space<vmem>> -> memref<1x128x16xf32, #tpu.memory_space<vmem>>
      %dma_wait3A_156 = tpu.memref_squeeze %dma_wait3A_155 : memref<1x128x16xf32, #tpu.memory_space<vmem>> -> memref<128x16xf32, #tpu.memory_space<vmem>>
      %dma_wait3A_157 = arith.constant 0 : i32
      %dma_wait3A_158 = tpu.memref_slice %arg7[%mul3A_105, %dma_wait3A_157] : memref<80x128xi32, #tpu.memory_space<vmem>> -> memref<1x128xi32, #tpu.memory_space<vmem>>
      %dma_wait3A_159 = tpu.memref_squeeze %dma_wait3A_158 : memref<1x128xi32, #tpu.memory_space<vmem>> -> memref<128xi32, #tpu.memory_space<vmem>>
      %dma_wait3A_160 = arith.constant 0 : i32
      %dma_wait3A_161 = arith.constant 0 : i32
      %dma_wait3A_162 = tpu.memref_slice %arg10[%dma_wait3A_160, %dma_wait3A_161] : memref<10240x16xf32, #tpu.memory_space<vmem_shared>> -> memref<10240x16xf32, #tpu.memory_space<vmem_shared>>
      tpu.wait_indirect_dma semaphore(%arg14 : memref<!tpu.dma_semaphore, #tpu.memory_space<semaphore_mem>>) src(%dma_wait3A_156 : memref<128x16xf32, #tpu.memory_space<vmem>>) dst(%dma_wait3A_162 : memref<10240x16xf32, #tpu.memory_space<vmem_shared>>)
      %add3A_163 = arith.constant 2 : i32
      %add3A_164 = arith.addi %mul3A_105, %add3A_163 : i32
      %sub3A_165 = arith.constant 2 : i32
      %sub3A_166 = arith.subi %add3A_5, %sub3A_165 : i32
      %min3A_167 = arith.minsi %add3A_164, %sub3A_166 : i32
      %dma_start3A_168 = arith.constant 0 : i32
      %dma_start3A_169 = arith.constant 0 : i32
      %dma_start3A_170 = arith.constant 0 : i32
      %dma_start3A_171 = tpu.memref_slice %arg8[%dma_start3A_168, %dma_start3A_169, %dma_start3A_170] : memref<2x128x16xf32, #tpu.memory_space<vmem>> -> memref<1x128x16xf32, #tpu.memory_space<vmem>>
      %dma_start3A_172 = tpu.memref_squeeze %dma_start3A_171 : memref<1x128x16xf32, #tpu.memory_space<vmem>> -> memref<128x16xf32, #tpu.memory_space<vmem>>
      %dma_start3A_173 = arith.constant 0 : i32
      %dma_start3A_174 = tpu.memref_slice %arg6[%min3A_167, %dma_start3A_173] : memref<80x128xi32, #tpu.memory_space<vmem>> -> memref<1x128xi32, #tpu.memory_space<vmem>>
      %dma_start3A_175 = tpu.memref_squeeze %dma_start3A_174 : memref<1x128xi32, #tpu.memory_space<vmem>> -> memref<128xi32, #tpu.memory_space<vmem>>
      %dma_start3A_176 = arith.constant 0 : i32
      %dma_start3A_177 = arith.constant 0 : i32
      %dma_start3A_178 = tpu.memref_slice %arg11[%dma_start3A_176, %dma_start3A_177] : memref<10000x16xf32, #tpu.memory_space<vmem_shared>> -> memref<10000x16xf32, #tpu.memory_space<vmem_shared>>
      tpu.enqueue_indirect_dma source(%dma_start3A_178 : memref<10000x16xf32, #tpu.memory_space<vmem_shared>>) target(%dma_start3A_172 : memref<128x16xf32, #tpu.memory_space<vmem>>) offsets(%dma_start3A_175 : memref<128xi32, #tpu.memory_space<vmem>>) semaphore(%arg12 : memref<!tpu.dma_semaphore, #tpu.memory_space<semaphore_mem>>)
      %dma_wait3A_179 = arith.constant 1 : i32
      %dma_wait3A_180 = arith.constant 0 : i32
      %dma_wait3A_181 = arith.constant 0 : i32
      %dma_wait3A_182 = tpu.memref_slice %arg8[%dma_wait3A_179, %dma_wait3A_180, %dma_wait3A_181] : memref<2x128x16xf32, #tpu.memory_space<vmem>> -> memref<1x128x16xf32, #tpu.memory_space<vmem>>
      %dma_wait3A_183 = tpu.memref_squeeze %dma_wait3A_182 : memref<1x128x16xf32, #tpu.memory_space<vmem>> -> memref<128x16xf32, #tpu.memory_space<vmem>>
      %dma_wait3A_184 = arith.constant 0 : i32
      %dma_wait3A_185 = tpu.memref_slice %arg7[%add3A_107, %dma_wait3A_184] : memref<80x128xi32, #tpu.memory_space<vmem>> -> memref<1x128xi32, #tpu.memory_space<vmem>>
      %dma_wait3A_186 = tpu.memref_squeeze %dma_wait3A_185 : memref<1x128xi32, #tpu.memory_space<vmem>> -> memref<128xi32, #tpu.memory_space<vmem>>
      %dma_wait3A_187 = arith.constant 0 : i32
      %dma_wait3A_188 = arith.constant 0 : i32
      %dma_wait3A_189 = tpu.memref_slice %arg10[%dma_wait3A_187, %dma_wait3A_188] : memref<10240x16xf32, #tpu.memory_space<vmem_shared>> -> memref<10240x16xf32, #tpu.memory_space<vmem_shared>>
      tpu.wait_indirect_dma semaphore(%arg15 : memref<!tpu.dma_semaphore, #tpu.memory_space<semaphore_mem>>) src(%dma_wait3A_183 : memref<128x16xf32, #tpu.memory_space<vmem>>) dst(%dma_wait3A_189 : memref<10240x16xf32, #tpu.memory_space<vmem_shared>>)
      %add3A_190 = arith.constant 2 : i32
      %add3A_191 = arith.addi %add3A_107, %add3A_190 : i32
      %sub3A_192 = arith.constant 1 : i32
      %sub3A_193 = arith.subi %add3A_5, %sub3A_192 : i32
      %min3A_194 = arith.minsi %add3A_191, %sub3A_193 : i32
      %dma_start3A_195 = arith.constant 1 : i32
      %dma_start3A_196 = arith.constant 0 : i32
      %dma_start3A_197 = arith.constant 0 : i32
      %dma_start3A_198 = tpu.memref_slice %arg8[%dma_start3A_195, %dma_start3A_196, %dma_start3A_197] : memref<2x128x16xf32, #tpu.memory_space<vmem>> -> memref<1x128x16xf32, #tpu.memory_space<vmem>>
      %dma_start3A_199 = tpu.memref_squeeze %dma_start3A_198 : memref<1x128x16xf32, #tpu.memory_space<vmem>> -> memref<128x16xf32, #tpu.memory_space<vmem>>
      %dma_start3A_200 = arith.constant 0 : i32
      %dma_start3A_201 = tpu.memref_slice %arg6[%min3A_194, %dma_start3A_200] : memref<80x128xi32, #tpu.memory_space<vmem>> -> memref<1x128xi32, #tpu.memory_space<vmem>>
      %dma_start3A_202 = tpu.memref_squeeze %dma_start3A_201 : memref<1x128xi32, #tpu.memory_space<vmem>> -> memref<128xi32, #tpu.memory_space<vmem>>
      %dma_start3A_203 = arith.constant 0 : i32
      %dma_start3A_204 = arith.constant 0 : i32
      %dma_start3A_205 = tpu.memref_slice %arg11[%dma_start3A_203, %dma_start3A_204] : memref<10000x16xf32, #tpu.memory_space<vmem_shared>> -> memref<10000x16xf32, #tpu.memory_space<vmem_shared>>
      tpu.enqueue_indirect_dma source(%dma_start3A_205 : memref<10000x16xf32, #tpu.memory_space<vmem_shared>>) target(%dma_start3A_199 : memref<128x16xf32, #tpu.memory_space<vmem>>) offsets(%dma_start3A_202 : memref<128xi32, #tpu.memory_space<vmem>>) semaphore(%arg13 : memref<!tpu.dma_semaphore, #tpu.memory_space<semaphore_mem>>)
    }
    %while3A_74 = arith.constant 1 : i32
    scf.for %while3A_103 = %while3A_72 to %while3A_68 step %while3A_74  : i32 {
      %mul3A_104 = arith.constant 2 : i32
      %mul3A_105 = arith.muli %mul3A_104, %while3A_103 : i32
      %add3A_106 = arith.constant 1 : i32
      %add3A_107 = arith.addi %mul3A_105, %add3A_106 : i32
      %dma_wait3A_108 = arith.constant 0 : i32
      %dma_wait3A_109 = arith.constant 0 : i32
      %dma_wait3A_110 = arith.constant 0 : i32
      %dma_wait3A_111 = tpu.memref_slice %arg8[%dma_wait3A_108, %dma_wait3A_109, %dma_wait3A_110] : memref<2x128x16xf32, #tpu.memory_space<vmem>> -> memref<1x128x16xf32, #tpu.memory_space<vmem>>
      %dma_wait3A_112 = tpu.memref_squeeze %dma_wait3A_111 : memref<1x128x16xf32, #tpu.memory_space<vmem>> -> memref<128x16xf32, #tpu.memory_space<vmem>>
      %dma_wait3A_113 = arith.constant 0 : i32
      %dma_wait3A_114 = tpu.memref_slice %arg6[%mul3A_105, %dma_wait3A_113] : memref<80x128xi32, #tpu.memory_space<vmem>> -> memref<1x128xi32, #tpu.memory_space<vmem>>
      %dma_wait3A_115 = tpu.memref_squeeze %dma_wait3A_114 : memref<1x128xi32, #tpu.memory_space<vmem>> -> memref<128xi32, #tpu.memory_space<vmem>>
      %dma_wait3A_116 = arith.constant 0 : i32
      %dma_wait3A_117 = arith.constant 0 : i32
      %dma_wait3A_118 = tpu.memref_slice %arg11[%dma_wait3A_116, %dma_wait3A_117] : memref<10000x16xf32, #tpu.memory_space<vmem_shared>> -> memref<10000x16xf32, #tpu.memory_space<vmem_shared>>
      tpu.wait_indirect_dma semaphore(%arg12 : memref<!tpu.dma_semaphore, #tpu.memory_space<semaphore_mem>>) src(%dma_wait3A_118 : memref<10000x16xf32, #tpu.memory_space<vmem_shared>>) dst(%dma_wait3A_112 : memref<128x16xf32, #tpu.memory_space<vmem>>)
      %dma_start3A_119 = arith.constant 0 : i32
      %dma_start3A_120 = arith.constant 0 : i32
      %dma_start3A_121 = arith.constant 0 : i32
      %dma_start3A_122 = tpu.memref_slice %arg8[%dma_start3A_119, %dma_start3A_120, %dma_start3A_121] : memref<2x128x16xf32, #tpu.memory_space<vmem>> -> memref<1x128x16xf32, #tpu.memory_space<vmem>>
      %dma_start3A_123 = tpu.memref_squeeze %dma_start3A_122 : memref<1x128x16xf32, #tpu.memory_space<vmem>> -> memref<128x16xf32, #tpu.memory_space<vmem>>
      %dma_start3A_124 = arith.constant 0 : i32
      %dma_start3A_125 = tpu.memref_slice %arg7[%mul3A_105, %dma_start3A_124] : memref<80x128xi32, #tpu.memory_space<vmem>> -> memref<1x128xi32, #tpu.memory_space<vmem>>
      %dma_start3A_126 = tpu.memref_squeeze %dma_start3A_125 : memref<1x128xi32, #tpu.memory_space<vmem>> -> memref<128xi32, #tpu.memory_space<vmem>>
      %dma_start3A_127 = arith.constant 0 : i32
      %dma_start3A_128 = arith.constant 0 : i32
      %dma_start3A_129 = tpu.memref_slice %arg10[%dma_start3A_127, %dma_start3A_128] : memref<10240x16xf32, #tpu.memory_space<vmem_shared>> -> memref<10240x16xf32, #tpu.memory_space<vmem_shared>>
      tpu.enqueue_indirect_dma source(%dma_start3A_123 : memref<128x16xf32, #tpu.memory_space<vmem>>) target(%dma_start3A_129 : memref<10240x16xf32, #tpu.memory_space<vmem_shared>>) offsets(%dma_start3A_126 : memref<128xi32, #tpu.memory_space<vmem>>) semaphore(%arg14 : memref<!tpu.dma_semaphore, #tpu.memory_space<semaphore_mem>>) {add = true}
      %dma_wait3A_130 = arith.constant 1 : i32
      %dma_wait3A_131 = arith.constant 0 : i32
      %dma_wait3A_132 = arith.constant 0 : i32
      %dma_wait3A_133 = tpu.memref_slice %arg8[%dma_wait3A_130, %dma_wait3A_131, %dma_wait3A_132] : memref<2x128x16xf32, #tpu.memory_space<vmem>> -> memref<1x128x16xf32, #tpu.memory_space<vmem>>
      %dma_wait3A_134 = tpu.memref_squeeze %dma_wait3A_133 : memref<1x128x16xf32, #tpu.memory_space<vmem>> -> memref<128x16xf32, #tpu.memory_space<vmem>>
      %dma_wait3A_135 = arith.constant 0 : i32
      %dma_wait3A_136 = tpu.memref_slice %arg6[%add3A_107, %dma_wait3A_135] : memref<80x128xi32, #tpu.memory_space<vmem>> -> memref<1x128xi32, #tpu.memory_space<vmem>>
      %dma_wait3A_137 = tpu.memref_squeeze %dma_wait3A_136 : memref<1x128xi32, #tpu.memory_space<vmem>> -> memref<128xi32, #tpu.memory_space<vmem>>
      %dma_wait3A_138 = arith.constant 0 : i32
      %dma_wait3A_139 = arith.constant 0 : i32
      %dma_wait3A_140 = tpu.memref_slice %arg11[%dma_wait3A_138, %dma_wait3A_139] : memref<10000x16xf32, #tpu.memory_space<vmem_shared>> -> memref<10000x16xf32, #tpu.memory_space<vmem_shared>>
      tpu.wait_indirect_dma semaphore(%arg13 : memref<!tpu.dma_semaphore, #tpu.memory_space<semaphore_mem>>) src(%dma_wait3A_140 : memref<10000x16xf32, #tpu.memory_space<vmem_shared>>) dst(%dma_wait3A_134 : memref<128x16xf32, #tpu.memory_space<vmem>>)
      %dma_start3A_141 = arith.constant 1 : i32
      %dma_start3A_142 = arith.constant 0 : i32
      %dma_start3A_143 = arith.constant 0 : i32
      %dma_start3A_144 = tpu.memref_slice %arg8[%dma_start3A_141, %dma_start3A_142, %dma_start3A_143] : memref<2x128x16xf32, #tpu.memory_space<vmem>> -> memref<1x128x16xf32, #tpu.memory_space<vmem>>
      %dma_start3A_145 = tpu.memref_squeeze %dma_start3A_144 : memref<1x128x16xf32, #tpu.memory_space<vmem>> -> memref<128x16xf32, #tpu.memory_space<vmem>>
      %dma_start3A_146 = arith.constant 0 : i32
      %dma_start3A_147 = tpu.memref_slice %arg7[%add3A_107, %dma_start3A_146] : memref<80x128xi32, #tpu.memory_space<vmem>> -> memref<1x128xi32, #tpu.memory_space<vmem>>
      %dma_start3A_148 = tpu.memref_squeeze %dma_start3A_147 : memref<1x128xi32, #tpu.memory_space<vmem>> -> memref<128xi32, #tpu.memory_space<vmem>>
      %dma_start3A_149 = arith.constant 0 : i32
      %dma_start3A_150 = arith.constant 0 : i32
      %dma_start3A_151 = tpu.memref_slice %arg10[%dma_start3A_149, %dma_start3A_150] : memref<10240x16xf32, #tpu.memory_space<vmem_shared>> -> memref<10240x16xf32, #tpu.memory_space<vmem_shared>>
      tpu.enqueue_indirect_dma source(%dma_start3A_145 : memref<128x16xf32, #tpu.memory_space<vmem>>) target(%dma_start3A_151 : memref<10240x16xf32, #tpu.memory_space<vmem_shared>>) offsets(%dma_start3A_148 : memref<128xi32, #tpu.memory_space<vmem>>) semaphore(%arg15 : memref<!tpu.dma_semaphore, #tpu.memory_space<semaphore_mem>>) {add = true}
      %dma_wait3A_152 = arith.constant 0 : i32
      %dma_wait3A_153 = arith.constant 0 : i32
      %dma_wait3A_154 = arith.constant 0 : i32
      %dma_wait3A_155 = tpu.memref_slice %arg8[%dma_wait3A_152, %dma_wait3A_153, %dma_wait3A_154] : memref<2x128x16xf32, #tpu.memory_space<vmem>> -> memref<1x128x16xf32, #tpu.memory_space<vmem>>
      %dma_wait3A_156 = tpu.memref_squeeze %dma_wait3A_155 : memref<1x128x16xf32, #tpu.memory_space<vmem>> -> memref<128x16xf32, #tpu.memory_space<vmem>>
      %dma_wait3A_157 = arith.constant 0 : i32
      %dma_wait3A_158 = tpu.memref_slice %arg7[%mul3A_105, %dma_wait3A_157] : memref<80x128xi32, #tpu.memory_space<vmem>> -> memref<1x128xi32, #tpu.memory_space<vmem>>
      %dma_wait3A_159 = tpu.memref_squeeze %dma_wait3A_158 : memref<1x128xi32, #tpu.memory_space<vmem>> -> memref<128xi32, #tpu.memory_space<vmem>>
      %dma_wait3A_160 = arith.constant 0 : i32
      %dma_wait3A_161 = arith.constant 0 : i32
      %dma_wait3A_162 = tpu.memref_slice %arg10[%dma_wait3A_160, %dma_wait3A_161] : memref<10240x16xf32, #tpu.memory_space<vmem_shared>> -> memref<10240x16xf32, #tpu.memory_space<vmem_shared>>
      tpu.wait_indirect_dma semaphore(%arg14 : memref<!tpu.dma_semaphore, #tpu.memory_space<semaphore_mem>>) src(%dma_wait3A_156 : memref<128x16xf32, #tpu.memory_space<vmem>>) dst(%dma_wait3A_162 : memref<10240x16xf32, #tpu.memory_space<vmem_shared>>)
      %add3A_163 = arith.constant 2 : i32
      %add3A_164 = arith.addi %mul3A_105, %add3A_163 : i32
      %sub3A_165 = arith.constant 2 : i32
      %sub3A_166 = arith.subi %add3A_5, %sub3A_165 : i32
      %min3A_167 = arith.minsi %add3A_164, %sub3A_166 : i32
      %dma_start3A_168 = arith.constant 0 : i32
      %dma_start3A_169 = arith.constant 0 : i32
      %dma_start3A_170 = arith.constant 0 : i32
      %dma_start3A_171 = tpu.memref_slice %arg8[%dma_start3A_168, %dma_start3A_169, %dma_start3A_170] : memref<2x128x16xf32, #tpu.memory_space<vmem>> -> memref<1x128x16xf32, #tpu.memory_space<vmem>>
      %dma_start3A_172 = tpu.memref_squeeze %dma_start3A_171 : memref<1x128x16xf32, #tpu.memory_space<vmem>> -> memref<128x16xf32, #tpu.memory_space<vmem>>
      %dma_start3A_173 = arith.constant 0 : i32
      %dma_start3A_174 = tpu.memref_slice %arg6[%min3A_167, %dma_start3A_173] : memref<80x128xi32, #tpu.memory_space<vmem>> -> memref<1x128xi32, #tpu.memory_space<vmem>>
      %dma_start3A_175 = tpu.memref_squeeze %dma_start3A_174 : memref<1x128xi32, #tpu.memory_space<vmem>> -> memref<128xi32, #tpu.memory_space<vmem>>
      %dma_start3A_176 = arith.constant 0 : i32
      %dma_start3A_177 = arith.constant 0 : i32
      %dma_start3A_178 = tpu.memref_slice %arg11[%dma_start3A_176, %dma_start3A_177] : memref<10000x16xf32, #tpu.memory_space<vmem_shared>> -> memref<10000x16xf32, #tpu.memory_space<vmem_shared>>
      tpu.enqueue_indirect_dma source(%dma_start3A_178 : memref<10000x16xf32, #tpu.memory_space<vmem_shared>>) target(%dma_start3A_172 : memref<128x16xf32, #tpu.memory_space<vmem>>) offsets(%dma_start3A_175 : memref<128xi32, #tpu.memory_space<vmem>>) semaphore(%arg12 : memref<!tpu.dma_semaphore, #tpu.memory_space<semaphore_mem>>)
      %dma_wait3A_179 = arith.constant 1 : i32
      %dma_wait3A_180 = arith.constant 0 : i32
      %dma_wait3A_181 = arith.constant 0 : i32
      %dma_wait3A_182 = tpu.memref_slice %arg8[%dma_wait3A_179, %dma_wait3A_180, %dma_wait3A_181] : memref<2x128x16xf32, #tpu.memory_space<vmem>> -> memref<1x128x16xf32, #tpu.memory_space<vmem>>
      %dma_wait3A_183 = tpu.memref_squeeze %dma_wait3A_182 : memref<1x128x16xf32, #tpu.memory_space<vmem>> -> memref<128x16xf32, #tpu.memory_space<vmem>>
      %dma_wait3A_184 = arith.constant 0 : i32
      %dma_wait3A_185 = tpu.memref_slice %arg7[%add3A_107, %dma_wait3A_184] : memref<80x128xi32, #tpu.memory_space<vmem>> -> memref<1x128xi32, #tpu.memory_space<vmem>>
      %dma_wait3A_186 = tpu.memref_squeeze %dma_wait3A_185 : memref<1x128xi32, #tpu.memory_space<vmem>> -> memref<128xi32, #tpu.memory_space<vmem>>
      %dma_wait3A_187 = arith.constant 0 : i32
      %dma_wait3A_188 = arith.constant 0 : i32
      %dma_wait3A_189 = tpu.memref_slice %arg10[%dma_wait3A_187, %dma_wait3A_188] : memref<10240x16xf32, #tpu.memory_space<vmem_shared>> -> memref<10240x16xf32, #tpu.memory_space<vmem_shared>>
      tpu.wait_indirect_dma semaphore(%arg15 : memref<!tpu.dma_semaphore, #tpu.memory_space<semaphore_mem>>) src(%dma_wait3A_183 : memref<128x16xf32, #tpu.memory_space<vmem>>) dst(%dma_wait3A_189 : memref<10240x16xf32, #tpu.memory_space<vmem_shared>>)
      %add3A_190 = arith.constant 2 : i32
      %add3A_191 = arith.addi %add3A_107, %add3A_190 : i32
      %sub3A_192 = arith.constant 1 : i32
      %sub3A_193 = arith.subi %add3A_5, %sub3A_192 : i32
      %min3A_194 = arith.minsi %add3A_191, %sub3A_193 : i32
      %dma_start3A_195 = arith.constant 1 : i32
      %dma_start3A_196 = arith.constant 0 : i32
      %dma_start3A_197 = arith.constant 0 : i32
      %dma_start3A_198 = tpu.memref_slice %arg8[%dma_start3A_195, %dma_start3A_196, %dma_start3A_197] : memref<2x128x16xf32, #tpu.memory_space<vmem>> -> memref<1x128x16xf32, #tpu.memory_space<vmem>>
      %dma_start3A_199 = tpu.memref_squeeze %dma_start3A_198 : memref<1x128x16xf32, #tpu.memory_space<vmem>> -> memref<128x16xf32, #tpu.memory_space<vmem>>
      %dma_start3A_200 = arith.constant 0 : i32
      %dma_start3A_201 = tpu.memref_slice %arg6[%min3A_194, %dma_start3A_200] : memref<80x128xi32, #tpu.memory_space<vmem>> -> memref<1x128xi32, #tpu.memory_space<vmem>>
      %dma_start3A_202 = tpu.memref_squeeze %dma_start3A_201 : memref<1x128xi32, #tpu.memory_space<vmem>> -> memref<128xi32, #tpu.memory_space<vmem>>
      %dma_start3A_203 = arith.constant 0 : i32
      %dma_start3A_204 = arith.constant 0 : i32
      %dma_start3A_205 = tpu.memref_slice %arg11[%dma_start3A_203, %dma_start3A_204] : memref<10000x16xf32, #tpu.memory_space<vmem_shared>> -> memref<10000x16xf32, #tpu.memory_space<vmem_shared>>
      tpu.enqueue_indirect_dma source(%dma_start3A_205 : memref<10000x16xf32, #tpu.memory_space<vmem_shared>>) target(%dma_start3A_199 : memref<128x16xf32, #tpu.memory_space<vmem>>) offsets(%dma_start3A_202 : memref<128xi32, #tpu.memory_space<vmem>>) semaphore(%arg13 : memref<!tpu.dma_semaphore, #tpu.memory_space<semaphore_mem>>)
    }
    %dma_wait3A = arith.constant 0 : i32
    %dma_wait3A_75 = arith.constant 0 : i32
    %dma_wait3A_76 = arith.constant 0 : i32
    %dma_wait3A_77 = arith.constant 0 : i32
    %dma_wait3A_78 = tpu.memref_slice %arg8[%dma_wait3A_75, %dma_wait3A_76, %dma_wait3A_77] : memref<2x128x16xf32, #tpu.memory_space<vmem>> -> memref<1x128x16xf32, #tpu.memory_space<vmem>>
    %dma_wait3A_79 = tpu.memref_squeeze %dma_wait3A_78 : memref<1x128x16xf32, #tpu.memory_space<vmem>> -> memref<128x16xf32, #tpu.memory_space<vmem>>
    %dma_wait3A_80 = arith.constant 0 : i32
    %dma_wait3A_81 = tpu.memref_slice %arg6[%dma_wait3A, %dma_wait3A_80] : memref<80x128xi32, #tpu.memory_space<vmem>> -> memref<1x128xi32, #tpu.memory_space<vmem>>
    %dma_wait3A_82 = tpu.memref_squeeze %dma_wait3A_81 : memref<1x128xi32, #tpu.memory_space<vmem>> -> memref<128xi32, #tpu.memory_space<vmem>>
    %dma_wait3A_83 = arith.constant 0 : i32
    %dma_wait3A_84 = arith.constant 0 : i32
    %dma_wait3A_85 = tpu.memref_slice %arg11[%dma_wait3A_83, %dma_wait3A_84] : memref<10000x16xf32, #tpu.memory_space<vmem_shared>> -> memref<10000x16xf32, #tpu.memory_space<vmem_shared>>
    tpu.wait_indirect_dma semaphore(%arg12 : memref<!tpu.dma_semaphore, #tpu.memory_space<semaphore_mem>>) src(%dma_wait3A_85 : memref<10000x16xf32, #tpu.memory_space<vmem_shared>>) dst(%dma_wait3A_79 : memref<128x16xf32, #tpu.memory_space<vmem>>)
    %dma_wait3A_86 = arith.constant 1 : i32
    %dma_wait3A_87 = arith.constant 1 : i32
    %dma_wait3A_88 = arith.constant 0 : i32
    %dma_wait3A_89 = arith.constant 0 : i32
    %dma_wait3A_90 = tpu.memref_slice %arg8[%dma_wait3A_87, %dma_wait3A_88, %dma_wait3A_89] : memref<2x128x16xf32, #tpu.memory_space<vmem>> -> memref<1x128x16xf32, #tpu.memory_space<vmem>>
    %dma_wait3A_91 = tpu.memref_squeeze %dma_wait3A_90 : memref<1x128x16xf32, #tpu.memory_space<vmem>> -> memref<128x16xf32, #tpu.memory_space<vmem>>
    %dma_wait3A_92 = arith.constant 0 : i32
    %dma_wait3A_93 = tpu.memref_slice %arg6[%dma_wait3A_86, %dma_wait3A_92] : memref<80x128xi32, #tpu.memory_space<vmem>> -> memref<1x128xi32, #tpu.memory_space<vmem>>
    %dma_wait3A_94 = tpu.memref_squeeze %dma_wait3A_93 : memref<1x128xi32, #tpu.memory_space<vmem>> -> memref<128xi32, #tpu.memory_space<vmem>>
    %dma_wait3A_95 = arith.constant 0 : i32
    %dma_wait3A_96 = arith.constant 0 : i32
    %dma_wait3A_97 = tpu.memref_slice %arg11[%dma_wait3A_95, %dma_wait3A_96] : memref<10000x16xf32, #tpu.memory_space<vmem_shared>> -> memref<10000x16xf32, #tpu.memory_space<vmem_shared>>
    tpu.wait_indirect_dma semaphore(%arg13 : memref<!tpu.dma_semaphore, #tpu.memory_space<semaphore_mem>>) src(%dma_wait3A_97 : memref<10000x16xf32, #tpu.memory_space<vmem_shared>>) dst(%dma_wait3A_91 : memref<128x16xf32, #tpu.memory_space<vmem>>)
    %barrier3A_98 = arith.constant 0 : index
    tpu.barrier barrier_id(%barrier3A_98)
    %mul3A_99 = arith.constant 640 : i32
    %mul3A_100 = arith.muli %arg1, %mul3A_99 : i32
    %mul3A_101 = arith.constant 640 : i32
    %mul3A_102 = arith.muli %arg1, %mul3A_101 : i32
    "tpu.region"() ({
      %run_scoped3A = tpu.sem_alloc : memref<!tpu.dma_semaphore, #tpu.memory_space<semaphore_mem>>
      %dma_start3A_103 = arith.constant 0 : i32
      %dma_start3A_104 = tpu.memref_slice %arg5[%arg0, %mul3A_102, %dma_start3A_103] : memref<2x10240x16xf32, #tpu.memory_space<hbm>> -> memref<1x640x16xf32, #tpu.memory_space<hbm>>
      %dma_start3A_105 = tpu.memref_squeeze %dma_start3A_104 : memref<1x640x16xf32, #tpu.memory_space<hbm>> -> memref<640x16xf32, #tpu.memory_space<hbm>>
      %dma_start3A_106 = arith.constant 0 : i32
      %dma_start3A_107 = tpu.memref_slice %arg10[%mul3A_100, %dma_start3A_106] : memref<10240x16xf32, #tpu.memory_space<vmem_shared>> -> memref<640x16xf32, #tpu.memory_space<vmem_shared>>
      tpu.enqueue_dma source(%dma_start3A_107 : memref<640x16xf32, #tpu.memory_space<vmem_shared>>) target(%dma_start3A_105 : memref<640x16xf32, #tpu.memory_space<hbm>>) target_semaphore(%run_scoped3A : memref<!tpu.dma_semaphore, #tpu.memory_space<semaphore_mem>>)
      %dma_wait3A_108 = arith.constant 0 : i32
      %dma_wait3A_109 = tpu.memref_slice %arg5[%arg0, %mul3A_102, %dma_wait3A_108] : memref<2x10240x16xf32, #tpu.memory_space<hbm>> -> memref<1x640x16xf32, #tpu.memory_space<hbm>>
      %dma_wait3A_110 = tpu.memref_squeeze %dma_wait3A_109 : memref<1x640x16xf32, #tpu.memory_space<hbm>> -> memref<640x16xf32, #tpu.memory_space<hbm>>
      %dma_wait3A_111 = arith.constant 0 : i32
      %dma_wait3A_112 = tpu.memref_slice %arg10[%mul3A_100, %dma_wait3A_111] : memref<10240x16xf32, #tpu.memory_space<vmem_shared>> -> memref<640x16xf32, #tpu.memory_space<vmem_shared>>
      tpu.wait_dma2 semaphore(%run_scoped3A : memref<!tpu.dma_semaphore, #tpu.memory_space<semaphore_mem>>) src(%dma_wait3A_112 : memref<640x16xf32, #tpu.memory_space<vmem_shared>>) dst(%dma_wait3A_110 : memref<640x16xf32, #tpu.memory_space<hbm>>)
      tpu.yield
    }) : () -> ()
    return
  }
}

#map = affine_map<(d0, d1) -> (0, 0)>
module attributes {stable_mosaic.version = 14 : i64} {
  func.func @deg_kernel(%arg0: i32, %arg1: i32, %arg2: memref<2500x128xi32, #tpu.memory_space<hbm>>, %arg3: memref<2x10240xf32, #tpu.memory_space<hbm>>, %arg4: memref<80x128xi32, #tpu.memory_space<vmem>>, %arg5: memref<128xf32, #tpu.memory_space<vmem>>, %arg6: memref<640xf32, #tpu.memory_space<vmem>>, %arg7: memref<10240xf32, #tpu.memory_space<vmem_shared>>) attributes {dimension_semantics = [#tpu.dimension_semantics<core_parallel>, #tpu.dimension_semantics<subcore_parallel>], iteration_bounds = array<i64: 2, 16>, scalar_prefetch = 0 : i64, scratch_operands = 4 : i64, tpu.core_type = #tpu.core_type<sc_vector_subcore>, window_params = [{transform_indices = #map}, {transform_indices = #map}]} {
    %mul3A = arith.constant 16 : i32
    %mul3A_0 = arith.muli %arg0, %mul3A : i32
    %add3A = arith.addi %mul3A_0, %arg1 : i32
    %lt3A = arith.constant 2 : i32
    %lt3A_1 = arith.cmpi slt, %add3A, %lt3A : i32
    %convert_element_type3A = arith.extui %lt3A_1 : i1 to i32
    %mul3A_2 = arith.constant 2 : i32
    %mul3A_3 = arith.muli %mul3A_2, %convert_element_type3A : i32
    %add3A_4 = arith.constant 78 : i32
    %add3A_5 = arith.addi %add3A_4, %mul3A_3 : i32
    %mul3A_6 = arith.constant 78 : i32
    %mul3A_7 = arith.muli %mul3A_6, %add3A : i32
    %min3A = arith.constant 2 : i32
    %min3A_8 = arith.minsi %add3A, %min3A : i32
    %mul3A_9 = arith.constant 2 : i32
    %mul3A_10 = arith.muli %mul3A_9, %min3A_8 : i32
    %add3A_11 = arith.addi %mul3A_7, %mul3A_10 : i32
    "tpu.region"() ({
      %run_scoped3A = tpu.sem_alloc : memref<!tpu.dma_semaphore, #tpu.memory_space<semaphore_mem>>
      %dma_start3A = arith.constant 0 : i32
      %dma_start3A_83 = arith.constant 0 : i32
      %dma_start3A_84 = tpu.memref_slice %arg4[%dma_start3A, %dma_start3A_83] : memref<80x128xi32, #tpu.memory_space<vmem>> -> memref<78x128xi32, #tpu.memory_space<vmem>>
      %dma_start3A_85 = arith.constant 0 : i32
      %dma_start3A_86 = tpu.memref_slice %arg2[%add3A_11, %dma_start3A_85] : memref<2500x128xi32, #tpu.memory_space<hbm>> -> memref<78x128xi32, #tpu.memory_space<hbm>>
      %dma_start3A_87 = arith.constant 0 : i32
      %dma_start3A_88 = arith.constant 0 : i32
      %dma_start3A_89 = tpu.memref_slice %arg4[%dma_start3A_87, %dma_start3A_88] : memref<80x128xi32, #tpu.memory_space<vmem>> -> memref<78x128xi32, #tpu.memory_space<vmem>>
      %dma_start3A_90 = arith.constant 0 : i32
      %dma_start3A_91 = tpu.memref_slice %arg2[%add3A_11, %dma_start3A_90] : memref<2500x128xi32, #tpu.memory_space<hbm>> -> memref<78x128xi32, #tpu.memory_space<hbm>>
      tpu.enqueue_dma source(%dma_start3A_91 : memref<78x128xi32, #tpu.memory_space<hbm>>) target(%dma_start3A_89 : memref<78x128xi32, #tpu.memory_space<vmem>>) target_semaphore(%run_scoped3A : memref<!tpu.dma_semaphore, #tpu.memory_space<semaphore_mem>>)
      %dma_wait3A = arith.constant 0 : i32
      %dma_wait3A_92 = arith.constant 0 : i32
      %dma_wait3A_93 = tpu.memref_slice %arg4[%dma_wait3A, %dma_wait3A_92] : memref<80x128xi32, #tpu.memory_space<vmem>> -> memref<78x128xi32, #tpu.memory_space<vmem>>
      %dma_wait3A_94 = arith.constant 0 : i32
      %dma_wait3A_95 = tpu.memref_slice %arg2[%add3A_11, %dma_wait3A_94] : memref<2500x128xi32, #tpu.memory_space<hbm>> -> memref<78x128xi32, #tpu.memory_space<hbm>>
      %dma_wait3A_96 = arith.constant 0 : i32
      %dma_wait3A_97 = arith.constant 0 : i32
      %dma_wait3A_98 = tpu.memref_slice %arg4[%dma_wait3A_96, %dma_wait3A_97] : memref<80x128xi32, #tpu.memory_space<vmem>> -> memref<78x128xi32, #tpu.memory_space<vmem>>
      %dma_wait3A_99 = arith.constant 0 : i32
      %dma_wait3A_100 = tpu.memref_slice %arg2[%add3A_11, %dma_wait3A_99] : memref<2500x128xi32, #tpu.memory_space<hbm>> -> memref<78x128xi32, #tpu.memory_space<hbm>>
      tpu.wait_dma2 semaphore(%run_scoped3A : memref<!tpu.dma_semaphore, #tpu.memory_space<semaphore_mem>>) src(%dma_wait3A_100 : memref<78x128xi32, #tpu.memory_space<hbm>>) dst(%dma_wait3A_98 : memref<78x128xi32, #tpu.memory_space<vmem>>)
      tpu.yield
    }) : () -> ()
    %add3A_12 = arith.constant 78 : i32
    %add3A_13 = arith.addi %add3A_11, %add3A_12 : i32
    %min3A_14 = arith.constant 2498 : i32
    %min3A_15 = arith.minsi %add3A_13, %min3A_14 : i32
    "tpu.region"() ({
      %run_scoped3A = tpu.sem_alloc : memref<!tpu.dma_semaphore, #tpu.memory_space<semaphore_mem>>
      %dma_start3A = arith.constant 78 : i32
      %dma_start3A_83 = arith.constant 0 : i32
      %dma_start3A_84 = tpu.memref_slice %arg4[%dma_start3A, %dma_start3A_83] : memref<80x128xi32, #tpu.memory_space<vmem>> -> memref<2x128xi32, #tpu.memory_space<vmem>>
      %dma_start3A_85 = arith.constant 0 : i32
      %dma_start3A_86 = tpu.memref_slice %arg2[%min3A_15, %dma_start3A_85] : memref<2500x128xi32, #tpu.memory_space<hbm>> -> memref<2x128xi32, #tpu.memory_space<hbm>>
      %dma_start3A_87 = arith.constant 78 : i32
      %dma_start3A_88 = arith.constant 0 : i32
      %dma_start3A_89 = tpu.memref_slice %arg4[%dma_start3A_87, %dma_start3A_88] : memref<80x128xi32, #tpu.memory_space<vmem>> -> memref<2x128xi32, #tpu.memory_space<vmem>>
      %dma_start3A_90 = arith.constant 0 : i32
      %dma_start3A_91 = tpu.memref_slice %arg2[%min3A_15, %dma_start3A_90] : memref<2500x128xi32, #tpu.memory_space<hbm>> -> memref<2x128xi32, #tpu.memory_space<hbm>>
      tpu.enqueue_dma source(%dma_start3A_91 : memref<2x128xi32, #tpu.memory_space<hbm>>) target(%dma_start3A_89 : memref<2x128xi32, #tpu.memory_space<vmem>>) target_semaphore(%run_scoped3A : memref<!tpu.dma_semaphore, #tpu.memory_space<semaphore_mem>>)
      %dma_wait3A = arith.constant 78 : i32
      %dma_wait3A_92 = arith.constant 0 : i32
      %dma_wait3A_93 = tpu.memref_slice %arg4[%dma_wait3A, %dma_wait3A_92] : memref<80x128xi32, #tpu.memory_space<vmem>> -> memref<2x128xi32, #tpu.memory_space<vmem>>
      %dma_wait3A_94 = arith.constant 0 : i32
      %dma_wait3A_95 = tpu.memref_slice %arg2[%min3A_15, %dma_wait3A_94] : memref<2500x128xi32, #tpu.memory_space<hbm>> -> memref<2x128xi32, #tpu.memory_space<hbm>>
      %dma_wait3A_96 = arith.constant 78 : i32
      %dma_wait3A_97 = arith.constant 0 : i32
      %dma_wait3A_98 = tpu.memref_slice %arg4[%dma_wait3A_96, %dma_wait3A_97] : memref<80x128xi32, #tpu.memory_space<vmem>> -> memref<2x128xi32, #tpu.memory_space<vmem>>
      %dma_wait3A_99 = arith.constant 0 : i32
      %dma_wait3A_100 = tpu.memref_slice %arg2[%min3A_15, %dma_wait3A_99] : memref<2500x128xi32, #tpu.memory_space<hbm>> -> memref<2x128xi32, #tpu.memory_space<hbm>>
      tpu.wait_dma2 semaphore(%run_scoped3A : memref<!tpu.dma_semaphore, #tpu.memory_space<semaphore_mem>>) src(%dma_wait3A_100 : memref<2x128xi32, #tpu.memory_space<hbm>>) dst(%dma_wait3A_98 : memref<2x128xi32, #tpu.memory_space<vmem>>)
      tpu.yield
    }) : () -> ()
    %broadcast_in_dim3A = arith.constant 1.000000e+00 : f32
    %broadcast_in_dim3A_16 = vector.broadcast %broadcast_in_dim3A : f32 to vector<16xf32>
    %swap3A = arith.constant 0 : index
    %swap3A_17 = tpu.vector_load %arg5[%swap3A] {strides = array<i32>} : memref<128xf32, #tpu.memory_space<vmem>>, vector<16xf32>,
    %swap3A_18 = vector.shape_cast %swap3A_17 : vector<16xf32> to vector<16xf32>
    %swap3A_19 = vector.shape_cast %broadcast_in_dim3A_16 : vector<16xf32> to vector<16xf32>
    tpu.vector_store %arg5[%swap3A], %swap3A_19 {strides = array<i32>} : memref<128xf32, #tpu.memory_space<vmem>>, vector<16xf32>,
    %broadcast_in_dim3A_20 = arith.constant 1.000000e+00 : f32
    %broadcast_in_dim3A_21 = vector.broadcast %broadcast_in_dim3A_20 : f32 to vector<16xf32>
    %swap3A_22 = arith.constant 16 : index
    %swap3A_23 = tpu.vector_load %arg5[%swap3A_22] {strides = array<i32>} : memref<128xf32, #tpu.memory_space<vmem>>, vector<16xf32>,
    %swap3A_24 = vector.shape_cast %swap3A_23 : vector<16xf32> to vector<16xf32>
    %swap3A_25 = vector.shape_cast %broadcast_in_dim3A_21 : vector<16xf32> to vector<16xf32>
    tpu.vector_store %arg5[%swap3A_22], %swap3A_25 {strides = array<i32>} : memref<128xf32, #tpu.memory_space<vmem>>, vector<16xf32>,
    %broadcast_in_dim3A_26 = arith.constant 1.000000e+00 : f32
    %broadcast_in_dim3A_27 = vector.broadcast %broadcast_in_dim3A_26 : f32 to vector<16xf32>
    %swap3A_28 = arith.constant 32 : index
    %swap3A_29 = tpu.vector_load %arg5[%swap3A_28] {strides = array<i32>} : memref<128xf32, #tpu.memory_space<vmem>>, vector<16xf32>,
    %swap3A_30 = vector.shape_cast %swap3A_29 : vector<16xf32> to vector<16xf32>
    %swap3A_31 = vector.shape_cast %broadcast_in_dim3A_27 : vector<16xf32> to vector<16xf32>
    tpu.vector_store %arg5[%swap3A_28], %swap3A_31 {strides = array<i32>} : memref<128xf32, #tpu.memory_space<vmem>>, vector<16xf32>,
    %broadcast_in_dim3A_32 = arith.constant 1.000000e+00 : f32
    %broadcast_in_dim3A_33 = vector.broadcast %broadcast_in_dim3A_32 : f32 to vector<16xf32>
    %swap3A_34 = arith.constant 48 : index
    %swap3A_35 = tpu.vector_load %arg5[%swap3A_34] {strides = array<i32>} : memref<128xf32, #tpu.memory_space<vmem>>, vector<16xf32>,
    %swap3A_36 = vector.shape_cast %swap3A_35 : vector<16xf32> to vector<16xf32>
    %swap3A_37 = vector.shape_cast %broadcast_in_dim3A_33 : vector<16xf32> to vector<16xf32>
    tpu.vector_store %arg5[%swap3A_34], %swap3A_37 {strides = array<i32>} : memref<128xf32, #tpu.memory_space<vmem>>, vector<16xf32>,
    %broadcast_in_dim3A_38 = arith.constant 1.000000e+00 : f32
    %broadcast_in_dim3A_39 = vector.broadcast %broadcast_in_dim3A_38 : f32 to vector<16xf32>
    %swap3A_40 = arith.constant 64 : index
    %swap3A_41 = tpu.vector_load %arg5[%swap3A_40] {strides = array<i32>} : memref<128xf32, #tpu.memory_space<vmem>>, vector<16xf32>,
    %swap3A_42 = vector.shape_cast %swap3A_41 : vector<16xf32> to vector<16xf32>
    %swap3A_43 = vector.shape_cast %broadcast_in_dim3A_39 : vector<16xf32> to vector<16xf32>
    tpu.vector_store %arg5[%swap3A_40], %swap3A_43 {strides = array<i32>} : memref<128xf32, #tpu.memory_space<vmem>>, vector<16xf32>,
    %broadcast_in_dim3A_44 = arith.constant 1.000000e+00 : f32
    %broadcast_in_dim3A_45 = vector.broadcast %broadcast_in_dim3A_44 : f32 to vector<16xf32>
    %swap3A_46 = arith.constant 80 : index
    %swap3A_47 = tpu.vector_load %arg5[%swap3A_46] {strides = array<i32>} : memref<128xf32, #tpu.memory_space<vmem>>, vector<16xf32>,
    %swap3A_48 = vector.shape_cast %swap3A_47 : vector<16xf32> to vector<16xf32>
    %swap3A_49 = vector.shape_cast %broadcast_in_dim3A_45 : vector<16xf32> to vector<16xf32>
    tpu.vector_store %arg5[%swap3A_46], %swap3A_49 {strides = array<i32>} : memref<128xf32, #tpu.memory_space<vmem>>, vector<16xf32>,
    %broadcast_in_dim3A_50 = arith.constant 1.000000e+00 : f32
    %broadcast_in_dim3A_51 = vector.broadcast %broadcast_in_dim3A_50 : f32 to vector<16xf32>
    %swap3A_52 = arith.constant 96 : index
    %swap3A_53 = tpu.vector_load %arg5[%swap3A_52] {strides = array<i32>} : memref<128xf32, #tpu.memory_space<vmem>>, vector<16xf32>,
    %swap3A_54 = vector.shape_cast %swap3A_53 : vector<16xf32> to vector<16xf32>
    %swap3A_55 = vector.shape_cast %broadcast_in_dim3A_51 : vector<16xf32> to vector<16xf32>
    tpu.vector_store %arg5[%swap3A_52], %swap3A_55 {strides = array<i32>} : memref<128xf32, #tpu.memory_space<vmem>>, vector<16xf32>,
    %broadcast_in_dim3A_56 = arith.constant 1.000000e+00 : f32
    %broadcast_in_dim3A_57 = vector.broadcast %broadcast_in_dim3A_56 : f32 to vector<16xf32>
    %swap3A_58 = arith.constant 112 : index
    %swap3A_59 = tpu.vector_load %arg5[%swap3A_58] {strides = array<i32>} : memref<128xf32, #tpu.memory_space<vmem>>, vector<16xf32>,
    %swap3A_60 = vector.shape_cast %swap3A_59 : vector<16xf32> to vector<16xf32>
    %swap3A_61 = vector.shape_cast %broadcast_in_dim3A_57 : vector<16xf32> to vector<16xf32>
    tpu.vector_store %arg5[%swap3A_58], %swap3A_61 {strides = array<i32>} : memref<128xf32, #tpu.memory_space<vmem>>, vector<16xf32>,
    %scan3A = arith.constant 0 : i32
    %scan3A_62 = arith.constant 0 : i32
    %scan3A_63 = arith.constant 40 : i32
    %scan3A_64 = arith.addi %scan3A_62, %scan3A_63 : i32
    %scan3A_65 = arith.constant 1 : i32
    scf.for %scan3A_83 = %scan3A_62 to %scan3A_64 step %scan3A_65  : i32 {
      %broadcast_in_dim3A_84 = arith.constant 0.000000e+00 : f32
      %broadcast_in_dim3A_85 = vector.broadcast %broadcast_in_dim3A_84 : f32 to vector<16xf32>
      %mul3A_86 = arith.constant 16 : i32
      %mul3A_87 = arith.muli %scan3A_83, %mul3A_86 : i32
      %swap3A_88 = arith.index_cast %mul3A_87 : i32 to index
      %swap3A_89 = tpu.vector_load %arg6[%swap3A_88] {strides = array<i32>} : memref<640xf32, #tpu.memory_space<vmem>>, vector<16xf32>,
      %swap3A_90 = vector.shape_cast %swap3A_89 : vector<16xf32> to vector<16xf32>
      %swap3A_91 = vector.shape_cast %broadcast_in_dim3A_85 : vector<16xf32> to vector<16xf32>
      tpu.vector_store %arg6[%swap3A_88], %swap3A_91 {strides = array<i32>} : memref<640xf32, #tpu.memory_space<vmem>>, vector<16xf32>,
    }
    %scan3A_66 = arith.constant 40 : i32
    %mul3A_67 = arith.constant 640 : i32
    %mul3A_68 = arith.muli %arg1, %mul3A_67 : i32
    "tpu.region"() ({
      %run_scoped3A = tpu.sem_alloc : memref<!tpu.dma_semaphore, #tpu.memory_space<semaphore_mem>>
      %dma_start3A = tpu.memref_slice %arg7[%mul3A_68] : memref<10240xf32, #tpu.memory_space<vmem_shared>> -> memref<640xf32, #tpu.memory_space<vmem_shared>>
      %dma_start3A_83 = tpu.memref_slice %arg7[%mul3A_68] : memref<10240xf32, #tpu.memory_space<vmem_shared>> -> memref<640xf32, #tpu.memory_space<vmem_shared>>
      tpu.enqueue_dma source(%arg6 : memref<640xf32, #tpu.memory_space<vmem>>) target(%dma_start3A_83 : memref<640xf32, #tpu.memory_space<vmem_shared>>) target_semaphore(%run_scoped3A : memref<!tpu.dma_semaphore, #tpu.memory_space<semaphore_mem>>)
      %dma_wait3A = tpu.memref_slice %arg7[%mul3A_68] : memref<10240xf32, #tpu.memory_space<vmem_shared>> -> memref<640xf32, #tpu.memory_space<vmem_shared>>
      %dma_wait3A_84 = tpu.memref_slice %arg7[%mul3A_68] : memref<10240xf32, #tpu.memory_space<vmem_shared>> -> memref<640xf32, #tpu.memory_space<vmem_shared>>
      tpu.wait_dma2 semaphore(%run_scoped3A : memref<!tpu.dma_semaphore, #tpu.memory_space<semaphore_mem>>) src(%arg6 : memref<640xf32, #tpu.memory_space<vmem>>) dst(%dma_wait3A_84 : memref<640xf32, #tpu.memory_space<vmem_shared>>)
      tpu.yield
    }) : () -> ()
    %barrier3A = arith.constant 0 : index
    tpu.barrier barrier_id(%barrier3A)
    %while3A = arith.constant 0 : i32
    %while3A_69 = arith.constant 0 : i32
    %while3A_70 = arith.subi %add3A_5, %while3A_69 : i32
    %while3A_71 = arith.addi %while3A_69, %while3A_70 : i32
    %while3A_72 = arith.constant 1 : i32
    %while3A_73 = arith.divsi %while3A_70, %while3A_72 : i32
    %while3A_74 = arith.muli %while3A_73, %while3A_72 : i32
    %while3A_75 = arith.addi %while3A_69, %while3A_74 : i32
    %while3A_76 = arith.constant 1 : i32
    scf.for %while3A_83 = %while3A_69 to %while3A_75 step %while3A_76  : i32 {
      "tpu.region"() ({
        %run_scoped3A = tpu.sem_alloc : memref<!tpu.dma_semaphore, #tpu.memory_space<semaphore_mem>>
        %dma_start3A = arith.constant 0 : i32
        %dma_start3A_84 = tpu.memref_slice %arg4[%while3A_83, %dma_start3A] : memref<80x128xi32, #tpu.memory_space<vmem>> -> memref<1x128xi32, #tpu.memory_space<vmem>>
        %dma_start3A_85 = tpu.memref_squeeze %dma_start3A_84 : memref<1x128xi32, #tpu.memory_space<vmem>> -> memref<128xi32, #tpu.memory_space<vmem>>
        %dma_start3A_86 = arith.constant 0 : i32
        %dma_start3A_87 = tpu.memref_slice %arg7[%dma_start3A_86] : memref<10240xf32, #tpu.memory_space<vmem_shared>> -> memref<10240xf32, #tpu.memory_space<vmem_shared>>
        tpu.enqueue_indirect_dma source(%arg5 : memref<128xf32, #tpu.memory_space<vmem>>) target(%dma_start3A_87 : memref<10240xf32, #tpu.memory_space<vmem_shared>>) offsets(%dma_start3A_85 : memref<128xi32, #tpu.memory_space<vmem>>) semaphore(%run_scoped3A : memref<!tpu.dma_semaphore, #tpu.memory_space<semaphore_mem>>) {add = true}
        %dma_wait3A = arith.constant 0 : i32
        %dma_wait3A_88 = tpu.memref_slice %arg4[%while3A_83, %dma_wait3A] : memref<80x128xi32, #tpu.memory_space<vmem>> -> memref<1x128xi32, #tpu.memory_space<vmem>>
        %dma_wait3A_89 = tpu.memref_squeeze %dma_wait3A_88 : memref<1x128xi32, #tpu.memory_space<vmem>> -> memref<128xi32, #tpu.memory_space<vmem>>
        %dma_wait3A_90 = arith.constant 0 : i32
        %dma_wait3A_91 = tpu.memref_slice %arg7[%dma_wait3A_90] : memref<10240xf32, #tpu.memory_space<vmem_shared>> -> memref<10240xf32, #tpu.memory_space<vmem_shared>>
        tpu.wait_indirect_dma semaphore(%run_scoped3A : memref<!tpu.dma_semaphore, #tpu.memory_space<semaphore_mem>>) src(%arg5 : memref<128xf32, #tpu.memory_space<vmem>>) dst(%dma_wait3A_91 : memref<10240xf32, #tpu.memory_space<vmem_shared>>)
        tpu.yield
      }) : () -> ()
    }
    %while3A_77 = arith.constant 1 : i32
    scf.for %while3A_83 = %while3A_75 to %while3A_71 step %while3A_77  : i32 {
      "tpu.region"() ({
        %run_scoped3A = tpu.sem_alloc : memref<!tpu.dma_semaphore, #tpu.memory_space<semaphore_mem>>
        %dma_start3A = arith.constant 0 : i32
        %dma_start3A_84 = tpu.memref_slice %arg4[%while3A_83, %dma_start3A] : memref<80x128xi32, #tpu.memory_space<vmem>> -> memref<1x128xi32, #tpu.memory_space<vmem>>
        %dma_start3A_85 = tpu.memref_squeeze %dma_start3A_84 : memref<1x128xi32, #tpu.memory_space<vmem>> -> memref<128xi32, #tpu.memory_space<vmem>>
        %dma_start3A_86 = arith.constant 0 : i32
        %dma_start3A_87 = tpu.memref_slice %arg7[%dma_start3A_86] : memref<10240xf32, #tpu.memory_space<vmem_shared>> -> memref<10240xf32, #tpu.memory_space<vmem_shared>>
        tpu.enqueue_indirect_dma source(%arg5 : memref<128xf32, #tpu.memory_space<vmem>>) target(%dma_start3A_87 : memref<10240xf32, #tpu.memory_space<vmem_shared>>) offsets(%dma_start3A_85 : memref<128xi32, #tpu.memory_space<vmem>>) semaphore(%run_scoped3A : memref<!tpu.dma_semaphore, #tpu.memory_space<semaphore_mem>>) {add = true}
        %dma_wait3A = arith.constant 0 : i32
        %dma_wait3A_88 = tpu.memref_slice %arg4[%while3A_83, %dma_wait3A] : memref<80x128xi32, #tpu.memory_space<vmem>> -> memref<1x128xi32, #tpu.memory_space<vmem>>
        %dma_wait3A_89 = tpu.memref_squeeze %dma_wait3A_88 : memref<1x128xi32, #tpu.memory_space<vmem>> -> memref<128xi32, #tpu.memory_space<vmem>>
        %dma_wait3A_90 = arith.constant 0 : i32
        %dma_wait3A_91 = tpu.memref_slice %arg7[%dma_wait3A_90] : memref<10240xf32, #tpu.memory_space<vmem_shared>> -> memref<10240xf32, #tpu.memory_space<vmem_shared>>
        tpu.wait_indirect_dma semaphore(%run_scoped3A : memref<!tpu.dma_semaphore, #tpu.memory_space<semaphore_mem>>) src(%arg5 : memref<128xf32, #tpu.memory_space<vmem>>) dst(%dma_wait3A_91 : memref<10240xf32, #tpu.memory_space<vmem_shared>>)
        tpu.yield
      }) : () -> ()
    }
    %barrier3A_78 = arith.constant 0 : index
    tpu.barrier barrier_id(%barrier3A_78)
    %mul3A_79 = arith.constant 640 : i32
    %mul3A_80 = arith.muli %arg1, %mul3A_79 : i32
    %mul3A_81 = arith.constant 640 : i32
    %mul3A_82 = arith.muli %arg1, %mul3A_81 : i32
    "tpu.region"() ({
      %run_scoped3A = tpu.sem_alloc : memref<!tpu.dma_semaphore, #tpu.memory_space<semaphore_mem>>
      %dma_start3A = tpu.memref_slice %arg3[%arg0, %mul3A_82] : memref<2x10240xf32, #tpu.memory_space<hbm>> -> memref<1x640xf32, #tpu.memory_space<hbm>>
      %dma_start3A_83 = tpu.memref_squeeze %dma_start3A : memref<1x640xf32, #tpu.memory_space<hbm>> -> memref<640xf32, #tpu.memory_space<hbm>>
      %dma_start3A_84 = tpu.memref_slice %arg7[%mul3A_80] : memref<10240xf32, #tpu.memory_space<vmem_shared>> -> memref<640xf32, #tpu.memory_space<vmem_shared>>
      tpu.enqueue_dma source(%dma_start3A_84 : memref<640xf32, #tpu.memory_space<vmem_shared>>) target(%dma_start3A_83 : memref<640xf32, #tpu.memory_space<hbm>>) target_semaphore(%run_scoped3A : memref<!tpu.dma_semaphore, #tpu.memory_space<semaphore_mem>>)
      %dma_wait3A = tpu.memref_slice %arg3[%arg0, %mul3A_82] : memref<2x10240xf32, #tpu.memory_space<hbm>> -> memref<1x640xf32, #tpu.memory_space<hbm>>
      %dma_wait3A_85 = tpu.memref_squeeze %dma_wait3A : memref<1x640xf32, #tpu.memory_space<hbm>> -> memref<640xf32, #tpu.memory_space<hbm>>
      %dma_wait3A_86 = tpu.memref_slice %arg7[%mul3A_80] : memref<10240xf32, #tpu.memory_space<vmem_shared>> -> memref<640xf32, #tpu.memory_space<vmem_shared>>
      tpu.wait_dma2 semaphore(%run_scoped3A : memref<!tpu.dma_semaphore, #tpu.memory_space<semaphore_mem>>) src(%dma_wait3A_86 : memref<640xf32, #tpu.memory_space<vmem_shared>>) dst(%dma_wait3A_85 : memref<640xf32, #tpu.memory_space<hbm>>)
      tpu.yield
    }) : () -> ()
    return
  }
}

module attributes {stable_mosaic.version = 14 : i64} {
  func.func @_tc1_body(%arg0: i32, %arg1: memref<2x2000x1xf32, #tpu.memory_space<vmem>>, %arg2: memref<2000x128xf32, #tpu.memory_space<vmem>>, %arg3: memref<128x16xf32, #tpu.memory_space<vmem>>, %arg4: memref<2000x16xf32, #tpu.memory_space<vmem>>) attributes {dimension_semantics = [#tpu.dimension_semantics<arbitrary>], iteration_bounds = array<i64: 5>, scalar_prefetch = 0 : i64, scratch_operands = 0 : i64, tpu.core_type = #tpu.core_type<tc>, window_params = [{transform_indices = @transform_0, window_bounds = array<i64: 2, 2000, 1>}, {transform_indices = @transform_1, window_bounds = array<i64: 2000, 128>}, {pipeline_mode = #tpu.pipeline_mode<synchronous>, transform_indices = @transform_2, window_bounds = array<i64: 128, 16>}, {transform_indices = @transform_3, window_bounds = array<i64: 2000, 16>}]} {
    %get3A = arith.constant 0 : index
    %get3A_0 = arith.constant 0 : index
    %get3A_1 = arith.constant 0 : index
    %get3A_2 = vector.load %arg1[%get3A, %get3A_0, %get3A_1] : memref<2x2000x1xf32, #tpu.memory_space<vmem>>, vector<1x2000x1xf32>
    %get3A_3 = vector.shape_cast %get3A_2 : vector<1x2000x1xf32> to vector<2000x1xf32>
    %get3A_4 = arith.constant 1 : index
    %get3A_5 = arith.constant 0 : index
    %get3A_6 = arith.constant 0 : index
    %get3A_7 = vector.load %arg1[%get3A_4, %get3A_5, %get3A_6] : memref<2x2000x1xf32, #tpu.memory_space<vmem>>, vector<1x2000x1xf32>
    %get3A_8 = vector.shape_cast %get3A_7 : vector<1x2000x1xf32> to vector<2000x1xf32>
    %add3A = arith.addf %get3A_3, %get3A_8 : vector<2000x1xf32>
    %add3A_9 = arith.constant 1.000000e+00 : f32
    %add3A_10 = vector.broadcast %add3A_9 : f32 to vector<2000x1xf32>
    %add3A_11 = arith.addf %add3A, %add3A_10 : vector<2000x1xf32>
    %rsqrt3A = math.rsqrt %add3A_11 : vector<2000x1xf32>
    %get3A_12 = arith.constant 0 : index
    %get3A_13 = arith.constant 0 : index
    %get3A_14 = vector.load %arg2[%get3A_12, %get3A_13] : memref<2000x128xf32, #tpu.memory_space<vmem>>, vector<2000x128xf32>
    %get3A_15 = arith.constant 0 : index
    %get3A_16 = arith.constant 0 : index
    %get3A_17 = vector.load %arg3[%get3A_15, %get3A_16] : memref<128x16xf32, #tpu.memory_space<vmem>>, vector<128x16xf32>
    %dot_general3A = arith.constant dense<0.000000e+00> : vector<2000x16xf32>
    %dot_general3A_18 = tpu.matmul %get3A_14, %get3A_17, %dot_general3A {dimension_numbers = #tpu.dot_dimension_numbers<[1], [0], [0], [1], [0, 0, 1, 1], [], []>, transpose_lhs_hint = false} : vector<2000x128xf32>, vector<128x16xf32>, vector<2000x16xf32> -> vector<2000x16xf32>
    %mul3A = vector.broadcast %rsqrt3A : vector<2000x1xf32> to vector<2000x16xf32>
    %mul3A_19 = arith.mulf %dot_general3A_18, %mul3A : vector<2000x16xf32>
    %swap3A = arith.constant 0 : index
    %swap3A_20 = arith.constant 0 : index
    %swap3A_21 = vector.load %arg4[%swap3A, %swap3A_20] : memref<2000x16xf32, #tpu.memory_space<vmem>>, vector<2000x16xf32>
    tpu.vector_store %arg4[%swap3A, %swap3A_20], %mul3A_19 {strides = array<i32>} : memref<2000x16xf32, #tpu.memory_space<vmem>>, vector<2000x16xf32>,
    return
  }
  func.func @transform_0(%arg0: i32) -> (i32, i32, i32) {
    %c0_i32 = arith.constant 0 : i32
    %c0_i32_0 = arith.constant 0 : i32
    %c0_i32_1 = arith.constant 0 : i32
    return %c0_i32, %arg0, %c0_i32_0 : i32, i32, i32
  }
  func.func @transform_1(%arg0: i32) -> (i32, i32) {
    %c0_i32 = arith.constant 0 : i32
    %c0_i32_0 = arith.constant 0 : i32
    return %arg0, %c0_i32 : i32, i32
  }
  func.func @transform_2(%arg0: i32) -> (i32, i32) {
    %c0_i32 = arith.constant 0 : i32
    %c0_i32_0 = arith.constant 0 : i32
    %c0_i32_1 = arith.constant 0 : i32
    return %c0_i32, %c0_i32_0 : i32, i32
  }
  func.func @transform_3(%arg0: i32) -> (i32, i32) {
    %c0_i32 = arith.constant 0 : i32
    %c0_i32_0 = arith.constant 0 : i32
    return %arg0, %c0_i32 : i32, i32
  }
}

module attributes {stable_mosaic.version = 14 : i64} {
  func.func @_tc2_body(%arg0: i32, %arg1: memref<2x2000x16xf32, #tpu.memory_space<vmem>>, %arg2: memref<2x2000x1xf32, #tpu.memory_space<vmem>>, %arg3: memref<2000x16xf32, #tpu.memory_space<vmem>>, %arg4: memref<1x16xf32, #tpu.memory_space<vmem>>, %arg5: memref<2000x16xf32, #tpu.memory_space<vmem>>) attributes {dimension_semantics = [#tpu.dimension_semantics<arbitrary>], iteration_bounds = array<i64: 5>, scalar_prefetch = 0 : i64, scratch_operands = 0 : i64, tpu.core_type = #tpu.core_type<tc>, window_params = [{transform_indices = @transform_0, window_bounds = array<i64: 2, 2000, 16>}, {transform_indices = @transform_1, window_bounds = array<i64: 2, 2000, 1>}, {transform_indices = @transform_2, window_bounds = array<i64: 2000, 16>}, {pipeline_mode = #tpu.pipeline_mode<synchronous>, transform_indices = @transform_3, window_bounds = array<i64: 1, 16>}, {transform_indices = @transform_4, window_bounds = array<i64: 2000, 16>}]} {
    %get3A = arith.constant 0 : index
    %get3A_0 = arith.constant 0 : index
    %get3A_1 = arith.constant 0 : index
    %get3A_2 = vector.load %arg2[%get3A, %get3A_0, %get3A_1] : memref<2x2000x1xf32, #tpu.memory_space<vmem>>, vector<1x2000x1xf32>
    %get3A_3 = vector.shape_cast %get3A_2 : vector<1x2000x1xf32> to vector<2000x1xf32>
    %get3A_4 = arith.constant 1 : index
    %get3A_5 = arith.constant 0 : index
    %get3A_6 = arith.constant 0 : index
    %get3A_7 = vector.load %arg2[%get3A_4, %get3A_5, %get3A_6] : memref<2x2000x1xf32, #tpu.memory_space<vmem>>, vector<1x2000x1xf32>
    %get3A_8 = vector.shape_cast %get3A_7 : vector<1x2000x1xf32> to vector<2000x1xf32>
    %add3A = arith.addf %get3A_3, %get3A_8 : vector<2000x1xf32>
    %add3A_9 = arith.constant 1.000000e+00 : f32
    %add3A_10 = vector.broadcast %add3A_9 : f32 to vector<2000x1xf32>
    %add3A_11 = arith.addf %add3A, %add3A_10 : vector<2000x1xf32>
    %rsqrt3A = math.rsqrt %add3A_11 : vector<2000x1xf32>
    %get3A_12 = arith.constant 0 : index
    %get3A_13 = arith.constant 0 : index
    %get3A_14 = arith.constant 0 : index
    %get3A_15 = vector.load %arg1[%get3A_12, %get3A_13, %get3A_14] : memref<2x2000x16xf32, #tpu.memory_space<vmem>>, vector<1x2000x16xf32>
    %get3A_16 = vector.shape_cast %get3A_15 : vector<1x2000x16xf32> to vector<2000x16xf32>
    %get3A_17 = arith.constant 1 : index
    %get3A_18 = arith.constant 0 : index
    %get3A_19 = arith.constant 0 : index
    %get3A_20 = vector.load %arg1[%get3A_17, %get3A_18, %get3A_19] : memref<2x2000x16xf32, #tpu.memory_space<vmem>>, vector<1x2000x16xf32>
    %get3A_21 = vector.shape_cast %get3A_20 : vector<1x2000x16xf32> to vector<2000x16xf32>
    %add3A_22 = arith.addf %get3A_16, %get3A_21 : vector<2000x16xf32>
    %get3A_23 = arith.constant 0 : index
    %get3A_24 = arith.constant 0 : index
    %get3A_25 = vector.load %arg3[%get3A_23, %get3A_24] : memref<2000x16xf32, #tpu.memory_space<vmem>>, vector<2000x16xf32>
    %add3A_26 = arith.addf %add3A_22, %get3A_25 : vector<2000x16xf32>
    %mul3A = vector.broadcast %rsqrt3A : vector<2000x1xf32> to vector<2000x16xf32>
    %mul3A_27 = arith.mulf %add3A_26, %mul3A : vector<2000x16xf32>
    %get3A_28 = arith.constant 0 : index
    %get3A_29 = arith.constant 0 : index
    %get3A_30 = vector.load %arg4[%get3A_28, %get3A_29] : memref<1x16xf32, #tpu.memory_space<vmem>>, vector<1x16xf32>
    %add3A_31 = vector.broadcast %get3A_30 : vector<1x16xf32> to vector<2000x16xf32>
    %add3A_32 = arith.addf %mul3A_27, %add3A_31 : vector<2000x16xf32>
    %max3A = arith.constant 0.000000e+00 : f32
    %max3A_33 = vector.broadcast %max3A : f32 to vector<2000x16xf32>
    %max3A_34 = arith.maximumf %add3A_32, %max3A_33 : vector<2000x16xf32>
    %mul3A_35 = vector.broadcast %rsqrt3A : vector<2000x1xf32> to vector<2000x16xf32>
    %mul3A_36 = arith.mulf %max3A_34, %mul3A_35 : vector<2000x16xf32>
    %swap3A = arith.constant 0 : index
    %swap3A_37 = arith.constant 0 : index
    %swap3A_38 = vector.load %arg5[%swap3A, %swap3A_37] : memref<2000x16xf32, #tpu.memory_space<vmem>>, vector<2000x16xf32>
    tpu.vector_store %arg5[%swap3A, %swap3A_37], %mul3A_36 {strides = array<i32>} : memref<2000x16xf32, #tpu.memory_space<vmem>>, vector<2000x16xf32>,
    return
  }
  func.func @transform_0(%arg0: i32) -> (i32, i32, i32) {
    %c0_i32 = arith.constant 0 : i32
    %c0_i32_0 = arith.constant 0 : i32
    %c0_i32_1 = arith.constant 0 : i32
    return %c0_i32, %arg0, %c0_i32_0 : i32, i32, i32
  }
  func.func @transform_1(%arg0: i32) -> (i32, i32, i32) {
    %c0_i32 = arith.constant 0 : i32
    %c0_i32_0 = arith.constant 0 : i32
    %c0_i32_1 = arith.constant 0 : i32
    return %c0_i32, %arg0, %c0_i32_0 : i32, i32, i32
  }
  func.func @transform_2(%arg0: i32) -> (i32, i32) {
    %c0_i32 = arith.constant 0 : i32
    %c0_i32_0 = arith.constant 0 : i32
    return %arg0, %c0_i32 : i32, i32
  }
  func.func @transform_3(%arg0: i32) -> (i32, i32) {
    %c0_i32 = arith.constant 0 : i32
    %c0_i32_0 = arith.constant 0 : i32
    %c0_i32_1 = arith.constant 0 : i32
    return %c0_i32, %c0_i32_0 : i32, i32
  }
  func.func @transform_4(%arg0: i32) -> (i32, i32) {
    %c0_i32 = arith.constant 0 : i32
    %c0_i32_0 = arith.constant 0 : i32
    return %arg0, %c0_i32 : i32, i32
  }
}

module attributes {stable_mosaic.version = 14 : i64} {
  func.func @_tc3_body(%arg0: i32, %arg1: memref<2x2000x16xf32, #tpu.memory_space<vmem>>, %arg2: memref<2x2000x1xf32, #tpu.memory_space<vmem>>, %arg3: memref<2000x16xf32, #tpu.memory_space<vmem>>, %arg4: memref<16x1xf32, #tpu.memory_space<vmem>>, %arg5: memref<1x1xf32, #tpu.memory_space<vmem>>, %arg6: memref<2000x1xf32, #tpu.memory_space<vmem>>) attributes {dimension_semantics = [#tpu.dimension_semantics<arbitrary>], iteration_bounds = array<i64: 5>, scalar_prefetch = 0 : i64, scratch_operands = 0 : i64, tpu.core_type = #tpu.core_type<tc>, window_params = [{transform_indices = @transform_0, window_bounds = array<i64: 2, 2000, 16>}, {transform_indices = @transform_1, window_bounds = array<i64: 2, 2000, 1>}, {transform_indices = @transform_2, window_bounds = array<i64: 2000, 16>}, {pipeline_mode = #tpu.pipeline_mode<synchronous>, transform_indices = @transform_3, window_bounds = array<i64: 16, 1>}, {pipeline_mode = #tpu.pipeline_mode<synchronous>, transform_indices = @transform_4, window_bounds = array<i64: 1, 1>}, {transform_indices = @transform_5, window_bounds = array<i64: 2000, 1>}]} {
    %get3A = arith.constant 0 : index
    %get3A_0 = arith.constant 0 : index
    %get3A_1 = arith.constant 0 : index
    %get3A_2 = vector.load %arg2[%get3A, %get3A_0, %get3A_1] : memref<2x2000x1xf32, #tpu.memory_space<vmem>>, vector<1x2000x1xf32>
    %get3A_3 = vector.shape_cast %get3A_2 : vector<1x2000x1xf32> to vector<2000x1xf32>
    %get3A_4 = arith.constant 1 : index
    %get3A_5 = arith.constant 0 : index
    %get3A_6 = arith.constant 0 : index
    %get3A_7 = vector.load %arg2[%get3A_4, %get3A_5, %get3A_6] : memref<2x2000x1xf32, #tpu.memory_space<vmem>>, vector<1x2000x1xf32>
    %get3A_8 = vector.shape_cast %get3A_7 : vector<1x2000x1xf32> to vector<2000x1xf32>
    %add3A = arith.addf %get3A_3, %get3A_8 : vector<2000x1xf32>
    %add3A_9 = arith.constant 1.000000e+00 : f32
    %add3A_10 = vector.broadcast %add3A_9 : f32 to vector<2000x1xf32>
    %add3A_11 = arith.addf %add3A, %add3A_10 : vector<2000x1xf32>
    %rsqrt3A = math.rsqrt %add3A_11 : vector<2000x1xf32>
    %get3A_12 = arith.constant 0 : index
    %get3A_13 = arith.constant 0 : index
    %get3A_14 = arith.constant 0 : index
    %get3A_15 = vector.load %arg1[%get3A_12, %get3A_13, %get3A_14] : memref<2x2000x16xf32, #tpu.memory_space<vmem>>, vector<1x2000x16xf32>
    %get3A_16 = vector.shape_cast %get3A_15 : vector<1x2000x16xf32> to vector<2000x16xf32>
    %get3A_17 = arith.constant 1 : index
    %get3A_18 = arith.constant 0 : index
    %get3A_19 = arith.constant 0 : index
    %get3A_20 = vector.load %arg1[%get3A_17, %get3A_18, %get3A_19] : memref<2x2000x16xf32, #tpu.memory_space<vmem>>, vector<1x2000x16xf32>
    %get3A_21 = vector.shape_cast %get3A_20 : vector<1x2000x16xf32> to vector<2000x16xf32>
    %add3A_22 = arith.addf %get3A_16, %get3A_21 : vector<2000x16xf32>
    %get3A_23 = arith.constant 0 : index
    %get3A_24 = arith.constant 0 : index
    %get3A_25 = vector.load %arg3[%get3A_23, %get3A_24] : memref<2000x16xf32, #tpu.memory_space<vmem>>, vector<2000x16xf32>
    %add3A_26 = arith.addf %add3A_22, %get3A_25 : vector<2000x16xf32>
    %mul3A = vector.broadcast %rsqrt3A : vector<2000x1xf32> to vector<2000x16xf32>
    %mul3A_27 = arith.mulf %add3A_26, %mul3A : vector<2000x16xf32>
    %get3A_28 = arith.constant 0 : index
    %get3A_29 = arith.constant 0 : index
    %get3A_30 = vector.load %arg4[%get3A_28, %get3A_29] : memref<16x1xf32, #tpu.memory_space<vmem>>, vector<16x1xf32>
    %dot_general3A = arith.constant dense<0.000000e+00> : vector<2000x1xf32>
    %dot_general3A_31 = tpu.matmul %mul3A_27, %get3A_30, %dot_general3A {dimension_numbers = #tpu.dot_dimension_numbers<[1], [0], [0], [1], [0, 0, 1, 1], [], []>, transpose_lhs_hint = false} : vector<2000x16xf32>, vector<16x1xf32>, vector<2000x1xf32> -> vector<2000x1xf32>
    %get3A_32 = arith.constant 0 : index
    %get3A_33 = arith.constant 0 : index
    %get3A_34 = vector.load %arg5[%get3A_32, %get3A_33] : memref<1x1xf32, #tpu.memory_space<vmem>>, vector<1x1xf32>
    %add3A_35 = vector.broadcast %get3A_34 : vector<1x1xf32> to vector<2000x1xf32>
    %add3A_36 = arith.addf %dot_general3A_31, %add3A_35 : vector<2000x1xf32>
    %logistic3A = arith.negf %add3A_36 : vector<2000x1xf32>
    %logistic3A_37 = math.exp %logistic3A : vector<2000x1xf32>
    %logistic3A_38 = arith.constant 1.000000e+00 : f32
    %logistic3A_39 = vector.broadcast %logistic3A_38 : f32 to vector<2000x1xf32>
    %logistic3A_40 = arith.addf %logistic3A_39, %logistic3A_37 : vector<2000x1xf32>
    %logistic3A_41 = arith.divf %logistic3A_39, %logistic3A_40 : vector<2000x1xf32>
    %swap3A = arith.constant 0 : index
    %swap3A_42 = arith.constant 0 : index
    %swap3A_43 = vector.load %arg6[%swap3A, %swap3A_42] : memref<2000x1xf32, #tpu.memory_space<vmem>>, vector<2000x1xf32>
    tpu.vector_store %arg6[%swap3A, %swap3A_42], %logistic3A_41 {strides = array<i32>} : memref<2000x1xf32, #tpu.memory_space<vmem>>, vector<2000x1xf32>,
    return
  }
  func.func @transform_0(%arg0: i32) -> (i32, i32, i32) {
    %c0_i32 = arith.constant 0 : i32
    %c0_i32_0 = arith.constant 0 : i32
    %c0_i32_1 = arith.constant 0 : i32
    return %c0_i32, %arg0, %c0_i32_0 : i32, i32, i32
  }
  func.func @transform_1(%arg0: i32) -> (i32, i32, i32) {
    %c0_i32 = arith.constant 0 : i32
    %c0_i32_0 = arith.constant 0 : i32
    %c0_i32_1 = arith.constant 0 : i32
    return %c0_i32, %arg0, %c0_i32_0 : i32, i32, i32
  }
  func.func @transform_2(%arg0: i32) -> (i32, i32) {
    %c0_i32 = arith.constant 0 : i32
    %c0_i32_0 = arith.constant 0 : i32
    return %arg0, %c0_i32 : i32, i32
  }
  func.func @transform_3(%arg0: i32) -> (i32, i32) {
    %c0_i32 = arith.constant 0 : i32
    %c0_i32_0 = arith.constant 0 : i32
    %c0_i32_1 = arith.constant 0 : i32
    return %c0_i32, %c0_i32_0 : i32, i32
  }
  func.func @transform_4(%arg0: i32) -> (i32, i32) {
    %c0_i32 = arith.constant 0 : i32
    %c0_i32_0 = arith.constant 0 : i32
    %c0_i32_1 = arith.constant 0 : i32
    return %c0_i32, %c0_i32_0 : i32, i32
  }
  func.func @transform_5(%arg0: i32) -> (i32, i32) {
    %c0_i32 = arith.constant 0 : i32
    %c0_i32_0 = arith.constant 0 : i32
    return %arg0, %c0_i32 : i32, i32
  }
}

</mosaic_0001>

<sc_bundles>
// kernel: kernel.11.cloned.1.call-start
scs
__scs_entry_jumppad:
0x0: {  	(pc) =	sbr.rel $0x88, $3  }
0x1: {  	(tag) =	ssettag $0x0;
	lr =	simm.s32 $0x1  }
0x2: {  	[smem:$0x3F9B] =	sst lr;
	_ =	strace $0xD0000000  }
0x3: {  	_ = 	snop  }
0x4: {  	_ = 	snop  }
0x5: {  	_ = 	snop  }
0x6: {  	_ = 	snop  }
0x7: {  	_ = 	snop  }
__scs_overlays_trampoline_lowered:
0x8: {  	[smem:$0x3FAA] =	sst s0  }
0x9: {  	[smem:$0x3FAB] =	sst s1  }
0xa: {  	[smem:$0x3FAC] =	sst s2  }
0xb: {  	[smem:$0x3FAD] =	sst s3  }
0xc: {  	[smem:$0x3FAE] =	sst s4  }
0xd: {  	[smem:$0x3FAF] =	sst s5  }
0xe: {  	[smem:$0x3FB0] =	sst s6  }
0xf: {  	[smem:$0x3FB1] =	sst s7  }
0x10: {  	[smem:$0x3FB2] =	sst s8  }
0x11: {  	[smem:$0x3FB3] =	sst s9;
	s0 =	simm.s32 @!p0 $0x0  }
0x12: {  	s1 =	sld [smem:$0x3F99];
	s0 =	simm.s32 @p0 $0x1  }
0x13: {  	[smem:$0x3FB4] =	sst s0;
	s0 =	simm.s32 @!p1 $0x0  }
0x14: {  	s2 =	sld [smem:$0x3F98];
	s0 =	simm.s32 @p1 $0x1  }
0x15: {  	[smem:$0x3FB5] =	sst s0;
	s0 =	simm.s32 @!p2 $0x0  }
0x16: {  	s3 =	sld [smem:$0x3FDB];
	s0 =	simm.s32 @p2 $0x1  }
0x17: {  	s4 =	simm.s32 $0x1BF5;
	[smem:$0x3FB7] =	sst s0  }
0x18: {  	s0 =	sld [smem:$0x3F9A];
	_ =	swait.ge [sflag:s4], $0x0  }
0x19: {  	s7 =	sld [smem:$0x3F9B]  }
0x1a: {  	s8 =	sadd.s32 $0xFFFFE003, lr  }
0x1b: {  	s9 =	sadd.s32 $0xFFFFFEF7, lr;
	s5 =	simm.s32 $0xFFFFFFFF;
	p2 =	slt.u32 s8, $0xFFFFF086  }
0x1c: {  	p1 =	slt.u32 s9, $0xF7A;
	s5 =	simm.s32 @!p2 $0x0  }
0x1d: {  	s5 =	simm.s32 @p1 $0x1;
	p0 =	seq.s32 s7, s2  }
0x1e: {  	s7 =	smul.u32 @!p0 $0xF7A, s2;
	p2 =	seq.s32 @!p0 s5, $0x0  }
0x1f: {  	s9 =	smul.u32 $0xF7A, s1;
	s8 =	simm.s32 @!p0 $0x1BF5;
	p2 =	por !p2, p0  }
0x20: {  	[sflag:s8] =	ssyncset.s32 @!p0 $0xFFFFF086;
	s6 =	sadd.s32 @!p0 s3, s7;
	s7 =	simm.s32 @!p0 $0x108  }
0x21: {  	s3 =	sadd.s32 s3, s9;
	s6 =	sadd.s32 @!p0 $0x88, s6;
	s7 =	simm.s32 @p2 $0x1082  }
0x22: {  	[simem:s7], [sflag:s8] =	dma.local @!p0 [hbm:s6], $0xF7A  }
0x23: {  	s9 =	sor.u32 $0xD0000000, s2;
	s6 =	simm.s32 $0x108;
	_ =	swait.ge @!p0 [sflag:s8], $0x0  }
0x24: {  	s3 =	sadd.s32 $0x88, s3;
	s6 =	simm.s32 @!p1 $0x1082;
	[sflag:s4] =	ssyncset.s32 $0xFFFFF086  }
0x25: {  	[simem:s6], [sflag:s4] =	dma.local [hbm:s3], $0xF7A  }
0x26: {  	[smem:$0x3F9B] =	sst s1;
	(tag) =	ssettag s2;
	_ =	strace s9  }
0x27: {  	s1 =	sld [smem:$0x3FAB]  }
0x28: {  	s2 =	sld [smem:$0x3FAC]  }
0x29: {  	s4 =	sld [smem:$0x3FAE]  }
0x2a: {  	p0 =	seq.s32 s5, $0x0;
	s5 =	sld [smem:$0x3FAF]  }
0x2b: {  	s6 =	sld [smem:$0x3FB0]  }
0x2c: {  	s7 =	sld [smem:$0x3FB1]  }
0x2d: {  	s3 =	simm.s32 $0x108;
	s8 =	sld [smem:$0x3FB2]  }
0x2e: {  	s3 =	simm.s32 @!p0 $0x1082;
	s9 =	sld [smem:$0x3FB3]  }
0x2f: {  	lr =	sadd.s32 s0, s3;
	s0 =	sld [smem:$0x3FAA]  }
0x30: {  	s3 =	sld [smem:$0x3FAD]  }
0x31: {  	[smem:$0x3FB6] =	sst s10  }
0x32: {  	s10 =	sld [smem:$0x3FB4];
	_ =	sdelay $0x3  }
0x33: {  	p0 =	seq.s32 s10, $0x1;
	s10 =	sld [smem:$0x3FB6];
	_ =	sdelay $0x3  }
0x34: {  	[smem:$0x3FB6] =	sst s10  }
0x35: {  	s10 =	sld [smem:$0x3FB5];
	_ =	sdelay $0x3  }
0x36: {  	p1 =	seq.s32 s10, $0x1;
	s10 =	sld [smem:$0x3FB6];
	_ =	sdelay $0x3  }
0x37: {  	[smem:$0x3FB6] =	sst s10  }
0x38: {  	s10 =	sld [smem:$0x3FB7]  }
0x39: {  	_ = 	snop;
	(pc) =	sbr.ind lr, $3  }
0x3a: {  	_ = 	snop  }
0x3b: {  	_ = 	snop  }
0x3c: {  	p2 =	seq.s32 s10, $0x1;
	s10 =	sld [smem:$0x3FB6]  }
0x3d: {  	_ =	shalt  }
0x3e: {  	_ =	shalt  }
0x3f: {  	_ =	shalt  }
0x40: {  	_ =	shalt  }
0x41: {  	_ =	shalt  }
0x42: {  	_ =	shalt  }
0x43: {  	_ =	shalt  }
0x44: {  	_ =	shalt  }
0x45: {  	_ =	shalt  }
0x46: {  	_ =	shalt  }
0x47: {  	_ =	shalt  }
0x48: {  	_ =	shalt  }
0x49: {  	_ =	shalt  }
0x4a: {  	_ =	shalt  }
0x4b: {  	_ =	shalt  }
0x4c: {  	_ =	shalt  }
0x4d: {  	_ =	shalt  }
0x4e: {  	_ =	shalt  }
0x4f: {  	_ =	shalt  }
0x50: {  	_ =	shalt  }
0x51: {  	_ =	shalt  }
0x52: {  	_ =	shalt  }
0x53: {  	_ =	shalt  }
0x54: {  	_ =	shalt  }
0x55: {  	_ =	shalt  }
0x56: {  	_ =	shalt  }
0x57: {  	_ =	shalt  }
0x58: {  	_ =	shalt  }
0x59: {  	_ =	shalt  }
0x5a: {  	_ =	shalt  }
0x5b: {  	_ =	shalt  }
0x5c: {  	_ =	shalt  }
0x5d: {  	_ =	shalt  }
0x5e: {  	_ =	shalt  }
0x5f: {  	_ =	shalt  }
0x60: {  	_ =	shalt  }
0x61: {  	_ =	shalt  }
0x62: {  	_ =	shalt  }
0x63: {  	_ =	shalt  }
0x64: {  	_ =	shalt  }
0x65: {  	_ =	shalt  }
0x66: {  	_ =	shalt  }
0x67: {  	_ =	shalt  }
0x68: {  	_ =	shalt  }
0x69: {  	_ =	shalt  }
0x6a: {  	_ =	shalt  }
0x6b: {  	_ =	shalt  }
0x6c: {  	_ =	shalt  }
0x6d: {  	_ =	shalt  }
0x6e: {  	_ =	shalt  }
0x6f: {  	_ =	shalt  }
0x70: {  	_ =	shalt  }
0x71: {  	_ =	shalt  }
0x72: {  	_ =	shalt  }
0x73: {  	_ =	shalt  }
0x74: {  	_ =	shalt  }
0x75: {  	_ =	shalt  }
0x76: {  	_ =	shalt  }
0x77: {  	_ =	shalt  }
0x78: {  	_ =	shalt  }
0x79: {  	_ =	shalt  }
0x7a: {  	_ =	shalt  }
0x7b: {  	_ =	shalt  }
0x7c: {  	_ =	shalt  }
0x7d: {  	_ =	shalt  }
0x7e: {  	_ =	shalt  }
0x7f: {  	_ =	shalt  }
0x80: {  	_ =	shalt  }
0x81: {  	_ =	shalt  }
0x82: {  	_ =	shalt  }
0x83: {  	_ =	shalt  }
0x84: {  	_ =	shalt  }
0x85: {  	_ =	shalt  }
0x86: {  	_ =	shalt  }
0x87: {  	_ =	shalt  }
.Lfunc_end0:
.L_simem_size_0:
called_computation.1_lowered:
.L_overlay_start_0:
0x88: {  	s2 =	sld [smem:$0x3FD9]  }
0x89: {  	s3 =	sld [smem:$0x3FFE];
	_ =	sdelay $0x1  }
0x8a: {  	s1 =	srdreg.scid  }
0x8b: {  	s0 =	sand.u32 $0x1, s1  }
0x8c: {  	s16 =	sshll.u32 s0, $0xA;
	s2 =	sadd.s32 s3, s2  }
0x8d: {  	s2 =	sadd.s32 s2, s16  }
0x8e: {  	[smem:$0x3FC2] =	sst s2  }
0x8f: {  	_ = 	snop  }
0x90: {  	(tm) =	ssettm $0x1  }
0x91: {  	s17 =	sld [smem:$0x3FFB];
	_ =	sdelay $0x3  }
0x92: {  	_ =	strace s17  }
0x93: {  	s2 =	sld [smem:$0x3FFC];
	_ =	sdelay $0x3  }
0x94: {  	_ =	strace s2  }
0x95: {  	s2 =	sld [smem:$0x3FFD];
	_ =	sdelay $0x3  }
0x96: {  	_ =	strace s2  }
0x97: {  	_ =	strace $0x8FFFFFFF  }
0x98: {  	s18 =	sld [smem:$0x3FDB];
	_ =	sdelay $0x1  }
0x99: {  	s19 =	simm.s32 $_scs_section_size  }
0x9a: {  	s4 =	simm.s32 $_size__tile_overlayer_lowered;
	s5 =	simm.s32 $_tile_overlayer_lowered  }
0x9b: {  	s22 =	simm.s32 $0x1BFF;
	s21 =	sshll.u32 s5, $0x1;
	s2 =	sadd.s32 s19, s18  }
0x9c: {  	s6 =	simm.s32 $0x0;
	s20 =	sshll.u32 s4, $0x1;
	s4 =	sadd.s32 s21, s2  }
0x9d: {  	[timem:s6], [sflag:s22] =	dma.local [hbm:s4], s20  }
0x9e: {  	_ =	swait.ge [sflag:s22], s20  }
0x9f: {  	s3 =	ssub.s32 $0x0, s20;
	[sflag:s22] =	ssyncset.done $0x0  }
0xa0: {  	[sflag:s22] =	ssyncadd.s32 s3;
	_ =	sdelay $0x1  }
0xa1: {  	s23 =	simm.s32 $0x1B8B  }
0xa2: {  	_ =	swait.ge [sflag:s23], $0x1  }
0xa3: {  	[sflag:s23] =	ssyncset.done $0x0  }
0xa4: {  	s25 =	simm.s32 $0x1B8E;
	s24 =	sld [smem:$0x3FFE];
	[sflag:s23] =	ssyncadd.s32 $0xFFFFFFFF  }
0xa5: {  	s26 =	simm.s32 $execute0_lowered;
	[smem:$0x3FD2] =	sst s25  }
0xa6: {  	s4 =	sshll.u32 s26, $0x1;
	_ =	strace $0x80000049;
	[dreg:$0x1] =	wrdreg $0xFFFFFFFF  }
0xa7: {  	s28 =	simm.s32 $_size_execute0_lowered;
	s2 =	sadd.s32 s2, s4;
	[dreg:$0x0] =	wrdreg $0x0  }
0xa8: {  	s4 =	sshll.u32 s28, $0x1;
	[dreg:$0x2] =	wrdreg s2  }
0xa9: {  	[dreg:$0x3] =	wrdreg s4  }
0xaa: {  	[dreg:$0x4] =	wrdreg $0xC0  }
0xab: {  	_ =	task [dreg:s6], $0x5FFFF  }
0xac: {  	[dreg:$0x1] =	wrdreg $0xFFFFFFFF  }
0xad: {  	[dreg:$0x0] =	wrdreg $0x60  }
0xae: {  	[dreg:$0x2] =	wrdreg s24  }
0xaf: {  	[dreg:$0x3] =	wrdreg $0xB0000  }
0xb0: {  	[dreg:$0x4] =	wrdreg $0x88000  }
0xb1: {  	[dreg:$0x5] =	wrdreg $0x9  }
0xb2: {  	_ =	task.clear_ibuf [dreg:s6], $0x6FFFF;
	_ =	strace $0x90000049  }
0xb3: {  	s29 =	simm.s32 $0x9;
	_ =	strace $0x8000004B  }
0xb4: {  	_ =	swait.ge [sflag:s29], $0x1  }
0xb5: {  	[sflag:s29] =	ssyncadd.s32 $0xFFFFFFFF  }
0xb6: {  	_ =	strace $0x9000004B  }
0xb7: {  	_ =	sfence  }
0xb8: {  	s30 =	sld [smem:$0x0];
	_ =	sdelay $0x2  }
0xb9: {  	s31 =	sshll.u32 s1, $0xD;
	s1 =	sshrl.u32 s1, $0x2  }
0xba: {  	s3 =	sand.u32 $0x4000, s31;
	s1 =	sadd.s32 s1, s30  }
0xbb: {  	s0 =	sor.u32 s3, s0;
	s1 =	sshll.u32 s1, $0x11  }
0xbc: {  	s0 =	sor.u32 s1, s0  }
0xbd: {  	s0 =	sadd.s32 $0x8F2B, s0  }
0xbe: {  	[sflag:s0] =	ssyncadd.remote.s32 $0x1  }
0xbf: {  	_ =	sfence.sel $0xFFFF  }
0xc0: {  	[dreg:$0x0] =	wrdreg $0xFFFFFFFF;
	(pc) =	sbr.abs _section_cstart, $3  }
0xc1: {  	[dreg:$0x1] =	wrdreg $0xFFFFFFFF  }
0xc2: {  	_ =	task.clear_ibuf [dreg:s6], $0x2FFFF;
	_ =	strace $0x9FFFFFFF  }
0xc3: {  	(tm) =	ssettm $0x7FFFFFFF  }
tec
execute0_lowered:
.L_overlay_start_1:
0x0: {  	(tag) =	ssettag $0x1  }
0x1: {  	s0 =	rddreg [dreg:$0x0]  }
0x2: {  	s2 =	rddreg [dreg:$0x1]  }
0x3: {  	s3 =	rddreg [dreg:$0x2];
	s12 =	stileid.u32  }
0x4: {  	s4 =	simm.s32 $0x0;
	s5 =	srdreg.scid;
	s17 =	simm.s32 $0x5  }
0x5: {  	s28 =	simm.s32 $0x3;
	s29 =	simm.s32 $0x4;
	s30 =	simm.s32 $0x0  }
0x6: {  	s1 =	smul.u32 $0x278, s12;
	[smem:$0x7FF] =	sst s4;
	s5 =	sand.u32 $0x1, s5  }
0x7: {  	s11 =	smul.u32 $0x2800, s12;
	s8 =	sadd.s32 $0xB600, s0;
	s9 =	sadd.s32 $0x1800, s0  }
0x8: {  	s6 =	smul.u32 $0x28000, s5;
	s21 =	sshll.u32 s5, $0x4;
	s5 =	ssub.s32 $0x2, s5  }
0x9: {  	_ =	strace $0x8000004A;
	s1 =	smin.u32 s1, $0x2498;
	s22 =	sshrl.u32 s5, $0x1  }
0xa: {  	s7 =	sshll.u32 s1, $0x1;
	s6 =	sadd.s32 s11, s6;
	s16 =	ssub.s32 s5, s22  }
0xb: {  	s5 =	simm.s32 $0x2;
	s1 =	sshll.u32 s1, $0x4;
	s11 =	sadd.s32 s11, s3  }
0xc: {  	s22 =	simm.s32 $0x6000;
	s10 =	sadd.s32 s7, s0;
	s6 =	sshrl.u32 s6, $0x3  }
0xd: {  	s7 =	sor.u32 s12, s21;
	s1 =	sadd.s32 s1, s2;
	s16 =	smax.u32 s16, $0x1  }
0xe: {  	s13 =	smul.u32 $0x4E, s7;
	s14 =	smin.u32 s7, $0x2;
	s0 =	sadd.s32 s6, s0  }
0xf: {  	p0 =	slt.u32 s7, $0x2;
	s10 =	sadd.s32 $0x8C600, s10;
	s23 =	sshll.u32 s14, $0x1  }
0x10: {  	s21 =	sshrl.u32 s1, $0x3;
	s14 =	simm.s32 $0x2;
	s24 =	sadd.s32 s13, s23  }
0x11: {  	s14 =	simm.s32 @!p0 $0x0;
	s23 =	simm.s32 $0x80;
	s25 =	smin.u32 s24, $0x974  }
0x12: {  	s26 =	sadd.s32 $0x4E, s14;
	s13 =	sshll.u32 s24, $0x4;
	s24 =	simm.s32 $0x5000  }
0x13: {  	s15 =	sshll.u32 s25, $0x4;
	s6 =	sadd.s32 s8, s13;
	s7 =	sadd.s32 s9, s13  }
0x14: {  	s12 =	sshrl.u32 s26, $0x1;
	s13 =	sor.u32 $0x4C, s14;
	s14 =	sor.u32 $0x4D, s14  }
0x15: {  	s25 =	simm.s32 $0x5800;
	s26 =	simm.s32 $0x1;
	s31 =	sadd.s32 $0x4E0, s15  }
0x16: {  	v0 =	vimm.f32 $0.0e+00;
	s15 =	sadd.s32 $0x91600, s0;
	s8 =	sadd.s32 s8, s31;
	s9 =	sadd.s32 s9, s31  }
.LBB2_1:
0x17: {  	[tilespmem:s4], [sflag:$0x5] =	stream.linear.gather [hbm4b:s6+s4], $0x2700, $0x38;
	[tilespmem:$0xD710] =	vst v63  }
0x18: {  	_ =	swait.ge [sflag:s17], $0x2700  }
0x19: {  	[sflag:s17] =	ssyncset.done $0x0  }
0x1a: {  	s0 =	simm.s32 $0x2800;
	[sflag:s17] =	ssyncadd.s32 $0xFFFFD900  }
0x1b: {  	[tilespmem:s0], [sflag:$0x5] =	stream.linear.gather [hbm4b:s7+s4], $0x2700, $0x38;
	[tilespmem:$0xD710] =	vst v63  }
0x1c: {  	_ =	swait.ge [sflag:s17], $0x2700  }
0x1d: {  	[sflag:s17] =	ssyncset.done $0x0  }
0x1e: {  	s18 =	simm.s32 $0x2700;
	[sflag:s17] =	ssyncadd.s32 $0xFFFFD900  }
0x1f: {  	[tilespmem:s18], [sflag:$0x5] =	stream.linear.gather [hbm4b:s8+s4], $0x100, $0x38;
	[tilespmem:$0xD710] =	vst v63  }
0x20: {  	_ =	swait.ge [sflag:s17], $0x100  }
0x21: {  	[sflag:s17] =	ssyncset.done $0x0  }
0x22: {  	s19 =	simm.s32 $0x4F00;
	[sflag:s17] =	ssyncadd.s32 $0xFFFFFF00  }
0x23: {  	[tilespmem:s19], [sflag:$0x5] =	stream.linear.gather [hbm4b:s9+s4], $0x100, $0x38;
	[tilespmem:$0xD710] =	vst v63  }
0x24: {  	s20 =	stileid.u32;
	_ =	swait.ge [sflag:s17], $0x100  }
0x25: {  	s0 =	sshll.u32 s20, $0x6;
	[sflag:s17] =	ssyncset.done $0x0  }
0x26: {  	s31 =	sor.u32 $0x1C05, s0;
	[sflag:s17] =	ssyncadd.s32 $0xFFFFFF00  }
0x27: {  	[spmem:s21], [sflag:s31] =	dma.local [hbm:s10], $0x4F0  }
0x28: {  	_ =	swait.ge [sflag:s17], $0x4F0  }
0x29: {  	[sflag:s17] =	ssyncset.done $0x0  }
0x2a: {  	s1 =	simm.s32 $0x0;
	s0 =	simm.s32 $0x40;
	[sflag:s17] =	ssyncadd.s32 $0xFFFFFB10  }
.LBB2_2:
0x2b: {  	p0 =	sne.s32 s0, $0x9FC0;
	[tilespmem:s1+$0x6000] =	vst v0;
	s1 =	smov.u32 s0;
	s0 =	sadd.s32 $0x40, s0  }
.Ltmp0:
0x2c: {  	(pc) =	sbr.rel @p0 .LBB2_2-.Ltmp0, $2  }
0x2d: {  	_ =	sdelay $0x2  }
0x2e: {  	s1 =	sshra.s32 s1, $0x2  }
0x2f: {  	[tilespmem:s1+$0x6000] =	vst v0  }
0x30: {  	[spmem:s11] =	stream.linear.scatter [tilespmem:s22], [sflag:$0x5], $0x2800, $0x38;
	[tilespmem:$0xD710] =	vst v63  }
0x31: {  	_ =	swait.ge [sflag:s17], $0x2800  }
0x32: {  	[sflag:s17] =	ssyncset.done $0x0  }
0x33: {  	[sflag:s17] =	ssyncadd.s32 $0xFFFFD800  }
0x34: {  	[bflag:$0x0] =	sbarrier.arrive $0xFFFF  }
0x35: {  	[tilespmem:s24], [sflag:$0x1] =	stream.indirect.gather [spmem:s2], $0x10, s4, s23, $0xb8;
	[tilespmem:$0xD710] =	vst v63  }
0x36: {  	_ = 	snop  }
0x37: {  	[tilespmem:s25], [sflag:$0x2] =	stream.indirect.gather [spmem:s2], $0x10, s23, s23, $0xb8;
	[tilespmem:$0xD710] =	vst v63  }
0x38: {  	_ =	swait.ge [sflag:s26], $0x800  }
0x39: {  	[sflag:s26] =	ssyncset.done $0x0  }
0x3a: {  	s0 =	simm.s32 $0x2800;
	[sflag:s26] =	ssyncadd.s32 $0xFFFFF800  }
0x3b: {  	[spmem:s3] =	stream.indirect.scatter.add.f32 [tilespmem:s24], [sflag:$0x3], $0x10, s0, s23, $0xb8;
	[tilespmem:$0xD710] =	vst v63  }
0x3c: {  	_ =	swait.ge [sflag:s5], $0x800  }
0x3d: {  	s1 =	simm.s32 $0x2;
	p0 =	sgt.s32 s13, $0x2;
	[sflag:s5] =	ssyncset.done $0x0  }
0x3e: {  	s18 =	smov.u32 s13;
	s0 =	simm.s32 $0x2880;
	[sflag:s5] =	ssyncadd.s32 $0xFFFFF800  }
0x3f: {  	[spmem:s3] =	stream.indirect.scatter.add.f32 [tilespmem:s25], [sflag:$0x4], $0x10, s0, s23, $0xb8;
	[tilespmem:$0xD710] =	vst v63  }
0x40: {  	s19 =	smov.u32 s14;
	s18 =	smov.u32 @p0 s1;
	_ =	swait.ge [sflag:s28], $0x800  }
0x41: {  	p1 =	sne.s32 s12, $0x1;
	s18 =	sshll.u32 s18, $0x9;
	[sflag:s28] =	ssyncset.done $0x0  }
.Ltmp1:
0x42: {  	s18 =	sshra.s32 s18, $0x2;
	[sflag:s28] =	ssyncadd.s32 $0xFFFFF800;
	(pc) =	sbr.rel @!p1 .LBB2_5-.Ltmp1, $4  }
0x43: {  	[tilespmem:s24], [sflag:$0x1] =	stream.indirect.gather [spmem:s2], $0x10, s18, s23, $0xb8;
	[tilespmem:$0xD710] =	vst v63  }
0x44: {  	p0 =	sgt.s32 s14, $0x3;
	s18 =	simm.s32 $0x3;
	_ =	swait.ge [sflag:s29], $0x800  }
0x45: {  	s19 =	smov.u32 @p0 s18;
	[sflag:s29] =	ssyncset.done $0x0  }
0x46: {  	s18 =	sadd.s32 $0xFFFFFFFF, s12;
	s19 =	sshll.u32 s19, $0x9;
	[sflag:s29] =	ssyncadd.s32 $0xFFFFF800  }
.LBB2_4:
0x47: {  	s19 =	sshra.s32 s19, $0x2;
	s0 =	sadd.s32 $0x100, s0;
	s1 =	sadd.s32 $0x2, s1  }
0x48: {  	[tilespmem:s25], [sflag:$0x2] =	stream.indirect.gather [spmem:s2], $0x10, s19, s23, $0xb8;
	[tilespmem:$0xD710] =	vst v63  }
0x49: {  	p0 =	sne.s32 s18, $0x1;
	s18 =	sadd.s32 $0xFFFFFFFF, s18;
	_ =	swait.ge [sflag:s26], $0x800  }
0x4a: {  	[sflag:s26] =	ssyncset.done $0x0  }
0x4b: {  	s19 =	sadd.s32 $0xFFFFFF80, s0;
	[sflag:s26] =	ssyncadd.s32 $0xFFFFF800  }
0x4c: {  	[spmem:s3] =	stream.indirect.scatter.add.f32 [tilespmem:s24], [sflag:$0x3], $0x10, s19, s23, $0xb8;
	[tilespmem:$0xD710] =	vst v63  }
0x4d: {  	_ =	swait.ge [sflag:s5], $0x800  }
0x4e: {  	[sflag:s5] =	ssyncset.done $0x0  }
0x4f: {  	p1 =	slt.s32 s1, s13;
	s19 =	smov.u32 s13;
	[sflag:s5] =	ssyncadd.s32 $0xFFFFF800  }
0x50: {  	[spmem:s3] =	stream.indirect.scatter.add.f32 [tilespmem:s25], [sflag:$0x4], $0x10, s0, s23, $0xb8;
	[tilespmem:$0xD710] =	vst v63  }
0x51: {  	s19 =	smov.u32 @p1 s1;
	_ =	swait.ge [sflag:s28], $0x800  }
0x52: {  	s20 =	sadd.s32 $0x1, s1;
	s19 =	sshll.u32 s19, $0x9;
	[sflag:s28] =	ssyncset.done $0x0  }
.Ltmp2:
0x53: {  	s19 =	sshra.s32 s19, $0x2;
	[sflag:s28] =	ssyncadd.s32 $0xFFFFF800;
	(pc) =	sbr.rel @p0 .LBB2_4-.Ltmp2, $4  }
0x54: {  	[tilespmem:s24], [sflag:$0x1] =	stream.indirect.gather [spmem:s2], $0x10, s19, s23, $0xb8;
	[tilespmem:$0xD710] =	vst v63  }
0x55: {  	p1 =	slt.s32 s20, s14;
	s19 =	smov.u32 s14;
	_ =	swait.ge [sflag:s29], $0x800  }
0x56: {  	s19 =	smov.u32 @p1 s20;
	[sflag:s29] =	ssyncset.done $0x0  }
0x57: {  	s19 =	sshll.u32 s19, $0x9;
	[sflag:s29] =	ssyncadd.s32 $0xFFFFF800  }
.LBB2_5:
0x58: {  	s0 =	sshra.s32 s19, $0x2  }
0x59: {  	[tilespmem:s25], [sflag:$0x2] =	stream.indirect.gather [spmem:s2], $0x10, s0, s23, $0xb8;
	[tilespmem:$0xD710] =	vst v63  }
0x5a: {  	_ =	swait.ge [sflag:s26], $0x800  }
0x5b: {  	[sflag:s26] =	ssyncset.done $0x0  }
0x5c: {  	[sflag:s26] =	ssyncadd.s32 $0xFFFFF800  }
0x5d: {  	_ =	swait.ge [sflag:s5], $0x800  }
0x5e: {  	s30 =	sadd.s32 $0x1, s30;
	[sflag:s5] =	ssyncset.done $0x0  }
0x5f: {  	p0 =	sne.s32 s30, s16;
	[sflag:s5] =	ssyncadd.s32 $0xFFFFF800  }
.Ltmp3:
0x60: {  	s20 =	sshrl.u32 s11, $0x3;
	[bflag:$0x0] =	sbarrier.arrive $0xFFFF;
	(pc) =	sbr.rel @p0 .LBB2_1-.Ltmp3, $4  }
0x61: {  	[hbm:s15], [sflag:s31] =	dma.local [spmem:s20], $0x500  }
0x62: {  	_ =	swait.ge [sflag:s17], $0x500  }
0x63: {  	[sflag:s17] =	ssyncset.done $0x0  }
0x64: {  	[sflag:s17] =	ssyncadd.s32 $0xFFFFFB00  }
0x65: {  	_ =	sfence.sel $0x180000  }
0x66: {  	[bflag:$0x0] =	sbarrier.arrive $0xFFFF  }
0x67: {  	_ =	strace $0x9000004A  }
0x68: {  	s0 =	stileid.u32;
	[bflag:$0x2] =	sbarrier.arrive $0xFFFF  }
0x69: {  	p0 =	sne.s32 s0, $0x0;
	s0 =	rddreg [dreg:$0x3]  }
0x6a: {  	s0 =	sadd.s32 @!p0 $0x100000, s0  }
0x6b: {  	[sflag:s0] =	ssyncadd.tile.s32 @!p0 $0x1;
	_ =	shalt  }
.Lfunc_end2:
_tile_overlayer_lowered:
.L_overlay_start_2:
0x6c: {  	(tag) =	ssettag $0x2  }
0x6d: {  	s0 =	rddreg [dreg:$0x0];
	s2 =	stileid.u32  }
0x6e: {  	s1 =	rddreg [dreg:$0x1];
	p0 =	sne.s32 s2, $0x0  }
0x6f: {  	s3 =	rddreg [dreg:$0x2];
	[bflag:$0x3] =	sbarrier.arrive $0xFFFF;
	s2 =	simm.s32 @!p0 $0x1C05  }
0x70: {  	[timem:s3], [sflag:s2] =	dma.local @!p0 [hbm:s0], s1  }
0x71: {  	s0 =	simm.s32 @!p0 $0x5  }
0x72: {  	_ =	swait.ge @!p0 [sflag:s0], s1  }
0x73: {  	s1 =	ssub.s32 @!p0 $0x0, s1;
	[sflag:s0] =	ssyncset.done @!p0 $0x0  }
0x74: {  	[sflag:s0] =	ssyncadd.s32 @!p0 s1  }
0x75: {  	[bflag:$0x3] =	sbarrier.arrive $0xFFFF  }
0x76: {  	_ =	shalt  }

// kernel: kernel.14.cloned.1.call-start
scs
__scs_entry_jumppad:
0x0: {  	(pc) =	sbr.rel $0x88, $3  }
0x1: {  	(tag) =	ssettag $0x0;
	lr =	simm.s32 $0x1  }
0x2: {  	[smem:$0x3F9B] =	sst lr;
	_ =	strace $0xD0000000  }
0x3: {  	_ = 	snop  }
0x4: {  	_ = 	snop  }
0x5: {  	_ = 	snop  }
0x6: {  	_ = 	snop  }
0x7: {  	_ = 	snop  }
__scs_overlays_trampoline_lowered:
0x8: {  	[smem:$0x3FAA] =	sst s0  }
0x9: {  	[smem:$0x3FAB] =	sst s1  }
0xa: {  	[smem:$0x3FAC] =	sst s2  }
0xb: {  	[smem:$0x3FAD] =	sst s3  }
0xc: {  	[smem:$0x3FAE] =	sst s4  }
0xd: {  	[smem:$0x3FAF] =	sst s5  }
0xe: {  	[smem:$0x3FB0] =	sst s6  }
0xf: {  	[smem:$0x3FB1] =	sst s7  }
0x10: {  	[smem:$0x3FB2] =	sst s8  }
0x11: {  	[smem:$0x3FB3] =	sst s9;
	s0 =	simm.s32 @!p0 $0x0  }
0x12: {  	s1 =	sld [smem:$0x3F99];
	s0 =	simm.s32 @p0 $0x1  }
0x13: {  	[smem:$0x3FB4] =	sst s0;
	s0 =	simm.s32 @!p1 $0x0  }
0x14: {  	s2 =	sld [smem:$0x3F98];
	s0 =	simm.s32 @p1 $0x1  }
0x15: {  	[smem:$0x3FB5] =	sst s0;
	s0 =	simm.s32 @!p2 $0x0  }
0x16: {  	s3 =	sld [smem:$0x3FDB];
	s0 =	simm.s32 @p2 $0x1  }
0x17: {  	s4 =	simm.s32 $0x1BF5;
	[smem:$0x3FB7] =	sst s0  }
0x18: {  	s0 =	sld [smem:$0x3F9A];
	_ =	swait.ge [sflag:s4], $0x0  }
0x19: {  	s7 =	sld [smem:$0x3F9B]  }
0x1a: {  	s8 =	sadd.s32 $0xFFFFE003, lr  }
0x1b: {  	s9 =	sadd.s32 $0xFFFFFEF7, lr;
	s5 =	simm.s32 $0xFFFFFFFF;
	p2 =	slt.u32 s8, $0xFFFFF086  }
0x1c: {  	p1 =	slt.u32 s9, $0xF7A;
	s5 =	simm.s32 @!p2 $0x0  }
0x1d: {  	s5 =	simm.s32 @p1 $0x1;
	p0 =	seq.s32 s7, s2  }
0x1e: {  	s7 =	smul.u32 @!p0 $0xF7A, s2;
	p2 =	seq.s32 @!p0 s5, $0x0  }
0x1f: {  	s9 =	smul.u32 $0xF7A, s1;
	s8 =	simm.s32 @!p0 $0x1BF5;
	p2 =	por !p2, p0  }
0x20: {  	[sflag:s8] =	ssyncset.s32 @!p0 $0xFFFFF086;
	s6 =	sadd.s32 @!p0 s3, s7;
	s7 =	simm.s32 @!p0 $0x108  }
0x21: {  	s3 =	sadd.s32 s3, s9;
	s6 =	sadd.s32 @!p0 $0x88, s6;
	s7 =	simm.s32 @p2 $0x1082  }
0x22: {  	[simem:s7], [sflag:s8] =	dma.local @!p0 [hbm:s6], $0xF7A  }
0x23: {  	s9 =	sor.u32 $0xD0000000, s2;
	s6 =	simm.s32 $0x108;
	_ =	swait.ge @!p0 [sflag:s8], $0x0  }
0x24: {  	s3 =	sadd.s32 $0x88, s3;
	s6 =	simm.s32 @!p1 $0x1082;
	[sflag:s4] =	ssyncset.s32 $0xFFFFF086  }
0x25: {  	[simem:s6], [sflag:s4] =	dma.local [hbm:s3], $0xF7A  }
0x26: {  	[smem:$0x3F9B] =	sst s1;
	(tag) =	ssettag s2;
	_ =	strace s9  }
0x27: {  	s1 =	sld [smem:$0x3FAB]  }
0x28: {  	s2 =	sld [smem:$0x3FAC]  }
0x29: {  	s4 =	sld [smem:$0x3FAE]  }
0x2a: {  	p0 =	seq.s32 s5, $0x0;
	s5 =	sld [smem:$0x3FAF]  }
0x2b: {  	s6 =	sld [smem:$0x3FB0]  }
0x2c: {  	s7 =	sld [smem:$0x3FB1]  }
0x2d: {  	s3 =	simm.s32 $0x108;
	s8 =	sld [smem:$0x3FB2]  }
0x2e: {  	s3 =	simm.s32 @!p0 $0x1082;
	s9 =	sld [smem:$0x3FB3]  }
0x2f: {  	lr =	sadd.s32 s0, s3;
	s0 =	sld [smem:$0x3FAA]  }
0x30: {  	s3 =	sld [smem:$0x3FAD]  }
0x31: {  	[smem:$0x3FB6] =	sst s10  }
0x32: {  	s10 =	sld [smem:$0x3FB4];
	_ =	sdelay $0x3  }
0x33: {  	p0 =	seq.s32 s10, $0x1;
	s10 =	sld [smem:$0x3FB6];
	_ =	sdelay $0x3  }
0x34: {  	[smem:$0x3FB6] =	sst s10  }
0x35: {  	s10 =	sld [smem:$0x3FB5];
	_ =	sdelay $0x3  }
0x36: {  	p1 =	seq.s32 s10, $0x1;
	s10 =	sld [smem:$0x3FB6];
	_ =	sdelay $0x3  }
0x37: {  	[smem:$0x3FB6] =	sst s10  }
0x38: {  	s10 =	sld [smem:$0x3FB7]  }
0x39: {  	_ = 	snop;
	(pc) =	sbr.ind lr, $3  }
0x3a: {  	_ = 	snop  }
0x3b: {  	_ = 	snop  }
0x3c: {  	p2 =	seq.s32 s10, $0x1;
	s10 =	sld [smem:$0x3FB6]  }
0x3d: {  	_ =	shalt  }
0x3e: {  	_ =	shalt  }
0x3f: {  	_ =	shalt  }
0x40: {  	_ =	shalt  }
0x41: {  	_ =	shalt  }
0x42: {  	_ =	shalt  }
0x43: {  	_ =	shalt  }
0x44: {  	_ =	shalt  }
0x45: {  	_ =	shalt  }
0x46: {  	_ =	shalt  }
0x47: {  	_ =	shalt  }
0x48: {  	_ =	shalt  }
0x49: {  	_ =	shalt  }
0x4a: {  	_ =	shalt  }
0x4b: {  	_ =	shalt  }
0x4c: {  	_ =	shalt  }
0x4d: {  	_ =	shalt  }
0x4e: {  	_ =	shalt  }
0x4f: {  	_ =	shalt  }
0x50: {  	_ =	shalt  }
0x51: {  	_ =	shalt  }
0x52: {  	_ =	shalt  }
0x53: {  	_ =	shalt  }
0x54: {  	_ =	shalt  }
0x55: {  	_ =	shalt  }
0x56: {  	_ =	shalt  }
0x57: {  	_ =	shalt  }
0x58: {  	_ =	shalt  }
0x59: {  	_ =	shalt  }
0x5a: {  	_ =	shalt  }
0x5b: {  	_ =	shalt  }
0x5c: {  	_ =	shalt  }
0x5d: {  	_ =	shalt  }
0x5e: {  	_ =	shalt  }
0x5f: {  	_ =	shalt  }
0x60: {  	_ =	shalt  }
0x61: {  	_ =	shalt  }
0x62: {  	_ =	shalt  }
0x63: {  	_ =	shalt  }
0x64: {  	_ =	shalt  }
0x65: {  	_ =	shalt  }
0x66: {  	_ =	shalt  }
0x67: {  	_ =	shalt  }
0x68: {  	_ =	shalt  }
0x69: {  	_ =	shalt  }
0x6a: {  	_ =	shalt  }
0x6b: {  	_ =	shalt  }
0x6c: {  	_ =	shalt  }
0x6d: {  	_ =	shalt  }
0x6e: {  	_ =	shalt  }
0x6f: {  	_ =	shalt  }
0x70: {  	_ =	shalt  }
0x71: {  	_ =	shalt  }
0x72: {  	_ =	shalt  }
0x73: {  	_ =	shalt  }
0x74: {  	_ =	shalt  }
0x75: {  	_ =	shalt  }
0x76: {  	_ =	shalt  }
0x77: {  	_ =	shalt  }
0x78: {  	_ =	shalt  }
0x79: {  	_ =	shalt  }
0x7a: {  	_ =	shalt  }
0x7b: {  	_ =	shalt  }
0x7c: {  	_ =	shalt  }
0x7d: {  	_ =	shalt  }
0x7e: {  	_ =	shalt  }
0x7f: {  	_ =	shalt  }
0x80: {  	_ =	shalt  }
0x81: {  	_ =	shalt  }
0x82: {  	_ =	shalt  }
0x83: {  	_ =	shalt  }
0x84: {  	_ =	shalt  }
0x85: {  	_ =	shalt  }
0x86: {  	_ =	shalt  }
0x87: {  	_ =	shalt  }
.Lfunc_end0:
.L_simem_size_0:
called_computation.2_lowered:
.L_overlay_start_0:
0x88: {  	s2 =	sld [smem:$0x3FD9]  }
0x89: {  	s3 =	sld [smem:$0x3FFE];
	_ =	sdelay $0x1  }
0x8a: {  	s1 =	srdreg.scid  }
0x8b: {  	s0 =	sand.u32 $0x1, s1  }
0x8c: {  	s16 =	sshll.u32 s0, $0xA;
	s2 =	sadd.s32 s3, s2  }
0x8d: {  	s2 =	sadd.s32 s2, s16  }
0x8e: {  	[smem:$0x3FC2] =	sst s2  }
0x8f: {  	_ = 	snop  }
0x90: {  	(tm) =	ssettm $0x1  }
0x91: {  	s17 =	sld [smem:$0x3FFB];
	_ =	sdelay $0x3  }
0x92: {  	_ =	strace s17  }
0x93: {  	s2 =	sld [smem:$0x3FFC];
	_ =	sdelay $0x3  }
0x94: {  	_ =	strace s2  }
0x95: {  	s2 =	sld [smem:$0x3FFD];
	_ =	sdelay $0x3  }
0x96: {  	_ =	strace s2  }
0x97: {  	_ =	strace $0x8FFFFFFF  }
0x98: {  	s18 =	sld [smem:$0x3FDB];
	_ =	sdelay $0x1  }
0x99: {  	s19 =	simm.s32 $_scs_section_size  }
0x9a: {  	s4 =	simm.s32 $_size__tile_overlayer_lowered;
	s5 =	simm.s32 $_tile_overlayer_lowered  }
0x9b: {  	s22 =	simm.s32 $0x1BFF;
	s21 =	sshll.u32 s5, $0x1;
	s2 =	sadd.s32 s19, s18  }
0x9c: {  	s6 =	simm.s32 $0x0;
	s20 =	sshll.u32 s4, $0x1;
	s4 =	sadd.s32 s21, s2  }
0x9d: {  	[timem:s6], [sflag:s22] =	dma.local [hbm:s4], s20  }
0x9e: {  	_ =	swait.ge [sflag:s22], s20  }
0x9f: {  	s3 =	ssub.s32 $0x0, s20;
	[sflag:s22] =	ssyncset.done $0x0  }
0xa0: {  	[sflag:s22] =	ssyncadd.s32 s3;
	_ =	sdelay $0x1  }
0xa1: {  	s23 =	simm.s32 $0x1B8B  }
0xa2: {  	_ =	swait.ge [sflag:s23], $0x1  }
0xa3: {  	[sflag:s23] =	ssyncset.done $0x0  }
0xa4: {  	s25 =	simm.s32 $0x1B8E;
	s24 =	sld [smem:$0x3FFE];
	[sflag:s23] =	ssyncadd.s32 $0xFFFFFFFF  }
0xa5: {  	s26 =	simm.s32 $execute0_lowered;
	[smem:$0x3FD2] =	sst s25  }
0xa6: {  	s4 =	sshll.u32 s26, $0x1;
	_ =	strace $0x8000004C;
	[dreg:$0x1] =	wrdreg $0xFFFFFFFF  }
0xa7: {  	s28 =	simm.s32 $_size_execute0_lowered;
	s2 =	sadd.s32 s2, s4;
	[dreg:$0x0] =	wrdreg $0x0  }
0xa8: {  	s4 =	sshll.u32 s28, $0x1;
	[dreg:$0x2] =	wrdreg s2  }
0xa9: {  	[dreg:$0x3] =	wrdreg s4  }
0xaa: {  	[dreg:$0x4] =	wrdreg $0xC0  }
0xab: {  	_ =	task [dreg:s6], $0x5FFFF  }
0xac: {  	[dreg:$0x1] =	wrdreg $0xFFFFFFFF  }
0xad: {  	[dreg:$0x0] =	wrdreg $0x60  }
0xae: {  	[dreg:$0x2] =	wrdreg s24  }
0xaf: {  	[dreg:$0x3] =	wrdreg $0xB0000  }
0xb0: {  	[dreg:$0x4] =	wrdreg $0x88000  }
0xb1: {  	[dreg:$0x5] =	wrdreg $0x9  }
0xb2: {  	_ =	task.clear_ibuf [dreg:s6], $0x6FFFF;
	_ =	strace $0x9000004C  }
0xb3: {  	s29 =	simm.s32 $0x9;
	_ =	strace $0x8000004E  }
0xb4: {  	_ =	swait.ge [sflag:s29], $0x1  }
0xb5: {  	[sflag:s29] =	ssyncadd.s32 $0xFFFFFFFF  }
0xb6: {  	_ =	strace $0x9000004E  }
0xb7: {  	_ =	sfence  }
0xb8: {  	s30 =	sld [smem:$0x0];
	_ =	sdelay $0x2  }
0xb9: {  	s31 =	sshll.u32 s1, $0xD;
	s1 =	sshrl.u32 s1, $0x2  }
0xba: {  	s3 =	sand.u32 $0x4000, s31;
	s1 =	sadd.s32 s1, s30  }
0xbb: {  	s0 =	sor.u32 s3, s0;
	s1 =	sshll.u32 s1, $0x11  }
0xbc: {  	s0 =	sor.u32 s1, s0  }
0xbd: {  	s0 =	sadd.s32 $0x8F2B, s0  }
0xbe: {  	[sflag:s0] =	ssyncadd.remote.s32 $0x1  }
0xbf: {  	_ =	sfence.sel $0xFFFF  }
0xc0: {  	[dreg:$0x0] =	wrdreg $0xFFFFFFFF;
	(pc) =	sbr.abs _section_cstart, $3  }
0xc1: {  	[dreg:$0x1] =	wrdreg $0xFFFFFFFF  }
0xc2: {  	_ =	task.clear_ibuf [dreg:s6], $0x2FFFF;
	_ =	strace $0x9FFFFFFF  }
0xc3: {  	(tm) =	ssettm $0x7FFFFFFF  }
tec
execute0_lowered:
.L_overlay_start_1:
0x0: {  	(tag) =	ssettag $0x1  }
0x1: {  	s0 =	rddreg [dreg:$0x0]  }
0x2: {  	s2 =	rddreg [dreg:$0x1]  }
0x3: {  	s3 =	rddreg [dreg:$0x2];
	s12 =	stileid.u32  }
0x4: {  	s4 =	simm.s32 $0x0;
	s5 =	srdreg.scid;
	s17 =	simm.s32 $0x5  }
0x5: {  	s28 =	simm.s32 $0x3;
	s29 =	simm.s32 $0x4;
	s30 =	simm.s32 $0x0  }
0x6: {  	s1 =	smul.u32 $0x278, s12;
	[smem:$0x7FF] =	sst s4;
	s5 =	sand.u32 $0x1, s5  }
0x7: {  	s11 =	smul.u32 $0x2800, s12;
	s8 =	sadd.s32 $0xB600, s0;
	s9 =	sadd.s32 $0x1800, s0  }
0x8: {  	s6 =	smul.u32 $0x28000, s5;
	s21 =	sshll.u32 s5, $0x4;
	s5 =	ssub.s32 $0x2, s5  }
0x9: {  	_ =	strace $0x8000004D;
	s1 =	smin.u32 s1, $0x2498;
	s22 =	sshrl.u32 s5, $0x1  }
0xa: {  	s7 =	sshll.u32 s1, $0x1;
	s6 =	sadd.s32 s11, s6;
	s16 =	ssub.s32 s5, s22  }
0xb: {  	s5 =	simm.s32 $0x2;
	s1 =	sshll.u32 s1, $0x4;
	s11 =	sadd.s32 s11, s3  }
0xc: {  	s22 =	simm.s32 $0x6000;
	s10 =	sadd.s32 s7, s0;
	s6 =	sshrl.u32 s6, $0x3  }
0xd: {  	s7 =	sor.u32 s12, s21;
	s1 =	sadd.s32 s1, s2;
	s16 =	smax.u32 s16, $0x1  }
0xe: {  	s13 =	smul.u32 $0x4E, s7;
	s14 =	smin.u32 s7, $0x2;
	s0 =	sadd.s32 s6, s0  }
0xf: {  	p0 =	slt.u32 s7, $0x2;
	s10 =	sadd.s32 $0x65400, s10;
	s23 =	sshll.u32 s14, $0x1  }
0x10: {  	s21 =	sshrl.u32 s1, $0x3;
	s14 =	simm.s32 $0x2;
	s24 =	sadd.s32 s13, s23  }
0x11: {  	s14 =	simm.s32 @!p0 $0x0;
	s23 =	simm.s32 $0x80;
	s25 =	smin.u32 s24, $0x974  }
0x12: {  	s26 =	sadd.s32 $0x4E, s14;
	s13 =	sshll.u32 s24, $0x4;
	s24 =	simm.s32 $0x5000  }
0x13: {  	s15 =	sshll.u32 s25, $0x4;
	s6 =	sadd.s32 s8, s13;
	s7 =	sadd.s32 s9, s13  }
0x14: {  	s12 =	sshrl.u32 s26, $0x1;
	s13 =	sor.u32 $0x4C, s14;
	s14 =	sor.u32 $0x4D, s14  }
0x15: {  	s25 =	simm.s32 $0x5800;
	s26 =	simm.s32 $0x1;
	s31 =	sadd.s32 $0x4E0, s15  }
0x16: {  	v0 =	vimm.f32 $0.0e+00;
	s15 =	sadd.s32 $0x6A400, s0;
	s8 =	sadd.s32 s8, s31;
	s9 =	sadd.s32 s9, s31  }
.LBB2_1:
0x17: {  	[tilespmem:s4], [sflag:$0x5] =	stream.linear.gather [hbm4b:s6+s4], $0x2700, $0x38;
	[tilespmem:$0xD710] =	vst v63  }
0x18: {  	_ =	swait.ge [sflag:s17], $0x2700  }
0x19: {  	[sflag:s17] =	ssyncset.done $0x0  }
0x1a: {  	s0 =	simm.s32 $0x2800;
	[sflag:s17] =	ssyncadd.s32 $0xFFFFD900  }
0x1b: {  	[tilespmem:s0], [sflag:$0x5] =	stream.linear.gather [hbm4b:s7+s4], $0x2700, $0x38;
	[tilespmem:$0xD710] =	vst v63  }
0x1c: {  	_ =	swait.ge [sflag:s17], $0x2700  }
0x1d: {  	[sflag:s17] =	ssyncset.done $0x0  }
0x1e: {  	s18 =	simm.s32 $0x2700;
	[sflag:s17] =	ssyncadd.s32 $0xFFFFD900  }
0x1f: {  	[tilespmem:s18], [sflag:$0x5] =	stream.linear.gather [hbm4b:s8+s4], $0x100, $0x38;
	[tilespmem:$0xD710] =	vst v63  }
0x20: {  	_ =	swait.ge [sflag:s17], $0x100  }
0x21: {  	[sflag:s17] =	ssyncset.done $0x0  }
0x22: {  	s19 =	simm.s32 $0x4F00;
	[sflag:s17] =	ssyncadd.s32 $0xFFFFFF00  }
0x23: {  	[tilespmem:s19], [sflag:$0x5] =	stream.linear.gather [hbm4b:s9+s4], $0x100, $0x38;
	[tilespmem:$0xD710] =	vst v63  }
0x24: {  	s20 =	stileid.u32;
	_ =	swait.ge [sflag:s17], $0x100  }
0x25: {  	s0 =	sshll.u32 s20, $0x6;
	[sflag:s17] =	ssyncset.done $0x0  }
0x26: {  	s31 =	sor.u32 $0x1C05, s0;
	[sflag:s17] =	ssyncadd.s32 $0xFFFFFF00  }
0x27: {  	[spmem:s21], [sflag:s31] =	dma.local [hbm:s10], $0x4F0  }
0x28: {  	_ =	swait.ge [sflag:s17], $0x4F0  }
0x29: {  	[sflag:s17] =	ssyncset.done $0x0  }
0x2a: {  	s1 =	simm.s32 $0x0;
	s0 =	simm.s32 $0x40;
	[sflag:s17] =	ssyncadd.s32 $0xFFFFFB10  }
.LBB2_2:
0x2b: {  	p0 =	sne.s32 s0, $0x9FC0;
	[tilespmem:s1+$0x6000] =	vst v0;
	s1 =	smov.u32 s0;
	s0 =	sadd.s32 $0x40, s0  }
.Ltmp0:
0x2c: {  	(pc) =	sbr.rel @p0 .LBB2_2-.Ltmp0, $2  }
0x2d: {  	_ =	sdelay $0x2  }
0x2e: {  	s1 =	sshra.s32 s1, $0x2  }
0x2f: {  	[tilespmem:s1+$0x6000] =	vst v0  }
0x30: {  	[spmem:s11] =	stream.linear.scatter [tilespmem:s22], [sflag:$0x5], $0x2800, $0x38;
	[tilespmem:$0xD710] =	vst v63  }
0x31: {  	_ =	swait.ge [sflag:s17], $0x2800  }
0x32: {  	[sflag:s17] =	ssyncset.done $0x0  }
0x33: {  	[sflag:s17] =	ssyncadd.s32 $0xFFFFD800  }
0x34: {  	[bflag:$0x0] =	sbarrier.arrive $0xFFFF  }
0x35: {  	[tilespmem:s24], [sflag:$0x1] =	stream.indirect.gather [spmem:s2], $0x10, s4, s23, $0xb8;
	[tilespmem:$0xD710] =	vst v63  }
0x36: {  	_ = 	snop  }
0x37: {  	[tilespmem:s25], [sflag:$0x2] =	stream.indirect.gather [spmem:s2], $0x10, s23, s23, $0xb8;
	[tilespmem:$0xD710] =	vst v63  }
0x38: {  	_ =	swait.ge [sflag:s26], $0x800  }
0x39: {  	[sflag:s26] =	ssyncset.done $0x0  }
0x3a: {  	s0 =	simm.s32 $0x2800;
	[sflag:s26] =	ssyncadd.s32 $0xFFFFF800  }
0x3b: {  	[spmem:s3] =	stream.indirect.scatter.add.f32 [tilespmem:s24], [sflag:$0x3], $0x10, s0, s23, $0xb8;
	[tilespmem:$0xD710] =	vst v63  }
0x3c: {  	_ =	swait.ge [sflag:s5], $0x800  }
0x3d: {  	s1 =	simm.s32 $0x2;
	p0 =	sgt.s32 s13, $0x2;
	[sflag:s5] =	ssyncset.done $0x0  }
0x3e: {  	s18 =	smov.u32 s13;
	s0 =	simm.s32 $0x2880;
	[sflag:s5] =	ssyncadd.s32 $0xFFFFF800  }
0x3f: {  	[spmem:s3] =	stream.indirect.scatter.add.f32 [tilespmem:s25], [sflag:$0x4], $0x10, s0, s23, $0xb8;
	[tilespmem:$0xD710] =	vst v63  }
0x40: {  	s19 =	smov.u32 s14;
	s18 =	smov.u32 @p0 s1;
	_ =	swait.ge [sflag:s28], $0x800  }
0x41: {  	p1 =	sne.s32 s12, $0x1;
	s18 =	sshll.u32 s18, $0x9;
	[sflag:s28] =	ssyncset.done $0x0  }
.Ltmp1:
0x42: {  	s18 =	sshra.s32 s18, $0x2;
	[sflag:s28] =	ssyncadd.s32 $0xFFFFF800;
	(pc) =	sbr.rel @!p1 .LBB2_5-.Ltmp1, $4  }
0x43: {  	[tilespmem:s24], [sflag:$0x1] =	stream.indirect.gather [spmem:s2], $0x10, s18, s23, $0xb8;
	[tilespmem:$0xD710] =	vst v63  }
0x44: {  	p0 =	sgt.s32 s14, $0x3;
	s18 =	simm.s32 $0x3;
	_ =	swait.ge [sflag:s29], $0x800  }
0x45: {  	s19 =	smov.u32 @p0 s18;
	[sflag:s29] =	ssyncset.done $0x0  }
0x46: {  	s18 =	sadd.s32 $0xFFFFFFFF, s12;
	s19 =	sshll.u32 s19, $0x9;
	[sflag:s29] =	ssyncadd.s32 $0xFFFFF800  }
.LBB2_4:
0x47: {  	s19 =	sshra.s32 s19, $0x2;
	s0 =	sadd.s32 $0x100, s0;
	s1 =	sadd.s32 $0x2, s1  }
0x48: {  	[tilespmem:s25], [sflag:$0x2] =	stream.indirect.gather [spmem:s2], $0x10, s19, s23, $0xb8;
	[tilespmem:$0xD710] =	vst v63  }
0x49: {  	p0 =	sne.s32 s18, $0x1;
	s18 =	sadd.s32 $0xFFFFFFFF, s18;
	_ =	swait.ge [sflag:s26], $0x800  }
0x4a: {  	[sflag:s26] =	ssyncset.done $0x0  }
0x4b: {  	s19 =	sadd.s32 $0xFFFFFF80, s0;
	[sflag:s26] =	ssyncadd.s32 $0xFFFFF800  }
0x4c: {  	[spmem:s3] =	stream.indirect.scatter.add.f32 [tilespmem:s24], [sflag:$0x3], $0x10, s19, s23, $0xb8;
	[tilespmem:$0xD710] =	vst v63  }
0x4d: {  	_ =	swait.ge [sflag:s5], $0x800  }
0x4e: {  	[sflag:s5] =	ssyncset.done $0x0  }
0x4f: {  	p1 =	slt.s32 s1, s13;
	s19 =	smov.u32 s13;
	[sflag:s5] =	ssyncadd.s32 $0xFFFFF800  }
0x50: {  	[spmem:s3] =	stream.indirect.scatter.add.f32 [tilespmem:s25], [sflag:$0x4], $0x10, s0, s23, $0xb8;
	[tilespmem:$0xD710] =	vst v63  }
0x51: {  	s19 =	smov.u32 @p1 s1;
	_ =	swait.ge [sflag:s28], $0x800  }
0x52: {  	s20 =	sadd.s32 $0x1, s1;
	s19 =	sshll.u32 s19, $0x9;
	[sflag:s28] =	ssyncset.done $0x0  }
.Ltmp2:
0x53: {  	s19 =	sshra.s32 s19, $0x2;
	[sflag:s28] =	ssyncadd.s32 $0xFFFFF800;
	(pc) =	sbr.rel @p0 .LBB2_4-.Ltmp2, $4  }
0x54: {  	[tilespmem:s24], [sflag:$0x1] =	stream.indirect.gather [spmem:s2], $0x10, s19, s23, $0xb8;
	[tilespmem:$0xD710] =	vst v63  }
0x55: {  	p1 =	slt.s32 s20, s14;
	s19 =	smov.u32 s14;
	_ =	swait.ge [sflag:s29], $0x800  }
0x56: {  	s19 =	smov.u32 @p1 s20;
	[sflag:s29] =	ssyncset.done $0x0  }
0x57: {  	s19 =	sshll.u32 s19, $0x9;
	[sflag:s29] =	ssyncadd.s32 $0xFFFFF800  }
.LBB2_5:
0x58: {  	s0 =	sshra.s32 s19, $0x2  }
0x59: {  	[tilespmem:s25], [sflag:$0x2] =	stream.indirect.gather [spmem:s2], $0x10, s0, s23, $0xb8;
	[tilespmem:$0xD710] =	vst v63  }
0x5a: {  	_ =	swait.ge [sflag:s26], $0x800  }
0x5b: {  	[sflag:s26] =	ssyncset.done $0x0  }
0x5c: {  	[sflag:s26] =	ssyncadd.s32 $0xFFFFF800  }
0x5d: {  	_ =	swait.ge [sflag:s5], $0x800  }
0x5e: {  	s30 =	sadd.s32 $0x1, s30;
	[sflag:s5] =	ssyncset.done $0x0  }
0x5f: {  	p0 =	sne.s32 s30, s16;
	[sflag:s5] =	ssyncadd.s32 $0xFFFFF800  }
.Ltmp3:
0x60: {  	s20 =	sshrl.u32 s11, $0x3;
	[bflag:$0x0] =	sbarrier.arrive $0xFFFF;
	(pc) =	sbr.rel @p0 .LBB2_1-.Ltmp3, $4  }
0x61: {  	[hbm:s15], [sflag:s31] =	dma.local [spmem:s20], $0x500  }
0x62: {  	_ =	swait.ge [sflag:s17], $0x500  }
0x63: {  	[sflag:s17] =	ssyncset.done $0x0  }
0x64: {  	[sflag:s17] =	ssyncadd.s32 $0xFFFFFB00  }
0x65: {  	_ =	sfence.sel $0x180000  }
0x66: {  	[bflag:$0x0] =	sbarrier.arrive $0xFFFF  }
0x67: {  	_ =	strace $0x9000004D  }
0x68: {  	s0 =	stileid.u32;
	[bflag:$0x2] =	sbarrier.arrive $0xFFFF  }
0x69: {  	p0 =	sne.s32 s0, $0x0;
	s0 =	rddreg [dreg:$0x3]  }
0x6a: {  	s0 =	sadd.s32 @!p0 $0x100000, s0  }
0x6b: {  	[sflag:s0] =	ssyncadd.tile.s32 @!p0 $0x1;
	_ =	shalt  }
.Lfunc_end2:
_tile_overlayer_lowered:
.L_overlay_start_2:
0x6c: {  	(tag) =	ssettag $0x2  }
0x6d: {  	s0 =	rddreg [dreg:$0x0];
	s2 =	stileid.u32  }
0x6e: {  	s1 =	rddreg [dreg:$0x1];
	p0 =	sne.s32 s2, $0x0  }
0x6f: {  	s3 =	rddreg [dreg:$0x2];
	[bflag:$0x3] =	sbarrier.arrive $0xFFFF;
	s2 =	simm.s32 @!p0 $0x1C05  }
0x70: {  	[timem:s3], [sflag:s2] =	dma.local @!p0 [hbm:s0], s1  }
0x71: {  	s0 =	simm.s32 @!p0 $0x5  }
0x72: {  	_ =	swait.ge @!p0 [sflag:s0], s1  }
0x73: {  	s1 =	ssub.s32 @!p0 $0x0, s1;
	[sflag:s0] =	ssyncset.done @!p0 $0x0  }
0x74: {  	[sflag:s0] =	ssyncadd.s32 @!p0 s1  }
0x75: {  	[bflag:$0x3] =	sbarrier.arrive $0xFFFF  }
0x76: {  	_ =	shalt  }

// kernel: kernel.8.cloned.1.call-start
scs
__scs_entry_jumppad:
0x0: {  	(pc) =	sbr.rel $0x88, $3  }
0x1: {  	(tag) =	ssettag $0x0;
	lr =	simm.s32 $0x1  }
0x2: {  	[smem:$0x3F9B] =	sst lr;
	_ =	strace $0xD0000000  }
0x3: {  	_ = 	snop  }
0x4: {  	_ = 	snop  }
0x5: {  	_ = 	snop  }
0x6: {  	_ = 	snop  }
0x7: {  	_ = 	snop  }
__scs_overlays_trampoline_lowered:
0x8: {  	[smem:$0x3FAA] =	sst s0  }
0x9: {  	[smem:$0x3FAB] =	sst s1  }
0xa: {  	[smem:$0x3FAC] =	sst s2  }
0xb: {  	[smem:$0x3FAD] =	sst s3  }
0xc: {  	[smem:$0x3FAE] =	sst s4  }
0xd: {  	[smem:$0x3FAF] =	sst s5  }
0xe: {  	[smem:$0x3FB0] =	sst s6  }
0xf: {  	[smem:$0x3FB1] =	sst s7  }
0x10: {  	[smem:$0x3FB2] =	sst s8  }
0x11: {  	[smem:$0x3FB3] =	sst s9;
	s0 =	simm.s32 @!p0 $0x0  }
0x12: {  	s1 =	sld [smem:$0x3F99];
	s0 =	simm.s32 @p0 $0x1  }
0x13: {  	[smem:$0x3FB4] =	sst s0;
	s0 =	simm.s32 @!p1 $0x0  }
0x14: {  	s2 =	sld [smem:$0x3F98];
	s0 =	simm.s32 @p1 $0x1  }
0x15: {  	[smem:$0x3FB5] =	sst s0;
	s0 =	simm.s32 @!p2 $0x0  }
0x16: {  	s3 =	sld [smem:$0x3FDB];
	s0 =	simm.s32 @p2 $0x1  }
0x17: {  	s4 =	simm.s32 $0x1BF5;
	[smem:$0x3FB7] =	sst s0  }
0x18: {  	s0 =	sld [smem:$0x3F9A];
	_ =	swait.ge [sflag:s4], $0x0  }
0x19: {  	s7 =	sld [smem:$0x3F9B]  }
0x1a: {  	s8 =	sadd.s32 $0xFFFFE003, lr  }
0x1b: {  	s9 =	sadd.s32 $0xFFFFFEF7, lr;
	s5 =	simm.s32 $0xFFFFFFFF;
	p2 =	slt.u32 s8, $0xFFFFF086  }
0x1c: {  	p1 =	slt.u32 s9, $0xF7A;
	s5 =	simm.s32 @!p2 $0x0  }
0x1d: {  	s5 =	simm.s32 @p1 $0x1;
	p0 =	seq.s32 s7, s2  }
0x1e: {  	s7 =	smul.u32 @!p0 $0xF7A, s2;
	p2 =	seq.s32 @!p0 s5, $0x0  }
0x1f: {  	s9 =	smul.u32 $0xF7A, s1;
	s8 =	simm.s32 @!p0 $0x1BF5;
	p2 =	por !p2, p0  }
0x20: {  	[sflag:s8] =	ssyncset.s32 @!p0 $0xFFFFF086;
	s6 =	sadd.s32 @!p0 s3, s7;
	s7 =	simm.s32 @!p0 $0x108  }
0x21: {  	s3 =	sadd.s32 s3, s9;
	s6 =	sadd.s32 @!p0 $0x88, s6;
	s7 =	simm.s32 @p2 $0x1082  }
0x22: {  	[simem:s7], [sflag:s8] =	dma.local @!p0 [hbm:s6], $0xF7A  }
0x23: {  	s9 =	sor.u32 $0xD0000000, s2;
	s6 =	simm.s32 $0x108;
	_ =	swait.ge @!p0 [sflag:s8], $0x0  }
0x24: {  	s3 =	sadd.s32 $0x88, s3;
	s6 =	simm.s32 @!p1 $0x1082;
	[sflag:s4] =	ssyncset.s32 $0xFFFFF086  }
0x25: {  	[simem:s6], [sflag:s4] =	dma.local [hbm:s3], $0xF7A  }
0x26: {  	[smem:$0x3F9B] =	sst s1;
	(tag) =	ssettag s2;
	_ =	strace s9  }
0x27: {  	s1 =	sld [smem:$0x3FAB]  }
0x28: {  	s2 =	sld [smem:$0x3FAC]  }
0x29: {  	s4 =	sld [smem:$0x3FAE]  }
0x2a: {  	p0 =	seq.s32 s5, $0x0;
	s5 =	sld [smem:$0x3FAF]  }
0x2b: {  	s6 =	sld [smem:$0x3FB0]  }
0x2c: {  	s7 =	sld [smem:$0x3FB1]  }
0x2d: {  	s3 =	simm.s32 $0x108;
	s8 =	sld [smem:$0x3FB2]  }
0x2e: {  	s3 =	simm.s32 @!p0 $0x1082;
	s9 =	sld [smem:$0x3FB3]  }
0x2f: {  	lr =	sadd.s32 s0, s3;
	s0 =	sld [smem:$0x3FAA]  }
0x30: {  	s3 =	sld [smem:$0x3FAD]  }
0x31: {  	[smem:$0x3FB6] =	sst s10  }
0x32: {  	s10 =	sld [smem:$0x3FB4];
	_ =	sdelay $0x3  }
0x33: {  	p0 =	seq.s32 s10, $0x1;
	s10 =	sld [smem:$0x3FB6];
	_ =	sdelay $0x3  }
0x34: {  	[smem:$0x3FB6] =	sst s10  }
0x35: {  	s10 =	sld [smem:$0x3FB5];
	_ =	sdelay $0x3  }
0x36: {  	p1 =	seq.s32 s10, $0x1;
	s10 =	sld [smem:$0x3FB6];
	_ =	sdelay $0x3  }
0x37: {  	[smem:$0x3FB6] =	sst s10  }
0x38: {  	s10 =	sld [smem:$0x3FB7]  }
0x39: {  	_ = 	snop;
	(pc) =	sbr.ind lr, $3  }
0x3a: {  	_ = 	snop  }
0x3b: {  	_ = 	snop  }
0x3c: {  	p2 =	seq.s32 s10, $0x1;
	s10 =	sld [smem:$0x3FB6]  }
0x3d: {  	_ =	shalt  }
0x3e: {  	_ =	shalt  }
0x3f: {  	_ =	shalt  }
0x40: {  	_ =	shalt  }
0x41: {  	_ =	shalt  }
0x42: {  	_ =	shalt  }
0x43: {  	_ =	shalt  }
0x44: {  	_ =	shalt  }
0x45: {  	_ =	shalt  }
0x46: {  	_ =	shalt  }
0x47: {  	_ =	shalt  }
0x48: {  	_ =	shalt  }
0x49: {  	_ =	shalt  }
0x4a: {  	_ =	shalt  }
0x4b: {  	_ =	shalt  }
0x4c: {  	_ =	shalt  }
0x4d: {  	_ =	shalt  }
0x4e: {  	_ =	shalt  }
0x4f: {  	_ =	shalt  }
0x50: {  	_ =	shalt  }
0x51: {  	_ =	shalt  }
0x52: {  	_ =	shalt  }
0x53: {  	_ =	shalt  }
0x54: {  	_ =	shalt  }
0x55: {  	_ =	shalt  }
0x56: {  	_ =	shalt  }
0x57: {  	_ =	shalt  }
0x58: {  	_ =	shalt  }
0x59: {  	_ =	shalt  }
0x5a: {  	_ =	shalt  }
0x5b: {  	_ =	shalt  }
0x5c: {  	_ =	shalt  }
0x5d: {  	_ =	shalt  }
0x5e: {  	_ =	shalt  }
0x5f: {  	_ =	shalt  }
0x60: {  	_ =	shalt  }
0x61: {  	_ =	shalt  }
0x62: {  	_ =	shalt  }
0x63: {  	_ =	shalt  }
0x64: {  	_ =	shalt  }
0x65: {  	_ =	shalt  }
0x66: {  	_ =	shalt  }
0x67: {  	_ =	shalt  }
0x68: {  	_ =	shalt  }
0x69: {  	_ =	shalt  }
0x6a: {  	_ =	shalt  }
0x6b: {  	_ =	shalt  }
0x6c: {  	_ =	shalt  }
0x6d: {  	_ =	shalt  }
0x6e: {  	_ =	shalt  }
0x6f: {  	_ =	shalt  }
0x70: {  	_ =	shalt  }
0x71: {  	_ =	shalt  }
0x72: {  	_ =	shalt  }
0x73: {  	_ =	shalt  }
0x74: {  	_ =	shalt  }
0x75: {  	_ =	shalt  }
0x76: {  	_ =	shalt  }
0x77: {  	_ =	shalt  }
0x78: {  	_ =	shalt  }
0x79: {  	_ =	shalt  }
0x7a: {  	_ =	shalt  }
0x7b: {  	_ =	shalt  }
0x7c: {  	_ =	shalt  }
0x7d: {  	_ =	shalt  }
0x7e: {  	_ =	shalt  }
0x7f: {  	_ =	shalt  }
0x80: {  	_ =	shalt  }
0x81: {  	_ =	shalt  }
0x82: {  	_ =	shalt  }
0x83: {  	_ =	shalt  }
0x84: {  	_ =	shalt  }
0x85: {  	_ =	shalt  }
0x86: {  	_ =	shalt  }
0x87: {  	_ =	shalt  }
.Lfunc_end0:
.L_simem_size_0:
called_computation_lowered:
.L_overlay_start_0:
0x88: {  	s2 =	sld [smem:$0x3FD9]  }
0x89: {  	s3 =	sld [smem:$0x3FFE];
	_ =	sdelay $0x1  }
0x8a: {  	s1 =	srdreg.scid  }
0x8b: {  	s0 =	sand.u32 $0x1, s1  }
0x8c: {  	s16 =	sshll.u32 s0, $0xA;
	s2 =	sadd.s32 s3, s2  }
0x8d: {  	s2 =	sadd.s32 s2, s16  }
0x8e: {  	[smem:$0x3FC2] =	sst s2  }
0x8f: {  	_ = 	snop  }
0x90: {  	(tm) =	ssettm $0x1  }
0x91: {  	s17 =	sld [smem:$0x3FFB];
	_ =	sdelay $0x3  }
0x92: {  	_ =	strace s17  }
0x93: {  	s2 =	sld [smem:$0x3FFC];
	_ =	sdelay $0x3  }
0x94: {  	_ =	strace s2  }
0x95: {  	s2 =	sld [smem:$0x3FFD];
	_ =	sdelay $0x3  }
0x96: {  	_ =	strace s2  }
0x97: {  	_ =	strace $0x8FFFFFFF  }
0x98: {  	s18 =	sld [smem:$0x3FDB];
	_ =	sdelay $0x1  }
0x99: {  	s19 =	simm.s32 $_scs_section_size  }
0x9a: {  	s4 =	simm.s32 $_size__tile_overlayer_lowered;
	s5 =	simm.s32 $_tile_overlayer_lowered  }
0x9b: {  	s22 =	simm.s32 $0x1BFF;
	s21 =	sshll.u32 s5, $0x1;
	s2 =	sadd.s32 s19, s18  }
0x9c: {  	s6 =	simm.s32 $0x0;
	s20 =	sshll.u32 s4, $0x1;
	s4 =	sadd.s32 s21, s2  }
0x9d: {  	[timem:s6], [sflag:s22] =	dma.local [hbm:s4], s20  }
0x9e: {  	_ =	swait.ge [sflag:s22], s20  }
0x9f: {  	s3 =	ssub.s32 $0x0, s20;
	[sflag:s22] =	ssyncset.done $0x0  }
0xa0: {  	[sflag:s22] =	ssyncadd.s32 s3;
	_ =	sdelay $0x1  }
0xa1: {  	s23 =	simm.s32 $0x1B8B  }
0xa2: {  	_ =	swait.ge [sflag:s23], $0x1  }
0xa3: {  	[sflag:s23] =	ssyncset.done $0x0  }
0xa4: {  	s25 =	simm.s32 $0x1B8E;
	s24 =	sld [smem:$0x3FFE];
	[sflag:s23] =	ssyncadd.s32 $0xFFFFFFFF  }
0xa5: {  	s26 =	simm.s32 $execute0_lowered;
	[smem:$0x3FD2] =	sst s25  }
0xa6: {  	s4 =	sshll.u32 s26, $0x1;
	_ =	strace $0x80000046;
	[dreg:$0x1] =	wrdreg $0xFFFFFFFF  }
0xa7: {  	s28 =	simm.s32 $_size_execute0_lowered;
	s2 =	sadd.s32 s2, s4;
	[dreg:$0x0] =	wrdreg $0x0  }
0xa8: {  	s4 =	sshll.u32 s28, $0x1;
	[dreg:$0x2] =	wrdreg s2  }
0xa9: {  	[dreg:$0x3] =	wrdreg s4  }
0xaa: {  	[dreg:$0x4] =	wrdreg $0xC0  }
0xab: {  	_ =	task [dreg:s6], $0x5FFFF  }
0xac: {  	[dreg:$0x1] =	wrdreg $0xFFFFFFFF  }
0xad: {  	[dreg:$0x0] =	wrdreg $0x60  }
0xae: {  	[dreg:$0x2] =	wrdreg s24  }
0xaf: {  	[dreg:$0x3] =	wrdreg $0x2B000  }
0xb0: {  	[dreg:$0x4] =	wrdreg $0x9  }
0xb1: {  	_ =	task.clear_ibuf [dreg:s6], $0x5FFFF;
	_ =	strace $0x90000046  }
0xb2: {  	s29 =	simm.s32 $0x9;
	_ =	strace $0x80000048  }
0xb3: {  	_ =	swait.ge [sflag:s29], $0x1  }
0xb4: {  	[sflag:s29] =	ssyncadd.s32 $0xFFFFFFFF  }
0xb5: {  	_ =	strace $0x90000048  }
0xb6: {  	_ =	sfence  }
0xb7: {  	s30 =	sld [smem:$0x0];
	_ =	sdelay $0x2  }
0xb8: {  	s31 =	sshll.u32 s1, $0xD;
	s1 =	sshrl.u32 s1, $0x2  }
0xb9: {  	s3 =	sand.u32 $0x4000, s31;
	s1 =	sadd.s32 s1, s30  }
0xba: {  	s0 =	sor.u32 s3, s0;
	s1 =	sshll.u32 s1, $0x11  }
0xbb: {  	s0 =	sor.u32 s1, s0  }
0xbc: {  	s0 =	sadd.s32 $0x8F2B, s0  }
0xbd: {  	[sflag:s0] =	ssyncadd.remote.s32 $0x1  }
0xbe: {  	_ =	sfence.sel $0xFFFF  }
0xbf: {  	[dreg:$0x0] =	wrdreg $0xFFFFFFFF;
	(pc) =	sbr.abs _section_cstart, $3  }
0xc0: {  	[dreg:$0x1] =	wrdreg $0xFFFFFFFF  }
0xc1: {  	_ =	task.clear_ibuf [dreg:s6], $0x2FFFF;
	_ =	strace $0x9FFFFFFF  }
0xc2: {  	(tm) =	ssettm $0x7FFFFFFF  }
0xc3: {  	_ =	shalt  }
tec
execute0_lowered:
.L_overlay_start_1:
0x0: {  	(tag) =	ssettag $0x1  }
0x1: {  	s4 =	rddreg [dreg:$0x0]  }
0x2: {  	s2 =	rddreg [dreg:$0x1];
	s3 =	srdreg.scid  }
0x3: {  	s0 =	rddreg [dreg:$0x2];
	s1 =	stileid.u32;
	s13 =	simm.s32 $0x80  }
0x4: {  	s14 =	simm.s32 $0x2800;
	s17 =	simm.s32 $0x0;
	s5 =	sand.u32 $0x1, s3  }
0x5: {  	s3 =	simm.s32 $0x0;
	s7 =	smul.u32 $0x280, s1;
	s11 =	sadd.s32 $0x1800, s4  }
0x6: {  	s15 =	sshll.u32 s1, $0x6;
	s6 =	sshll.u32 s5, $0x4;
	[smem:$0x7FF] =	sst s3  }
0x7: {  	s8 =	smul.u32 $0x2800, s5;
	s5 =	ssub.s32 $0x2, s5;
	s15 =	sor.u32 $0x1C01, s15  }
0x8: {  	s6 =	sor.u32 s1, s6;
	_ =	strace $0x80000047;
	s28 =	sshrl.u32 s5, $0x1  }
0x9: {  	s9 =	smul.u32 $0x4E, s6;
	s10 =	smin.u32 s6, $0x2;
	s8 =	sadd.s32 s7, s8  }
0xa: {  	s12 =	ssub.s32 s5, s28;
	p0 =	slt.u32 s6, $0x2;
	s7 =	sadd.s32 s7, s2  }
0xb: {  	s10 =	sshll.u32 s10, $0x1;
	s8 =	sshrl.u32 s8, $0x3;
	s16 =	sshrl.u32 s7, $0x3  }
0xc: {  	s9 =	sadd.s32 s9, s10;
	s8 =	sadd.s32 s8, s4;
	s4 =	simm.s32 $0x50  }
0xd: {  	s10 =	smin.u32 s9, $0x974;
	s30 =	sshll.u32 s9, $0x4;
	s4 =	simm.s32 @!p0 $0x4E  }
0xe: {  	s8 =	sadd.s32 $0x15400, s8;
	s9 =	smax.u32 s12, $0x1;
	s29 =	sshll.u32 s10, $0x4  }
0xf: {  	s12 =	simm.s32 $0x2880;
	s5 =	sadd.s32 s11, s30;
	s31 =	sadd.s32 s29, s11  }
0x10: {  	v0 =	vimm.f32 $1.000000000e+00;
	v1 =	vimm.f32 $0.0e+00;
	s10 =	simm.s32 $0x1;
	s11 =	simm.s32 $0x2700;
	s6 =	sadd.s32 $0x4E0, s31  }
.LBB2_1:
0x11: {  	[tilespmem:s3], [sflag:$0x1] =	stream.linear.gather [hbm4b:s5+s3], $0x2700, $0x38;
	[tilespmem:$0x2D80] =	vst v63  }
0x12: {  	_ =	swait.ge [sflag:s10], $0x2700  }
0x13: {  	[sflag:s10] =	ssyncset.done $0x0  }
0x14: {  	[sflag:s10] =	ssyncadd.s32 $0xFFFFD900  }
0x15: {  	[tilespmem:s11], [sflag:$0x1] =	stream.linear.gather [hbm4b:s6+s3], $0x100, $0x38;
	[tilespmem:$0x2D80] =	vst v63  }
0x16: {  	_ =	swait.ge [sflag:s10], $0x100  }
0x17: {  	[sflag:s10] =	ssyncset.done $0x0  }
0x18: {  	[sflag:s10] =	ssyncadd.s32 $0xFFFFFF00  }
0x19: {  	[tilespmem:$0x2800] =	vst v0  }
0x1a: {  	[tilespmem:$0x2810] =	vst v0  }
0x1b: {  	[tilespmem:$0x2820] =	vst v0  }
0x1c: {  	[tilespmem:$0x2830] =	vst v0  }
0x1d: {  	[tilespmem:$0x2840] =	vst v0  }
0x1e: {  	[tilespmem:$0x2850] =	vst v0  }
0x1f: {  	[tilespmem:$0x2860] =	vst v0  }
0x20: {  	[tilespmem:$0x2870] =	vst v0  }
0x21: {  	[tilespmem:$0x2880] =	vst v1  }
0x22: {  	[tilespmem:$0x2890] =	vst v1  }
0x23: {  	[tilespmem:$0x28A0] =	vst v1  }
0x24: {  	[tilespmem:$0x28B0] =	vst v1  }
0x25: {  	[tilespmem:$0x28C0] =	vst v1  }
0x26: {  	[tilespmem:$0x28D0] =	vst v1  }
0x27: {  	[tilespmem:$0x28E0] =	vst v1  }
0x28: {  	[tilespmem:$0x28F0] =	vst v1  }
0x29: {  	[tilespmem:$0x2900] =	vst v1  }
0x2a: {  	[tilespmem:$0x2910] =	vst v1  }
0x2b: {  	[tilespmem:$0x2920] =	vst v1  }
0x2c: {  	[tilespmem:$0x2930] =	vst v1  }
0x2d: {  	[tilespmem:$0x2940] =	vst v1  }
0x2e: {  	[tilespmem:$0x2950] =	vst v1  }
0x2f: {  	[tilespmem:$0x2960] =	vst v1  }
0x30: {  	[tilespmem:$0x2970] =	vst v1  }
0x31: {  	[tilespmem:$0x2980] =	vst v1  }
0x32: {  	[tilespmem:$0x2990] =	vst v1  }
0x33: {  	[tilespmem:$0x29A0] =	vst v1  }
0x34: {  	[tilespmem:$0x29B0] =	vst v1  }
0x35: {  	[tilespmem:$0x29C0] =	vst v1  }
0x36: {  	[tilespmem:$0x29D0] =	vst v1  }
0x37: {  	[tilespmem:$0x29E0] =	vst v1  }
0x38: {  	[tilespmem:$0x29F0] =	vst v1  }
0x39: {  	[tilespmem:$0x2A00] =	vst v1  }
0x3a: {  	[tilespmem:$0x2A10] =	vst v1  }
0x3b: {  	[tilespmem:$0x2A20] =	vst v1  }
0x3c: {  	[tilespmem:$0x2A30] =	vst v1  }
0x3d: {  	[tilespmem:$0x2A40] =	vst v1  }
0x3e: {  	[tilespmem:$0x2A50] =	vst v1  }
0x3f: {  	[tilespmem:$0x2A60] =	vst v1  }
0x40: {  	[tilespmem:$0x2A70] =	vst v1  }
0x41: {  	[tilespmem:$0x2A80] =	vst v1  }
0x42: {  	[tilespmem:$0x2A90] =	vst v1  }
0x43: {  	[tilespmem:$0x2AA0] =	vst v1  }
0x44: {  	[tilespmem:$0x2AB0] =	vst v1  }
0x45: {  	[tilespmem:$0x2AC0] =	vst v1  }
0x46: {  	[tilespmem:$0x2AD0] =	vst v1  }
0x47: {  	[tilespmem:$0x2AE0] =	vst v1  }
0x48: {  	[tilespmem:$0x2AF0] =	vst v1  }
0x49: {  	[spmem:s7] =	stream.linear.scatter [tilespmem:s12], [sflag:$0x1], $0x280, $0x38;
	[tilespmem:$0x2D80] =	vst v63  }
0x4a: {  	_ =	swait.ge [sflag:s10], $0x280  }
0x4b: {  	p0 =	sne.s32 s4, $0x1;
	[sflag:s10] =	ssyncset.done $0x0  }
.Ltmp0:
0x4c: {  	[sflag:s10] =	ssyncadd.s32 $0xFFFFFD80;
	(pc) =	sbr.rel @!p0 .LBB2_3-.Ltmp0, $4  }
0x4d: {  	[bflag:$0x0] =	sbarrier.arrive $0xFFFF  }
0x4e: {  	[spmem:s2] =	stream.indirect.scatter.add.f32 [tilespmem:s14], [sflag:$0x1], $0x1, s3, s13, $0xb8;
	[tilespmem:$0x2D80] =	vst v63  }
0x4f: {  	_ =	swait.ge [sflag:s10], $0x80  }
0x50: {  	s18 =	sadd.s32 $0xFFFFFFFF, s4;
	s19 =	simm.s32 $0x0;
	[sflag:s10] =	ssyncset.done $0x0  }
.LBB2_2:
0x51: {  	p0 =	sne.s32 s18, $0x1;
	[sflag:s10] =	ssyncadd.s32 $0xFFFFFF80;
	s19 =	sadd.s32 $0x80, s19  }
.Ltmp1:
0x52: {  	s18 =	sadd.s32 $0xFFFFFFFF, s18;
	(pc) =	sbr.rel @p0 .LBB2_2-.Ltmp1, $4  }
0x53: {  	_ = 	snop  }
0x54: {  	[spmem:s2] =	stream.indirect.scatter.add.f32 [tilespmem:s14], [sflag:$0x1], $0x1, s19, s13, $0xb8;
	[tilespmem:$0x2D80] =	vst v63  }
0x55: {  	_ =	swait.ge [sflag:s10], $0x80  }
0x56: {  	[sflag:s10] =	ssyncset.done $0x0  }
.LBB2_3:
0x57: {  	s17 =	sadd.s32 $0x1, s17  }
0x58: {  	[sflag:s10] =	ssyncadd.s32 $0xFFFFFF80;
	p0 =	sne.s32 s17, s9  }
.Ltmp2:
0x59: {  	[bflag:$0x0] =	sbarrier.arrive $0xFFFF;
	(pc) =	sbr.rel @p0 .LBB2_1-.Ltmp2, $4  }
0x5a: {  	[hbm:s8], [sflag:s15] =	dma.local [spmem:s16], $0x50  }
0x5b: {  	_ =	swait.ge [sflag:s10], $0x50  }
0x5c: {  	[sflag:s10] =	ssyncset.done $0x0  }
0x5d: {  	[sflag:s10] =	ssyncadd.s32 $0xFFFFFFB0  }
0x5e: {  	_ =	sfence.sel $0x180000  }
0x5f: {  	[bflag:$0x0] =	sbarrier.arrive $0xFFFF  }
0x60: {  	p0 =	sne.s32 s1, $0x0;
	_ =	strace $0x90000047  }
0x61: {  	s0 =	sadd.s32 @!p0 $0x100000, s0;
	[bflag:$0x2] =	sbarrier.arrive $0xFFFF  }
0x62: {  	[sflag:s0] =	ssyncadd.tile.s32 @!p0 $0x1;
	_ =	shalt  }
.Lfunc_end2:
_tile_overlayer_lowered:
.L_overlay_start_2:
0x63: {  	(tag) =	ssettag $0x2  }
0x64: {  	s0 =	rddreg [dreg:$0x0];
	s2 =	stileid.u32  }
0x65: {  	s1 =	rddreg [dreg:$0x1];
	p0 =	sne.s32 s2, $0x0  }
0x66: {  	s3 =	rddreg [dreg:$0x2];
	[bflag:$0x3] =	sbarrier.arrive $0xFFFF;
	s2 =	simm.s32 @!p0 $0x1C01  }
0x67: {  	[timem:s3], [sflag:s2] =	dma.local @!p0 [hbm:s0], s1  }
0x68: {  	s0 =	simm.s32 @!p0 $0x1  }
0x69: {  	_ =	swait.ge @!p0 [sflag:s0], s1  }
0x6a: {  	s1 =	ssub.s32 @!p0 $0x0, s1;
	[sflag:s0] =	ssyncset.done @!p0 $0x0  }
0x6b: {  	[sflag:s0] =	ssyncadd.s32 @!p0 s1  }
0x6c: {  	[bflag:$0x3] =	sbarrier.arrive $0xFFFF  }
0x6d: {  	_ =	shalt  }

</sc_bundles>
